<compile_context>
chip_gen: v7x
topology: tpu7x:2x2x1
jax: 0.10.2.dev20260603
libtpu: 0.0.44.dev20260713+nightly
codegen_flags: <defaults>
</compile_context>

<pallas_src>
import functools

import jax
import jax.numpy as jnp
from jax import lax
from jax.experimental import pallas as pl
from jax.experimental.pallas import tpu as pltpu
from jax.experimental.pallas import tpu_sc as plsc

BATCH = 16384
SEQ = 200
NVAL = 10
DIM = 5
NC = 2
NS = 16
NW = NC * NS
WCOLS = BATCH // NW
NSTRIP = SEQ // 8
TSIZE = NVAL * DIM
TBL = 128

_mesh = plsc.VectorSubcoreMesh(core_axis_name="c", subcore_axis_name="s")


@functools.partial(
    pl.kernel,
    out_type=jax.ShapeDtypeStruct((DIM, SEQ, BATCH), jnp.float32),
    mesh=_mesh,
    compiler_params=pltpu.CompilerParams(needs_layout_passes=False),
    scratch_types=[
        pltpu.VMEM((TBL,), jnp.float32),
        pltpu.VMEM((64,), jnp.float32),
        pltpu.VMEM((16,), jnp.float32),
        pltpu.VMEM((16,), jnp.int32),
        pltpu.VMEM((2, 8, WCOLS), jnp.int32),
        pltpu.VMEM((2, DIM, 8, WCOLS), jnp.float32),
        pltpu.SemaphoreType.DMA((2,)),
        pltpu.SemaphoreType.DMA((2,)),
    ],
)
def _sc_lookup(xt_hbm, w_hbm, out_hbm, tbl_v, wtmp, scale_v, x0tmp, xtile, otile,
               sem_in, sem_out):
    wid = lax.axis_index("s") * NC + lax.axis_index("c")
    lanes = lax.iota(jnp.int32, 16)

    pltpu.sync_copy(w_hbm, wtmp)
    pltpu.sync_copy(xt_hbm.at[0, pl.ds(0, 16)], x0tmp)

    x16 = x0tmp[...]
    x00 = jnp.sum(jnp.where(lanes == 0, x16, 0))
    waddr = jnp.minimum(x00 * DIM + lanes, TSIZE - 1)
    row = plsc.load_gather(wtmp, [waddr])
    valid = lanes < DIM
    rowm = jnp.where(valid, row, jnp.float32(-1e30))
    m = jnp.max(rowm)
    e = jnp.where(valid, jnp.exp(rowm - m), jnp.float32(0.0))
    scale_v[...] = e / jnp.sum(e)

    for k in range(TBL // 16):
        j = lanes + k * 16
        jm = jnp.where(j < TSIZE, j, j - TSIZE)
        jm = jnp.minimum(jm, TSIZE - 1)
        wv = plsc.load_gather(wtmp, [jm])
        sv = plsc.load_gather(scale_v, [jm % DIM])
        tbl_v[pl.ds(k * 16, 16)] = jnp.where(j < TSIZE, wv, wv * sv)

    luts = []
    for c in range(DIM):
        laddr = jnp.minimum(lanes * DIM + c, TSIZE - 1)
        luts.append(plsc.load_gather(wtmp, [laddr]))

    col0 = wid * WCOLS

    def in_copy(t, b):
        return pltpu.make_async_copy(
            xt_hbm.at[pl.ds(t * 8, 8), pl.ds(col0, WCOLS)],
            xtile.at[b], sem_in.at[b])

    def out_copy(t, b):
        return pltpu.make_async_copy(
            otile.at[b], out_hbm.at[:, pl.ds(t * 8, 8), pl.ds(col0, WCOLS)],
            sem_out.at[b])

    in_copy(0, 0).start()

    def strip_body(t, carry):
        b = t & 1

        @pl.when(t + 1 < NSTRIP)
        def _prefetch():
            in_copy(t + 1, 1 - b).start()

        in_copy(t, b).wait()

        @pl.when(t >= 2)
        def _drain_prev():
            out_copy(t - 2, b).wait()

        row0_extra = jnp.where(t == 0, TSIZE, 0)

        @plsc.parallel_loop(0, WCOLS // 16, unroll=4)
        def vec_body(i):
            o = i * 16
            for r in range(8):
                idx = xtile[b, r, pl.ds(o, 16)]
                if r == 0:
                    addr = idx * DIM + row0_extra
                    for c in range(DIM):
                        otile[b, c, r, pl.ds(o, 16)] = plsc.load_gather(
                            tbl_v, [addr + c])
                else:
                    for c in range(DIM):
                        otile[b, c, r, pl.ds(o, 16)] = luts[c].at[idx].get(
                            mode="promise_in_bounds")

        out_copy(t, b).start()
        return carry

    lax.fori_loop(0, NSTRIP, strip_body, 0)
    out_copy(NSTRIP - 2, 1).wait()
    out_copy(NSTRIP - 1, 0).wait()


def kernel(x, W):
    xt = x.T
    wf = jnp.pad(W.reshape(-1), (0, 64 - TSIZE))
    out = _sc_lookup(xt, wf)
    return out.transpose(2, 1, 0)

# --- scband reference (transcript-rebuilt; emitter-appended) ---
"""Pipeline reference for scband-test-error-59545426591958 (READ-ONLY COPY).

The authoritative reference and input builder live on the scoring server;
editing this copy changes nothing except your own understanding.
"""

import jax, jax.numpy as jnp
import numpy as np


def setup_inputs(seed: int = 0) -> dict:
    key = jax.random.key(seed)
    k1, k2 = jax.random.split(key)
    x = jax.random.randint(k1, (16384, 200), 0, 10, dtype=jnp.int32)
    W = jax.random.normal(k2, (10, 5), dtype=jnp.float32)
    return {"x": x, "W": W}


def reference(x, W):
    # h = Embedding(10, 5)(x)
    h = jnp.take(W, x, axis=0)  # [B, L, 5]
    # attention = Softmax(dim=-1)(h), computed once from the original h
    attention = jax.nn.softmax(h, axis=-1)
    scale = attention[0, 0]  # [5], constant across the loop in the torch code
    # for batch_i in range(B): h[batch_i][0] = attention[0][0] * h[batch_i][0]
    # Each h[batch_i][0] is read before it is written (single write per slot),
    # so this is an exact functional equivalent (scatter-overwrite):
    h = h.at[:, 0, :].set(scale * h[:, 0, :])
    return h

if __name__ == "__main__":
    import jax
    _d = setup_inputs()
    print(jax.jit(kernel)(*tuple(_d.values())))

</pallas_src>

<mosaic_0001>
#map = affine_map<(d0, d1) -> (0, 0)>
#map1 = affine_map<(d0, d1) -> (0)>
#map2 = affine_map<(d0, d1) -> (0, 0, 0)>
module attributes {stable_mosaic.version = 14 : i64} {
  func.func @_sc_lookup(%arg0: i32, %arg1: i32, %arg2: memref<200x16384xi32, #tpu.memory_space<hbm>>, %arg3: memref<64xf32, #tpu.memory_space<hbm>>, %arg4: memref<5x200x16384xf32, #tpu.memory_space<hbm>>, %arg5: memref<128xf32, #tpu.memory_space<vmem>>, %arg6: memref<64xf32, #tpu.memory_space<vmem>>, %arg7: memref<16xf32, #tpu.memory_space<vmem>>, %arg8: memref<16xi32, #tpu.memory_space<vmem>>, %arg9: memref<2x8x512xi32, #tpu.memory_space<vmem>>, %arg10: memref<2x5x8x512xf32, #tpu.memory_space<vmem>>, %arg11: memref<2x!tpu.dma_semaphore, #tpu.memory_space<semaphore_mem>>, %arg12: memref<2x!tpu.dma_semaphore, #tpu.memory_space<semaphore_mem>>) attributes {dimension_semantics = [#tpu.dimension_semantics<core_parallel>, #tpu.dimension_semantics<subcore_parallel>], iteration_bounds = array<i64: 2, 16>, scalar_prefetch = 0 : i64, scratch_operands = 8 : i64, tpu.core_type = #tpu.core_type<sc_vector_subcore>, window_params = [{transform_indices = #map}, {transform_indices = #map1}, {transform_indices = #map2}]} {
    %mul3A = arith.constant 2 : i32
    %mul3A_0 = arith.muli %arg1, %mul3A : i32
    %add3A = arith.addi %mul3A_0, %arg0 : i32
    %iota3A = tpu.iota {dimensions = array<i32: 0>} : vector<16xi32>
    "tpu.region"() ({
      %run_scoped3A_491 = tpu.sem_alloc : memref<!tpu.dma_semaphore, #tpu.memory_space<semaphore_mem>>
      tpu.enqueue_dma source(%arg3 : memref<64xf32, #tpu.memory_space<hbm>>) target(%arg6 : memref<64xf32, #tpu.memory_space<vmem>>) target_semaphore(%run_scoped3A_491 : memref<!tpu.dma_semaphore, #tpu.memory_space<semaphore_mem>>)
      tpu.wait_dma2 semaphore(%run_scoped3A_491 : memref<!tpu.dma_semaphore, #tpu.memory_space<semaphore_mem>>) src(%arg3 : memref<64xf32, #tpu.memory_space<hbm>>) dst(%arg6 : memref<64xf32, #tpu.memory_space<vmem>>)
      tpu.yield
    }) : () -> ()
    %run_scoped3A = arith.constant 0 : i32
    "tpu.region"() ({
      %run_scoped3A_491 = tpu.sem_alloc : memref<!tpu.dma_semaphore, #tpu.memory_space<semaphore_mem>>
      %dma_start3A_492 = arith.constant 0 : i32
      %dma_start3A_493 = tpu.memref_slice %arg2[%run_scoped3A, %dma_start3A_492] : memref<200x16384xi32, #tpu.memory_space<hbm>> -> memref<1x16xi32, #tpu.memory_space<hbm>>
      %dma_start3A_494 = tpu.memref_squeeze %dma_start3A_493 : memref<1x16xi32, #tpu.memory_space<hbm>> -> memref<16xi32, #tpu.memory_space<hbm>>
      %dma_start3A_495 = arith.constant 0 : i32
      %dma_start3A_496 = tpu.memref_slice %arg2[%run_scoped3A, %dma_start3A_495] : memref<200x16384xi32, #tpu.memory_space<hbm>> -> memref<1x16xi32, #tpu.memory_space<hbm>>
      %dma_start3A_497 = tpu.memref_squeeze %dma_start3A_496 : memref<1x16xi32, #tpu.memory_space<hbm>> -> memref<16xi32, #tpu.memory_space<hbm>>
      tpu.enqueue_dma source(%dma_start3A_497 : memref<16xi32, #tpu.memory_space<hbm>>) target(%arg8 : memref<16xi32, #tpu.memory_space<vmem>>) target_semaphore(%run_scoped3A_491 : memref<!tpu.dma_semaphore, #tpu.memory_space<semaphore_mem>>)
      %dma_wait3A_498 = arith.constant 0 : i32
      %dma_wait3A_499 = tpu.memref_slice %arg2[%run_scoped3A, %dma_wait3A_498] : memref<200x16384xi32, #tpu.memory_space<hbm>> -> memref<1x16xi32, #tpu.memory_space<hbm>>
      %dma_wait3A_500 = tpu.memref_squeeze %dma_wait3A_499 : memref<1x16xi32, #tpu.memory_space<hbm>> -> memref<16xi32, #tpu.memory_space<hbm>>
      %dma_wait3A_501 = arith.constant 0 : i32
      %dma_wait3A_502 = tpu.memref_slice %arg2[%run_scoped3A, %dma_wait3A_501] : memref<200x16384xi32, #tpu.memory_space<hbm>> -> memref<1x16xi32, #tpu.memory_space<hbm>>
      %dma_wait3A_503 = tpu.memref_squeeze %dma_wait3A_502 : memref<1x16xi32, #tpu.memory_space<hbm>> -> memref<16xi32, #tpu.memory_space<hbm>>
      tpu.wait_dma2 semaphore(%run_scoped3A_491 : memref<!tpu.dma_semaphore, #tpu.memory_space<semaphore_mem>>) src(%dma_wait3A_503 : memref<16xi32, #tpu.memory_space<hbm>>) dst(%arg8 : memref<16xi32, #tpu.memory_space<vmem>>)
      tpu.yield
    }) : () -> ()
    %get3A = arith.constant 0 : index
    %get3A_1 = tpu.vector_load %arg8[%get3A] {strides = array<i32>} : memref<16xi32, #tpu.memory_space<vmem>>, vector<16xi32>,
    %eq3A = arith.constant 0 : i32
    %eq3A_2 = vector.broadcast %eq3A : i32 to vector<16xi32>
    %eq3A_3 = arith.cmpi eq, %iota3A, %eq3A_2 : vector<16xi32>
    %jit3A = arith.constant 0 : i32
    %broadcast_in_dim3A = vector.broadcast %jit3A : i32 to vector<16xi32>
    %select_n3A = arith.select %eq3A_3, %get3A_1, %broadcast_in_dim3A : vector<16xi1>, vector<16xi32>
    %reduce_sum3A = arith.constant true
    %reduce_sum3A_4 = vector.broadcast %reduce_sum3A : i1 to vector<16xi1>
    %reduce_sum3A_5 = tpu.scan <sum>, %select_n3A masked %reduce_sum3A_4 : vector<16xi32>, vector<16xi1> -> vector<16xi32>
    %reduce_sum3A_6 = vector.extract %reduce_sum3A_5[15] : i32 from vector<16xi32>
    %mul3A_7 = arith.constant 5 : i32
    %mul3A_8 = arith.muli %reduce_sum3A_6, %mul3A_7 : i32
    %add3A_9 = vector.broadcast %mul3A_8 : i32 to vector<16xi32>
    %add3A_10 = arith.addi %add3A_9, %iota3A : vector<16xi32>
    %min3A = arith.constant 49 : i32
    %min3A_11 = vector.broadcast %min3A : i32 to vector<16xi32>
    %min3A_12 = arith.minsi %add3A_10, %min3A_11 : vector<16xi32>
    %gather3A = tpu.vector_load_idx %arg6[%min3A_12] : memref<64xf32, #tpu.memory_space<vmem>>[vector<16xi32>], vector<16xf32>,
    %lt3A = arith.constant 5 : i32
    %lt3A_13 = vector.broadcast %lt3A : i32 to vector<16xi32>
    %lt3A_14 = arith.cmpi slt, %iota3A, %lt3A_13 : vector<16xi32>
    %jit3A_15 = arith.constant -1.000000e+30 : f32
    %broadcast_in_dim3A_16 = vector.broadcast %jit3A_15 : f32 to vector<16xf32>
    %select_n3A_17 = arith.select %lt3A_14, %gather3A, %broadcast_in_dim3A_16 : vector<16xi1>, vector<16xf32>
    %reduce_max3A = arith.constant true
    %reduce_max3A_18 = vector.broadcast %reduce_max3A : i1 to vector<16xi1>
    %reduce_max3A_19 = tpu.scan <max>, %select_n3A_17 masked %reduce_max3A_18 : vector<16xf32>, vector<16xi1> -> vector<16xf32>
    %reduce_max3A_20 = vector.extract %reduce_max3A_19[15] : f32 from vector<16xf32>
    %sub3A = vector.broadcast %reduce_max3A_20 : f32 to vector<16xf32>
    %sub3A_21 = arith.subf %select_n3A_17, %sub3A : vector<16xf32>
    %exp3A = math.exp %sub3A_21 : vector<16xf32>
    %jit3A_22 = arith.constant 0.000000e+00 : f32
    %broadcast_in_dim3A_23 = vector.broadcast %jit3A_22 : f32 to vector<16xf32>
    %select_n3A_24 = arith.select %lt3A_14, %exp3A, %broadcast_in_dim3A_23 : vector<16xi1>, vector<16xf32>
    %reduce_sum3A_25 = arith.constant true
    %reduce_sum3A_26 = vector.broadcast %reduce_sum3A_25 : i1 to vector<16xi1>
    %reduce_sum3A_27 = tpu.scan <sum>, %select_n3A_24 masked %reduce_sum3A_26 : vector<16xf32>, vector<16xi1> -> vector<16xf32>
    %reduce_sum3A_28 = vector.extract %reduce_sum3A_27[15] : f32 from vector<16xf32>
    %div3A = vector.broadcast %reduce_sum3A_28 : f32 to vector<16xf32>
    %div3A_29 = arith.divf %select_n3A_24, %div3A : vector<16xf32>
    %swap3A = arith.constant 0 : index
    %swap3A_30 = tpu.vector_load %arg7[%swap3A] {strides = array<i32>} : memref<16xf32, #tpu.memory_space<vmem>>, vector<16xf32>,
    tpu.vector_store %arg7[%swap3A], %div3A_29 {strides = array<i32>} : memref<16xf32, #tpu.memory_space<vmem>>, vector<16xf32>,
    %add3A_31 = arith.constant 0 : i32
    %add3A_32 = vector.broadcast %add3A_31 : i32 to vector<16xi32>
    %add3A_33 = arith.addi %iota3A, %add3A_32 : vector<16xi32>
    %lt3A_34 = arith.constant 50 : i32
    %lt3A_35 = vector.broadcast %lt3A_34 : i32 to vector<16xi32>
    %lt3A_36 = arith.cmpi slt, %add3A_33, %lt3A_35 : vector<16xi32>
    %sub3A_37 = arith.constant 50 : i32
    %sub3A_38 = vector.broadcast %sub3A_37 : i32 to vector<16xi32>
    %sub3A_39 = arith.subi %add3A_33, %sub3A_38 : vector<16xi32>
    %select_n3A_40 = arith.select %lt3A_36, %add3A_33, %sub3A_39 : vector<16xi1>, vector<16xi32>
    %min3A_41 = arith.constant 49 : i32
    %min3A_42 = vector.broadcast %min3A_41 : i32 to vector<16xi32>
    %min3A_43 = arith.minsi %select_n3A_40, %min3A_42 : vector<16xi32>
    %gather3A_44 = tpu.vector_load_idx %arg6[%min3A_43] : memref<64xf32, #tpu.memory_space<vmem>>[vector<16xi32>], vector<16xf32>,
    %jit3A_45 = arith.constant 5 : i32
    %eq3A_46 = arith.constant 0 : i32
    %eq3A_47 = arith.cmpi eq, %jit3A_45, %eq3A_46 : i32
    %jit3A_48 = arith.constant 1 : i32
    %select_n3A_49 = arith.select %eq3A_47, %jit3A_48, %jit3A_45 : i32
    %rem3A = vector.broadcast %select_n3A_49 : i32 to vector<16xi32>
    %rem3A_50 = arith.remsi %min3A_43, %rem3A : vector<16xi32>
    %ne3A = arith.constant 0 : i32
    %ne3A_51 = vector.broadcast %ne3A : i32 to vector<16xi32>
    %ne3A_52 = arith.cmpi ne, %rem3A_50, %ne3A_51 : vector<16xi32>
    %lt3A_53 = arith.constant 0 : i32
    %lt3A_54 = vector.broadcast %lt3A_53 : i32 to vector<16xi32>
    %lt3A_55 = arith.cmpi slt, %rem3A_50, %lt3A_54 : vector<16xi32>
    %lt3A_56 = arith.constant 0 : i32
    %lt3A_57 = arith.cmpi slt, %select_n3A_49, %lt3A_56 : i32
    %ne3A_58 = vector.broadcast %lt3A_57 : i1 to vector<16xi1>
    %ne3A_59 = vector.broadcast %ne3A_58 : vector<16xi1> to vector<16xi1>
    %ne3A_60 = arith.xori %lt3A_55, %ne3A_59 : vector<16xi1>
    %and3A = arith.andi %ne3A_60, %ne3A_52 : vector<16xi1>
    %add3A_61 = vector.broadcast %select_n3A_49 : i32 to vector<16xi32>
    %add3A_62 = arith.addi %rem3A_50, %add3A_61 : vector<16xi32>
    %select_n3A_63 = arith.select %and3A, %add3A_62, %rem3A_50 : vector<16xi1>, vector<16xi32>
    %gather3A_64 = tpu.vector_load_idx %arg7[%select_n3A_63] : memref<16xf32, #tpu.memory_space<vmem>>[vector<16xi32>], vector<16xf32>,
    %lt3A_65 = arith.constant 50 : i32
    %lt3A_66 = vector.broadcast %lt3A_65 : i32 to vector<16xi32>
    %lt3A_67 = arith.cmpi slt, %add3A_33, %lt3A_66 : vector<16xi32>
    %mul3A_68 = arith.mulf %gather3A_44, %gather3A_64 : vector<16xf32>
    %select_n3A_69 = arith.select %lt3A_67, %gather3A_44, %mul3A_68 : vector<16xi1>, vector<16xf32>
    %swap3A_70 = arith.constant 0 : index
    %swap3A_71 = tpu.vector_load %arg5[%swap3A_70] {strides = array<i32>} : memref<128xf32, #tpu.memory_space<vmem>>, vector<16xf32>,
    tpu.vector_store %arg5[%swap3A_70], %select_n3A_69 {strides = array<i32>} : memref<128xf32, #tpu.memory_space<vmem>>, vector<16xf32>,
    %add3A_72 = arith.constant 16 : i32
    %add3A_73 = vector.broadcast %add3A_72 : i32 to vector<16xi32>
    %add3A_74 = arith.addi %iota3A, %add3A_73 : vector<16xi32>
    %lt3A_75 = arith.constant 50 : i32
    %lt3A_76 = vector.broadcast %lt3A_75 : i32 to vector<16xi32>
    %lt3A_77 = arith.cmpi slt, %add3A_74, %lt3A_76 : vector<16xi32>
    %sub3A_78 = arith.constant 50 : i32
    %sub3A_79 = vector.broadcast %sub3A_78 : i32 to vector<16xi32>
    %sub3A_80 = arith.subi %add3A_74, %sub3A_79 : vector<16xi32>
    %select_n3A_81 = arith.select %lt3A_77, %add3A_74, %sub3A_80 : vector<16xi1>, vector<16xi32>
    %min3A_82 = arith.constant 49 : i32
    %min3A_83 = vector.broadcast %min3A_82 : i32 to vector<16xi32>
    %min3A_84 = arith.minsi %select_n3A_81, %min3A_83 : vector<16xi32>
    %gather3A_85 = tpu.vector_load_idx %arg6[%min3A_84] : memref<64xf32, #tpu.memory_space<vmem>>[vector<16xi32>], vector<16xf32>,
    %jit3A_86 = arith.constant 5 : i32
    %eq3A_87 = arith.constant 0 : i32
    %eq3A_88 = arith.cmpi eq, %jit3A_86, %eq3A_87 : i32
    %jit3A_89 = arith.constant 1 : i32
    %select_n3A_90 = arith.select %eq3A_88, %jit3A_89, %jit3A_86 : i32
    %rem3A_91 = vector.broadcast %select_n3A_90 : i32 to vector<16xi32>
    %rem3A_92 = arith.remsi %min3A_84, %rem3A_91 : vector<16xi32>
    %ne3A_93 = arith.constant 0 : i32
    %ne3A_94 = vector.broadcast %ne3A_93 : i32 to vector<16xi32>
    %ne3A_95 = arith.cmpi ne, %rem3A_92, %ne3A_94 : vector<16xi32>
    %lt3A_96 = arith.constant 0 : i32
    %lt3A_97 = vector.broadcast %lt3A_96 : i32 to vector<16xi32>
    %lt3A_98 = arith.cmpi slt, %rem3A_92, %lt3A_97 : vector<16xi32>
    %lt3A_99 = arith.constant 0 : i32
    %lt3A_100 = arith.cmpi slt, %select_n3A_90, %lt3A_99 : i32
    %ne3A_101 = vector.broadcast %lt3A_100 : i1 to vector<16xi1>
    %ne3A_102 = vector.broadcast %ne3A_101 : vector<16xi1> to vector<16xi1>
    %ne3A_103 = arith.xori %lt3A_98, %ne3A_102 : vector<16xi1>
    %and3A_104 = arith.andi %ne3A_103, %ne3A_95 : vector<16xi1>
    %add3A_105 = vector.broadcast %select_n3A_90 : i32 to vector<16xi32>
    %add3A_106 = arith.addi %rem3A_92, %add3A_105 : vector<16xi32>
    %select_n3A_107 = arith.select %and3A_104, %add3A_106, %rem3A_92 : vector<16xi1>, vector<16xi32>
    %gather3A_108 = tpu.vector_load_idx %arg7[%select_n3A_107] : memref<16xf32, #tpu.memory_space<vmem>>[vector<16xi32>], vector<16xf32>,
    %lt3A_109 = arith.constant 50 : i32
    %lt3A_110 = vector.broadcast %lt3A_109 : i32 to vector<16xi32>
    %lt3A_111 = arith.cmpi slt, %add3A_74, %lt3A_110 : vector<16xi32>
    %mul3A_112 = arith.mulf %gather3A_85, %gather3A_108 : vector<16xf32>
    %select_n3A_113 = arith.select %lt3A_111, %gather3A_85, %mul3A_112 : vector<16xi1>, vector<16xf32>
    %swap3A_114 = arith.constant 16 : index
    %swap3A_115 = tpu.vector_load %arg5[%swap3A_114] {strides = array<i32>} : memref<128xf32, #tpu.memory_space<vmem>>, vector<16xf32>,
    tpu.vector_store %arg5[%swap3A_114], %select_n3A_113 {strides = array<i32>} : memref<128xf32, #tpu.memory_space<vmem>>, vector<16xf32>,
    %add3A_116 = arith.constant 32 : i32
    %add3A_117 = vector.broadcast %add3A_116 : i32 to vector<16xi32>
    %add3A_118 = arith.addi %iota3A, %add3A_117 : vector<16xi32>
    %lt3A_119 = arith.constant 50 : i32
    %lt3A_120 = vector.broadcast %lt3A_119 : i32 to vector<16xi32>
    %lt3A_121 = arith.cmpi slt, %add3A_118, %lt3A_120 : vector<16xi32>
    %sub3A_122 = arith.constant 50 : i32
    %sub3A_123 = vector.broadcast %sub3A_122 : i32 to vector<16xi32>
    %sub3A_124 = arith.subi %add3A_118, %sub3A_123 : vector<16xi32>
    %select_n3A_125 = arith.select %lt3A_121, %add3A_118, %sub3A_124 : vector<16xi1>, vector<16xi32>
    %min3A_126 = arith.constant 49 : i32
    %min3A_127 = vector.broadcast %min3A_126 : i32 to vector<16xi32>
    %min3A_128 = arith.minsi %select_n3A_125, %min3A_127 : vector<16xi32>
    %gather3A_129 = tpu.vector_load_idx %arg6[%min3A_128] : memref<64xf32, #tpu.memory_space<vmem>>[vector<16xi32>], vector<16xf32>,
    %jit3A_130 = arith.constant 5 : i32
    %eq3A_131 = arith.constant 0 : i32
    %eq3A_132 = arith.cmpi eq, %jit3A_130, %eq3A_131 : i32
    %jit3A_133 = arith.constant 1 : i32
    %select_n3A_134 = arith.select %eq3A_132, %jit3A_133, %jit3A_130 : i32
    %rem3A_135 = vector.broadcast %select_n3A_134 : i32 to vector<16xi32>
    %rem3A_136 = arith.remsi %min3A_128, %rem3A_135 : vector<16xi32>
    %ne3A_137 = arith.constant 0 : i32
    %ne3A_138 = vector.broadcast %ne3A_137 : i32 to vector<16xi32>
    %ne3A_139 = arith.cmpi ne, %rem3A_136, %ne3A_138 : vector<16xi32>
    %lt3A_140 = arith.constant 0 : i32
    %lt3A_141 = vector.broadcast %lt3A_140 : i32 to vector<16xi32>
    %lt3A_142 = arith.cmpi slt, %rem3A_136, %lt3A_141 : vector<16xi32>
    %lt3A_143 = arith.constant 0 : i32
    %lt3A_144 = arith.cmpi slt, %select_n3A_134, %lt3A_143 : i32
    %ne3A_145 = vector.broadcast %lt3A_144 : i1 to vector<16xi1>
    %ne3A_146 = vector.broadcast %ne3A_145 : vector<16xi1> to vector<16xi1>
    %ne3A_147 = arith.xori %lt3A_142, %ne3A_146 : vector<16xi1>
    %and3A_148 = arith.andi %ne3A_147, %ne3A_139 : vector<16xi1>
    %add3A_149 = vector.broadcast %select_n3A_134 : i32 to vector<16xi32>
    %add3A_150 = arith.addi %rem3A_136, %add3A_149 : vector<16xi32>
    %select_n3A_151 = arith.select %and3A_148, %add3A_150, %rem3A_136 : vector<16xi1>, vector<16xi32>
    %gather3A_152 = tpu.vector_load_idx %arg7[%select_n3A_151] : memref<16xf32, #tpu.memory_space<vmem>>[vector<16xi32>], vector<16xf32>,
    %lt3A_153 = arith.constant 50 : i32
    %lt3A_154 = vector.broadcast %lt3A_153 : i32 to vector<16xi32>
    %lt3A_155 = arith.cmpi slt, %add3A_118, %lt3A_154 : vector<16xi32>
    %mul3A_156 = arith.mulf %gather3A_129, %gather3A_152 : vector<16xf32>
    %select_n3A_157 = arith.select %lt3A_155, %gather3A_129, %mul3A_156 : vector<16xi1>, vector<16xf32>
    %swap3A_158 = arith.constant 32 : index
    %swap3A_159 = tpu.vector_load %arg5[%swap3A_158] {strides = array<i32>} : memref<128xf32, #tpu.memory_space<vmem>>, vector<16xf32>,
    tpu.vector_store %arg5[%swap3A_158], %select_n3A_157 {strides = array<i32>} : memref<128xf32, #tpu.memory_space<vmem>>, vector<16xf32>,
    %add3A_160 = arith.constant 48 : i32
    %add3A_161 = vector.broadcast %add3A_160 : i32 to vector<16xi32>
    %add3A_162 = arith.addi %iota3A, %add3A_161 : vector<16xi32>
    %lt3A_163 = arith.constant 50 : i32
    %lt3A_164 = vector.broadcast %lt3A_163 : i32 to vector<16xi32>
    %lt3A_165 = arith.cmpi slt, %add3A_162, %lt3A_164 : vector<16xi32>
    %sub3A_166 = arith.constant 50 : i32
    %sub3A_167 = vector.broadcast %sub3A_166 : i32 to vector<16xi32>
    %sub3A_168 = arith.subi %add3A_162, %sub3A_167 : vector<16xi32>
    %select_n3A_169 = arith.select %lt3A_165, %add3A_162, %sub3A_168 : vector<16xi1>, vector<16xi32>
    %min3A_170 = arith.constant 49 : i32
    %min3A_171 = vector.broadcast %min3A_170 : i32 to vector<16xi32>
    %min3A_172 = arith.minsi %select_n3A_169, %min3A_171 : vector<16xi32>
    %gather3A_173 = tpu.vector_load_idx %arg6[%min3A_172] : memref<64xf32, #tpu.memory_space<vmem>>[vector<16xi32>], vector<16xf32>,
    %jit3A_174 = arith.constant 5 : i32
    %eq3A_175 = arith.constant 0 : i32
    %eq3A_176 = arith.cmpi eq, %jit3A_174, %eq3A_175 : i32
    %jit3A_177 = arith.constant 1 : i32
    %select_n3A_178 = arith.select %eq3A_176, %jit3A_177, %jit3A_174 : i32
    %rem3A_179 = vector.broadcast %select_n3A_178 : i32 to vector<16xi32>
    %rem3A_180 = arith.remsi %min3A_172, %rem3A_179 : vector<16xi32>
    %ne3A_181 = arith.constant 0 : i32
    %ne3A_182 = vector.broadcast %ne3A_181 : i32 to vector<16xi32>
    %ne3A_183 = arith.cmpi ne, %rem3A_180, %ne3A_182 : vector<16xi32>
    %lt3A_184 = arith.constant 0 : i32
    %lt3A_185 = vector.broadcast %lt3A_184 : i32 to vector<16xi32>
    %lt3A_186 = arith.cmpi slt, %rem3A_180, %lt3A_185 : vector<16xi32>
    %lt3A_187 = arith.constant 0 : i32
    %lt3A_188 = arith.cmpi slt, %select_n3A_178, %lt3A_187 : i32
    %ne3A_189 = vector.broadcast %lt3A_188 : i1 to vector<16xi1>
    %ne3A_190 = vector.broadcast %ne3A_189 : vector<16xi1> to vector<16xi1>
    %ne3A_191 = arith.xori %lt3A_186, %ne3A_190 : vector<16xi1>
    %and3A_192 = arith.andi %ne3A_191, %ne3A_183 : vector<16xi1>
    %add3A_193 = vector.broadcast %select_n3A_178 : i32 to vector<16xi32>
    %add3A_194 = arith.addi %rem3A_180, %add3A_193 : vector<16xi32>
    %select_n3A_195 = arith.select %and3A_192, %add3A_194, %rem3A_180 : vector<16xi1>, vector<16xi32>
    %gather3A_196 = tpu.vector_load_idx %arg7[%select_n3A_195] : memref<16xf32, #tpu.memory_space<vmem>>[vector<16xi32>], vector<16xf32>,
    %lt3A_197 = arith.constant 50 : i32
    %lt3A_198 = vector.broadcast %lt3A_197 : i32 to vector<16xi32>
    %lt3A_199 = arith.cmpi slt, %add3A_162, %lt3A_198 : vector<16xi32>
    %mul3A_200 = arith.mulf %gather3A_173, %gather3A_196 : vector<16xf32>
    %select_n3A_201 = arith.select %lt3A_199, %gather3A_173, %mul3A_200 : vector<16xi1>, vector<16xf32>
    %swap3A_202 = arith.constant 48 : index
    %swap3A_203 = tpu.vector_load %arg5[%swap3A_202] {strides = array<i32>} : memref<128xf32, #tpu.memory_space<vmem>>, vector<16xf32>,
    tpu.vector_store %arg5[%swap3A_202], %select_n3A_201 {strides = array<i32>} : memref<128xf32, #tpu.memory_space<vmem>>, vector<16xf32>,
    %add3A_204 = arith.constant 64 : i32
    %add3A_205 = vector.broadcast %add3A_204 : i32 to vector<16xi32>
    %add3A_206 = arith.addi %iota3A, %add3A_205 : vector<16xi32>
    %lt3A_207 = arith.constant 50 : i32
    %lt3A_208 = vector.broadcast %lt3A_207 : i32 to vector<16xi32>
    %lt3A_209 = arith.cmpi slt, %add3A_206, %lt3A_208 : vector<16xi32>
    %sub3A_210 = arith.constant 50 : i32
    %sub3A_211 = vector.broadcast %sub3A_210 : i32 to vector<16xi32>
    %sub3A_212 = arith.subi %add3A_206, %sub3A_211 : vector<16xi32>
    %select_n3A_213 = arith.select %lt3A_209, %add3A_206, %sub3A_212 : vector<16xi1>, vector<16xi32>
    %min3A_214 = arith.constant 49 : i32
    %min3A_215 = vector.broadcast %min3A_214 : i32 to vector<16xi32>
    %min3A_216 = arith.minsi %select_n3A_213, %min3A_215 : vector<16xi32>
    %gather3A_217 = tpu.vector_load_idx %arg6[%min3A_216] : memref<64xf32, #tpu.memory_space<vmem>>[vector<16xi32>], vector<16xf32>,
    %jit3A_218 = arith.constant 5 : i32
    %eq3A_219 = arith.constant 0 : i32
    %eq3A_220 = arith.cmpi eq, %jit3A_218, %eq3A_219 : i32
    %jit3A_221 = arith.constant 1 : i32
    %select_n3A_222 = arith.select %eq3A_220, %jit3A_221, %jit3A_218 : i32
    %rem3A_223 = vector.broadcast %select_n3A_222 : i32 to vector<16xi32>
    %rem3A_224 = arith.remsi %min3A_216, %rem3A_223 : vector<16xi32>
    %ne3A_225 = arith.constant 0 : i32
    %ne3A_226 = vector.broadcast %ne3A_225 : i32 to vector<16xi32>
    %ne3A_227 = arith.cmpi ne, %rem3A_224, %ne3A_226 : vector<16xi32>
    %lt3A_228 = arith.constant 0 : i32
    %lt3A_229 = vector.broadcast %lt3A_228 : i32 to vector<16xi32>
    %lt3A_230 = arith.cmpi slt, %rem3A_224, %lt3A_229 : vector<16xi32>
    %lt3A_231 = arith.constant 0 : i32
    %lt3A_232 = arith.cmpi slt, %select_n3A_222, %lt3A_231 : i32
    %ne3A_233 = vector.broadcast %lt3A_232 : i1 to vector<16xi1>
    %ne3A_234 = vector.broadcast %ne3A_233 : vector<16xi1> to vector<16xi1>
    %ne3A_235 = arith.xori %lt3A_230, %ne3A_234 : vector<16xi1>
    %and3A_236 = arith.andi %ne3A_235, %ne3A_227 : vector<16xi1>
    %add3A_237 = vector.broadcast %select_n3A_222 : i32 to vector<16xi32>
    %add3A_238 = arith.addi %rem3A_224, %add3A_237 : vector<16xi32>
    %select_n3A_239 = arith.select %and3A_236, %add3A_238, %rem3A_224 : vector<16xi1>, vector<16xi32>
    %gather3A_240 = tpu.vector_load_idx %arg7[%select_n3A_239] : memref<16xf32, #tpu.memory_space<vmem>>[vector<16xi32>], vector<16xf32>,
    %lt3A_241 = arith.constant 50 : i32
    %lt3A_242 = vector.broadcast %lt3A_241 : i32 to vector<16xi32>
    %lt3A_243 = arith.cmpi slt, %add3A_206, %lt3A_242 : vector<16xi32>
    %mul3A_244 = arith.mulf %gather3A_217, %gather3A_240 : vector<16xf32>
    %select_n3A_245 = arith.select %lt3A_243, %gather3A_217, %mul3A_244 : vector<16xi1>, vector<16xf32>
    %swap3A_246 = arith.constant 64 : index
    %swap3A_247 = tpu.vector_load %arg5[%swap3A_246] {strides = array<i32>} : memref<128xf32, #tpu.memory_space<vmem>>, vector<16xf32>,
    tpu.vector_store %arg5[%swap3A_246], %select_n3A_245 {strides = array<i32>} : memref<128xf32, #tpu.memory_space<vmem>>, vector<16xf32>,
    %add3A_248 = arith.constant 80 : i32
    %add3A_249 = vector.broadcast %add3A_248 : i32 to vector<16xi32>
    %add3A_250 = arith.addi %iota3A, %add3A_249 : vector<16xi32>
    %lt3A_251 = arith.constant 50 : i32
    %lt3A_252 = vector.broadcast %lt3A_251 : i32 to vector<16xi32>
    %lt3A_253 = arith.cmpi slt, %add3A_250, %lt3A_252 : vector<16xi32>
    %sub3A_254 = arith.constant 50 : i32
    %sub3A_255 = vector.broadcast %sub3A_254 : i32 to vector<16xi32>
    %sub3A_256 = arith.subi %add3A_250, %sub3A_255 : vector<16xi32>
    %select_n3A_257 = arith.select %lt3A_253, %add3A_250, %sub3A_256 : vector<16xi1>, vector<16xi32>
    %min3A_258 = arith.constant 49 : i32
    %min3A_259 = vector.broadcast %min3A_258 : i32 to vector<16xi32>
    %min3A_260 = arith.minsi %select_n3A_257, %min3A_259 : vector<16xi32>
    %gather3A_261 = tpu.vector_load_idx %arg6[%min3A_260] : memref<64xf32, #tpu.memory_space<vmem>>[vector<16xi32>], vector<16xf32>,
    %jit3A_262 = arith.constant 5 : i32
    %eq3A_263 = arith.constant 0 : i32
    %eq3A_264 = arith.cmpi eq, %jit3A_262, %eq3A_263 : i32
    %jit3A_265 = arith.constant 1 : i32
    %select_n3A_266 = arith.select %eq3A_264, %jit3A_265, %jit3A_262 : i32
    %rem3A_267 = vector.broadcast %select_n3A_266 : i32 to vector<16xi32>
    %rem3A_268 = arith.remsi %min3A_260, %rem3A_267 : vector<16xi32>
    %ne3A_269 = arith.constant 0 : i32
    %ne3A_270 = vector.broadcast %ne3A_269 : i32 to vector<16xi32>
    %ne3A_271 = arith.cmpi ne, %rem3A_268, %ne3A_270 : vector<16xi32>
    %lt3A_272 = arith.constant 0 : i32
    %lt3A_273 = vector.broadcast %lt3A_272 : i32 to vector<16xi32>
    %lt3A_274 = arith.cmpi slt, %rem3A_268, %lt3A_273 : vector<16xi32>
    %lt3A_275 = arith.constant 0 : i32
    %lt3A_276 = arith.cmpi slt, %select_n3A_266, %lt3A_275 : i32
    %ne3A_277 = vector.broadcast %lt3A_276 : i1 to vector<16xi1>
    %ne3A_278 = vector.broadcast %ne3A_277 : vector<16xi1> to vector<16xi1>
    %ne3A_279 = arith.xori %lt3A_274, %ne3A_278 : vector<16xi1>
    %and3A_280 = arith.andi %ne3A_279, %ne3A_271 : vector<16xi1>
    %add3A_281 = vector.broadcast %select_n3A_266 : i32 to vector<16xi32>
    %add3A_282 = arith.addi %rem3A_268, %add3A_281 : vector<16xi32>
    %select_n3A_283 = arith.select %and3A_280, %add3A_282, %rem3A_268 : vector<16xi1>, vector<16xi32>
    %gather3A_284 = tpu.vector_load_idx %arg7[%select_n3A_283] : memref<16xf32, #tpu.memory_space<vmem>>[vector<16xi32>], vector<16xf32>,
    %lt3A_285 = arith.constant 50 : i32
    %lt3A_286 = vector.broadcast %lt3A_285 : i32 to vector<16xi32>
    %lt3A_287 = arith.cmpi slt, %add3A_250, %lt3A_286 : vector<16xi32>
    %mul3A_288 = arith.mulf %gather3A_261, %gather3A_284 : vector<16xf32>
    %select_n3A_289 = arith.select %lt3A_287, %gather3A_261, %mul3A_288 : vector<16xi1>, vector<16xf32>
    %swap3A_290 = arith.constant 80 : index
    %swap3A_291 = tpu.vector_load %arg5[%swap3A_290] {strides = array<i32>} : memref<128xf32, #tpu.memory_space<vmem>>, vector<16xf32>,
    tpu.vector_store %arg5[%swap3A_290], %select_n3A_289 {strides = array<i32>} : memref<128xf32, #tpu.memory_space<vmem>>, vector<16xf32>,
    %add3A_292 = arith.constant 96 : i32
    %add3A_293 = vector.broadcast %add3A_292 : i32 to vector<16xi32>
    %add3A_294 = arith.addi %iota3A, %add3A_293 : vector<16xi32>
    %lt3A_295 = arith.constant 50 : i32
    %lt3A_296 = vector.broadcast %lt3A_295 : i32 to vector<16xi32>
    %lt3A_297 = arith.cmpi slt, %add3A_294, %lt3A_296 : vector<16xi32>
    %sub3A_298 = arith.constant 50 : i32
    %sub3A_299 = vector.broadcast %sub3A_298 : i32 to vector<16xi32>
    %sub3A_300 = arith.subi %add3A_294, %sub3A_299 : vector<16xi32>
    %select_n3A_301 = arith.select %lt3A_297, %add3A_294, %sub3A_300 : vector<16xi1>, vector<16xi32>
    %min3A_302 = arith.constant 49 : i32
    %min3A_303 = vector.broadcast %min3A_302 : i32 to vector<16xi32>
    %min3A_304 = arith.minsi %select_n3A_301, %min3A_303 : vector<16xi32>
    %gather3A_305 = tpu.vector_load_idx %arg6[%min3A_304] : memref<64xf32, #tpu.memory_space<vmem>>[vector<16xi32>], vector<16xf32>,
    %jit3A_306 = arith.constant 5 : i32
    %eq3A_307 = arith.constant 0 : i32
    %eq3A_308 = arith.cmpi eq, %jit3A_306, %eq3A_307 : i32
    %jit3A_309 = arith.constant 1 : i32
    %select_n3A_310 = arith.select %eq3A_308, %jit3A_309, %jit3A_306 : i32
    %rem3A_311 = vector.broadcast %select_n3A_310 : i32 to vector<16xi32>
    %rem3A_312 = arith.remsi %min3A_304, %rem3A_311 : vector<16xi32>
    %ne3A_313 = arith.constant 0 : i32
    %ne3A_314 = vector.broadcast %ne3A_313 : i32 to vector<16xi32>
    %ne3A_315 = arith.cmpi ne, %rem3A_312, %ne3A_314 : vector<16xi32>
    %lt3A_316 = arith.constant 0 : i32
    %lt3A_317 = vector.broadcast %lt3A_316 : i32 to vector<16xi32>
    %lt3A_318 = arith.cmpi slt, %rem3A_312, %lt3A_317 : vector<16xi32>
    %lt3A_319 = arith.constant 0 : i32
    %lt3A_320 = arith.cmpi slt, %select_n3A_310, %lt3A_319 : i32
    %ne3A_321 = vector.broadcast %lt3A_320 : i1 to vector<16xi1>
    %ne3A_322 = vector.broadcast %ne3A_321 : vector<16xi1> to vector<16xi1>
    %ne3A_323 = arith.xori %lt3A_318, %ne3A_322 : vector<16xi1>
    %and3A_324 = arith.andi %ne3A_323, %ne3A_315 : vector<16xi1>
    %add3A_325 = vector.broadcast %select_n3A_310 : i32 to vector<16xi32>
    %add3A_326 = arith.addi %rem3A_312, %add3A_325 : vector<16xi32>
    %select_n3A_327 = arith.select %and3A_324, %add3A_326, %rem3A_312 : vector<16xi1>, vector<16xi32>
    %gather3A_328 = tpu.vector_load_idx %arg7[%select_n3A_327] : memref<16xf32, #tpu.memory_space<vmem>>[vector<16xi32>], vector<16xf32>,
    %lt3A_329 = arith.constant 50 : i32
    %lt3A_330 = vector.broadcast %lt3A_329 : i32 to vector<16xi32>
    %lt3A_331 = arith.cmpi slt, %add3A_294, %lt3A_330 : vector<16xi32>
    %mul3A_332 = arith.mulf %gather3A_305, %gather3A_328 : vector<16xf32>
    %select_n3A_333 = arith.select %lt3A_331, %gather3A_305, %mul3A_332 : vector<16xi1>, vector<16xf32>
    %swap3A_334 = arith.constant 96 : index
    %swap3A_335 = tpu.vector_load %arg5[%swap3A_334] {strides = array<i32>} : memref<128xf32, #tpu.memory_space<vmem>>, vector<16xf32>,
    tpu.vector_store %arg5[%swap3A_334], %select_n3A_333 {strides = array<i32>} : memref<128xf32, #tpu.memory_space<vmem>>, vector<16xf32>,
    %add3A_336 = arith.constant 112 : i32
    %add3A_337 = vector.broadcast %add3A_336 : i32 to vector<16xi32>
    %add3A_338 = arith.addi %iota3A, %add3A_337 : vector<16xi32>
    %lt3A_339 = arith.constant 50 : i32
    %lt3A_340 = vector.broadcast %lt3A_339 : i32 to vector<16xi32>
    %lt3A_341 = arith.cmpi slt, %add3A_338, %lt3A_340 : vector<16xi32>
    %sub3A_342 = arith.constant 50 : i32
    %sub3A_343 = vector.broadcast %sub3A_342 : i32 to vector<16xi32>
    %sub3A_344 = arith.subi %add3A_338, %sub3A_343 : vector<16xi32>
    %select_n3A_345 = arith.select %lt3A_341, %add3A_338, %sub3A_344 : vector<16xi1>, vector<16xi32>
    %min3A_346 = arith.constant 49 : i32
    %min3A_347 = vector.broadcast %min3A_346 : i32 to vector<16xi32>
    %min3A_348 = arith.minsi %select_n3A_345, %min3A_347 : vector<16xi32>
    %gather3A_349 = tpu.vector_load_idx %arg6[%min3A_348] : memref<64xf32, #tpu.memory_space<vmem>>[vector<16xi32>], vector<16xf32>,
    %jit3A_350 = arith.constant 5 : i32
    %eq3A_351 = arith.constant 0 : i32
    %eq3A_352 = arith.cmpi eq, %jit3A_350, %eq3A_351 : i32
    %jit3A_353 = arith.constant 1 : i32
    %select_n3A_354 = arith.select %eq3A_352, %jit3A_353, %jit3A_350 : i32
    %rem3A_355 = vector.broadcast %select_n3A_354 : i32 to vector<16xi32>
    %rem3A_356 = arith.remsi %min3A_348, %rem3A_355 : vector<16xi32>
    %ne3A_357 = arith.constant 0 : i32
    %ne3A_358 = vector.broadcast %ne3A_357 : i32 to vector<16xi32>
    %ne3A_359 = arith.cmpi ne, %rem3A_356, %ne3A_358 : vector<16xi32>
    %lt3A_360 = arith.constant 0 : i32
    %lt3A_361 = vector.broadcast %lt3A_360 : i32 to vector<16xi32>
    %lt3A_362 = arith.cmpi slt, %rem3A_356, %lt3A_361 : vector<16xi32>
    %lt3A_363 = arith.constant 0 : i32
    %lt3A_364 = arith.cmpi slt, %select_n3A_354, %lt3A_363 : i32
    %ne3A_365 = vector.broadcast %lt3A_364 : i1 to vector<16xi1>
    %ne3A_366 = vector.broadcast %ne3A_365 : vector<16xi1> to vector<16xi1>
    %ne3A_367 = arith.xori %lt3A_362, %ne3A_366 : vector<16xi1>
    %and3A_368 = arith.andi %ne3A_367, %ne3A_359 : vector<16xi1>
    %add3A_369 = vector.broadcast %select_n3A_354 : i32 to vector<16xi32>
    %add3A_370 = arith.addi %rem3A_356, %add3A_369 : vector<16xi32>
    %select_n3A_371 = arith.select %and3A_368, %add3A_370, %rem3A_356 : vector<16xi1>, vector<16xi32>
    %gather3A_372 = tpu.vector_load_idx %arg7[%select_n3A_371] : memref<16xf32, #tpu.memory_space<vmem>>[vector<16xi32>], vector<16xf32>,
    %lt3A_373 = arith.constant 50 : i32
    %lt3A_374 = vector.broadcast %lt3A_373 : i32 to vector<16xi32>
    %lt3A_375 = arith.cmpi slt, %add3A_338, %lt3A_374 : vector<16xi32>
    %mul3A_376 = arith.mulf %gather3A_349, %gather3A_372 : vector<16xf32>
    %select_n3A_377 = arith.select %lt3A_375, %gather3A_349, %mul3A_376 : vector<16xi1>, vector<16xf32>
    %swap3A_378 = arith.constant 112 : index
    %swap3A_379 = tpu.vector_load %arg5[%swap3A_378] {strides = array<i32>} : memref<128xf32, #tpu.memory_space<vmem>>, vector<16xf32>,
    tpu.vector_store %arg5[%swap3A_378], %select_n3A_377 {strides = array<i32>} : memref<128xf32, #tpu.memory_space<vmem>>, vector<16xf32>,
    %mul3A_380 = arith.constant 5 : i32
    %mul3A_381 = vector.broadcast %mul3A_380 : i32 to vector<16xi32>
    %mul3A_382 = arith.muli %iota3A, %mul3A_381 : vector<16xi32>
    %add3A_383 = arith.constant 0 : i32
    %add3A_384 = vector.broadcast %add3A_383 : i32 to vector<16xi32>
    %add3A_385 = arith.addi %mul3A_382, %add3A_384 : vector<16xi32>
    %min3A_386 = arith.constant 49 : i32
    %min3A_387 = vector.broadcast %min3A_386 : i32 to vector<16xi32>
    %min3A_388 = arith.minsi %add3A_385, %min3A_387 : vector<16xi32>
    %gather3A_389 = tpu.vector_load_idx %arg6[%min3A_388] : memref<64xf32, #tpu.memory_space<vmem>>[vector<16xi32>], vector<16xf32>,
    %mul3A_390 = arith.constant 5 : i32
    %mul3A_391 = vector.broadcast %mul3A_390 : i32 to vector<16xi32>
    %mul3A_392 = arith.muli %iota3A, %mul3A_391 : vector<16xi32>
    %add3A_393 = arith.constant 1 : i32
    %add3A_394 = vector.broadcast %add3A_393 : i32 to vector<16xi32>
    %add3A_395 = arith.addi %mul3A_392, %add3A_394 : vector<16xi32>
    %min3A_396 = arith.constant 49 : i32
    %min3A_397 = vector.broadcast %min3A_396 : i32 to vector<16xi32>
    %min3A_398 = arith.minsi %add3A_395, %min3A_397 : vector<16xi32>
    %gather3A_399 = tpu.vector_load_idx %arg6[%min3A_398] : memref<64xf32, #tpu.memory_space<vmem>>[vector<16xi32>], vector<16xf32>,
    %mul3A_400 = arith.constant 5 : i32
    %mul3A_401 = vector.broadcast %mul3A_400 : i32 to vector<16xi32>
    %mul3A_402 = arith.muli %iota3A, %mul3A_401 : vector<16xi32>
    %add3A_403 = arith.constant 2 : i32
    %add3A_404 = vector.broadcast %add3A_403 : i32 to vector<16xi32>
    %add3A_405 = arith.addi %mul3A_402, %add3A_404 : vector<16xi32>
    %min3A_406 = arith.constant 49 : i32
    %min3A_407 = vector.broadcast %min3A_406 : i32 to vector<16xi32>
    %min3A_408 = arith.minsi %add3A_405, %min3A_407 : vector<16xi32>
    %gather3A_409 = tpu.vector_load_idx %arg6[%min3A_408] : memref<64xf32, #tpu.memory_space<vmem>>[vector<16xi32>], vector<16xf32>,
    %mul3A_410 = arith.constant 5 : i32
    %mul3A_411 = vector.broadcast %mul3A_410 : i32 to vector<16xi32>
    %mul3A_412 = arith.muli %iota3A, %mul3A_411 : vector<16xi32>
    %add3A_413 = arith.constant 3 : i32
    %add3A_414 = vector.broadcast %add3A_413 : i32 to vector<16xi32>
    %add3A_415 = arith.addi %mul3A_412, %add3A_414 : vector<16xi32>
    %min3A_416 = arith.constant 49 : i32
    %min3A_417 = vector.broadcast %min3A_416 : i32 to vector<16xi32>
    %min3A_418 = arith.minsi %add3A_415, %min3A_417 : vector<16xi32>
    %gather3A_419 = tpu.vector_load_idx %arg6[%min3A_418] : memref<64xf32, #tpu.memory_space<vmem>>[vector<16xi32>], vector<16xf32>,
    %mul3A_420 = arith.constant 5 : i32
    %mul3A_421 = vector.broadcast %mul3A_420 : i32 to vector<16xi32>
    %mul3A_422 = arith.muli %iota3A, %mul3A_421 : vector<16xi32>
    %add3A_423 = arith.constant 4 : i32
    %add3A_424 = vector.broadcast %add3A_423 : i32 to vector<16xi32>
    %add3A_425 = arith.addi %mul3A_422, %add3A_424 : vector<16xi32>
    %min3A_426 = arith.constant 49 : i32
    %min3A_427 = vector.broadcast %min3A_426 : i32 to vector<16xi32>
    %min3A_428 = arith.minsi %add3A_425, %min3A_427 : vector<16xi32>
    %gather3A_429 = tpu.vector_load_idx %arg6[%min3A_428] : memref<64xf32, #tpu.memory_space<vmem>>[vector<16xi32>], vector<16xf32>,
    %mul3A_430 = arith.constant 512 : i32
    %mul3A_431 = arith.muli %add3A, %mul3A_430 : i32
    %dma_start3A = arith.constant 0 : i32
    %dma_start3A_432 = arith.constant 0 : i32
    %dma_start3A_433 = arith.constant 0 : i32
    %dma_start3A_434 = arith.constant 0 : i32
    %dma_start3A_435 = tpu.memref_slice %arg9[%dma_start3A, %dma_start3A_433, %dma_start3A_434] : memref<2x8x512xi32, #tpu.memory_space<vmem>> -> memref<1x8x512xi32, #tpu.memory_space<vmem>>
    %dma_start3A_436 = tpu.memref_squeeze %dma_start3A_435 : memref<1x8x512xi32, #tpu.memory_space<vmem>> -> memref<8x512xi32, #tpu.memory_space<vmem>>
    %dma_start3A_437 = arith.constant 0 : i32
    %dma_start3A_438 = tpu.memref_slice %arg2[%dma_start3A_437, %mul3A_431] : memref<200x16384xi32, #tpu.memory_space<hbm>> -> memref<8x512xi32, #tpu.memory_space<hbm>>
    %dma_start3A_439 = tpu.memref_slice %arg11[%dma_start3A_432] : memref<2x!tpu.dma_semaphore, #tpu.memory_space<semaphore_mem>> -> memref<1x!tpu.dma_semaphore, #tpu.memory_space<semaphore_mem>>
    %dma_start3A_440 = tpu.memref_squeeze %dma_start3A_439 : memref<1x!tpu.dma_semaphore, #tpu.memory_space<semaphore_mem>> -> memref<!tpu.dma_semaphore, #tpu.memory_space<semaphore_mem>>
    %dma_start3A_441 = arith.constant 0 : i32
    %dma_start3A_442 = arith.constant 0 : i32
    %dma_start3A_443 = tpu.memref_slice %arg9[%dma_start3A, %dma_start3A_441, %dma_start3A_442] : memref<2x8x512xi32, #tpu.memory_space<vmem>> -> memref<1x8x512xi32, #tpu.memory_space<vmem>>
    %dma_start3A_444 = tpu.memref_squeeze %dma_start3A_443 : memref<1x8x512xi32, #tpu.memory_space<vmem>> -> memref<8x512xi32, #tpu.memory_space<vmem>>
    %dma_start3A_445 = arith.constant 0 : i32
    %dma_start3A_446 = tpu.memref_slice %arg2[%dma_start3A_445, %mul3A_431] : memref<200x16384xi32, #tpu.memory_space<hbm>> -> memref<8x512xi32, #tpu.memory_space<hbm>>
    tpu.enqueue_dma source(%dma_start3A_446 : memref<8x512xi32, #tpu.memory_space<hbm>>) target(%dma_start3A_444 : memref<8x512xi32, #tpu.memory_space<vmem>>) target_semaphore(%dma_start3A_440 : memref<!tpu.dma_semaphore, #tpu.memory_space<semaphore_mem>>)
    %scan3A = arith.constant 0 : i32
    %scan3A_447 = arith.constant 0 : i32
    %scan3A_448 = arith.constant 25 : i32
    %scan3A_449 = arith.addi %scan3A_447, %scan3A_448 : i32
    %scan3A_450 = arith.constant 1 : i32
    scf.for %scan3A_491 = %scan3A_447 to %scan3A_449 step %scan3A_450  : i32 {
      %and3A_492 = arith.constant 1 : i32
      %and3A_493 = arith.andi %scan3A_491, %and3A_492 : i32
      %add3A_494 = arith.constant 1 : i32
      %add3A_495 = arith.addi %scan3A_491, %add3A_494 : i32
      %lt3A_496 = arith.constant 25 : i32
      %lt3A_497 = arith.cmpi slt, %add3A_495, %lt3A_496 : i32
      %convert_element_type3A = arith.extui %lt3A_497 : i1 to i32
      %cond3A = arith.constant 0 : i32
      %cond3A_498 = arith.cmpi ne, %convert_element_type3A, %cond3A : i32
      scf.if %cond3A_498 {
        %add3A_542 = arith.constant 1 : i32
        %add3A_543 = arith.addi %scan3A_491, %add3A_542 : i32
        %sub3A_544 = arith.constant 1 : i32
        %sub3A_545 = arith.subi %sub3A_544, %and3A_493 : i32
        %mul3A_546 = arith.constant 8 : i32
        %mul3A_547 = arith.muli %add3A_543, %mul3A_546 : i32
        %dma_start3A_548 = arith.constant 0 : i32
        %dma_start3A_549 = arith.constant 0 : i32
        %dma_start3A_550 = tpu.memref_slice %arg9[%sub3A_545, %dma_start3A_548, %dma_start3A_549] : memref<2x8x512xi32, #tpu.memory_space<vmem>> -> memref<1x8x512xi32, #tpu.memory_space<vmem>>
        %dma_start3A_551 = tpu.memref_squeeze %dma_start3A_550 : memref<1x8x512xi32, #tpu.memory_space<vmem>> -> memref<8x512xi32, #tpu.memory_space<vmem>>
        %dma_start3A_552 = tpu.memref_slice %arg2[%mul3A_547, %mul3A_431] : memref<200x16384xi32, #tpu.memory_space<hbm>> -> memref<8x512xi32, #tpu.memory_space<hbm>>
        %dma_start3A_553 = tpu.memref_slice %arg11[%sub3A_545] : memref<2x!tpu.dma_semaphore, #tpu.memory_space<semaphore_mem>> -> memref<1x!tpu.dma_semaphore, #tpu.memory_space<semaphore_mem>>
        %dma_start3A_554 = tpu.memref_squeeze %dma_start3A_553 : memref<1x!tpu.dma_semaphore, #tpu.memory_space<semaphore_mem>> -> memref<!tpu.dma_semaphore, #tpu.memory_space<semaphore_mem>>
        %dma_start3A_555 = arith.constant 0 : i32
        %dma_start3A_556 = arith.constant 0 : i32
        %dma_start3A_557 = tpu.memref_slice %arg9[%sub3A_545, %dma_start3A_555, %dma_start3A_556] : memref<2x8x512xi32, #tpu.memory_space<vmem>> -> memref<1x8x512xi32, #tpu.memory_space<vmem>>
        %dma_start3A_558 = tpu.memref_squeeze %dma_start3A_557 : memref<1x8x512xi32, #tpu.memory_space<vmem>> -> memref<8x512xi32, #tpu.memory_space<vmem>>
        %dma_start3A_559 = tpu.memref_slice %arg2[%mul3A_547, %mul3A_431] : memref<200x16384xi32, #tpu.memory_space<hbm>> -> memref<8x512xi32, #tpu.memory_space<hbm>>
        tpu.enqueue_dma source(%dma_start3A_559 : memref<8x512xi32, #tpu.memory_space<hbm>>) target(%dma_start3A_558 : memref<8x512xi32, #tpu.memory_space<vmem>>) target_semaphore(%dma_start3A_554 : memref<!tpu.dma_semaphore, #tpu.memory_space<semaphore_mem>>)
      } else {
      }
      %mul3A_499 = arith.constant 8 : i32
      %mul3A_500 = arith.muli %scan3A_491, %mul3A_499 : i32
      %dma_wait3A_501 = arith.constant 0 : i32
      %dma_wait3A_502 = arith.constant 0 : i32
      %dma_wait3A_503 = tpu.memref_slice %arg9[%and3A_493, %dma_wait3A_501, %dma_wait3A_502] : memref<2x8x512xi32, #tpu.memory_space<vmem>> -> memref<1x8x512xi32, #tpu.memory_space<vmem>>
      %dma_wait3A_504 = tpu.memref_squeeze %dma_wait3A_503 : memref<1x8x512xi32, #tpu.memory_space<vmem>> -> memref<8x512xi32, #tpu.memory_space<vmem>>
      %dma_wait3A_505 = tpu.memref_slice %arg2[%mul3A_500, %mul3A_431] : memref<200x16384xi32, #tpu.memory_space<hbm>> -> memref<8x512xi32, #tpu.memory_space<hbm>>
      %dma_wait3A_506 = tpu.memref_slice %arg11[%and3A_493] : memref<2x!tpu.dma_semaphore, #tpu.memory_space<semaphore_mem>> -> memref<1x!tpu.dma_semaphore, #tpu.memory_space<semaphore_mem>>
      %dma_wait3A_507 = tpu.memref_squeeze %dma_wait3A_506 : memref<1x!tpu.dma_semaphore, #tpu.memory_space<semaphore_mem>> -> memref<!tpu.dma_semaphore, #tpu.memory_space<semaphore_mem>>
      %dma_wait3A_508 = arith.constant 0 : i32
      %dma_wait3A_509 = arith.constant 0 : i32
      %dma_wait3A_510 = tpu.memref_slice %arg9[%and3A_493, %dma_wait3A_508, %dma_wait3A_509] : memref<2x8x512xi32, #tpu.memory_space<vmem>> -> memref<1x8x512xi32, #tpu.memory_space<vmem>>
      %dma_wait3A_511 = tpu.memref_squeeze %dma_wait3A_510 : memref<1x8x512xi32, #tpu.memory_space<vmem>> -> memref<8x512xi32, #tpu.memory_space<vmem>>
      %dma_wait3A_512 = tpu.memref_slice %arg2[%mul3A_500, %mul3A_431] : memref<200x16384xi32, #tpu.memory_space<hbm>> -> memref<8x512xi32, #tpu.memory_space<hbm>>
      tpu.wait_dma2 semaphore(%dma_wait3A_507 : memref<!tpu.dma_semaphore, #tpu.memory_space<semaphore_mem>>) src(%dma_wait3A_512 : memref<8x512xi32, #tpu.memory_space<hbm>>) dst(%dma_wait3A_511 : memref<8x512xi32, #tpu.memory_space<vmem>>)
      %ge3A = arith.constant 2 : i32
      %ge3A_513 = arith.cmpi sge, %scan3A_491, %ge3A : i32
      %convert_element_type3A_514 = arith.extui %ge3A_513 : i1 to i32
      %cond3A_515 = arith.constant 0 : i32
      %cond3A_516 = arith.cmpi ne, %convert_element_type3A_514, %cond3A_515 : i32
      scf.if %cond3A_516 {
        %sub3A_542 = arith.constant 2 : i32
        %sub3A_543 = arith.subi %scan3A_491, %sub3A_542 : i32
        %mul3A_544 = arith.constant 8 : i32
        %mul3A_545 = arith.muli %sub3A_543, %mul3A_544 : i32
        %dma_wait3A_546 = arith.constant 0 : i32
        %dma_wait3A_547 = arith.constant 0 : i32
        %dma_wait3A_548 = arith.constant 0 : i32
        %dma_wait3A_549 = tpu.memref_slice %arg10[%and3A_493, %dma_wait3A_546, %dma_wait3A_547, %dma_wait3A_548] : memref<2x5x8x512xf32, #tpu.memory_space<vmem>> -> memref<1x5x8x512xf32, #tpu.memory_space<vmem>>
        %dma_wait3A_550 = tpu.memref_squeeze %dma_wait3A_549 : memref<1x5x8x512xf32, #tpu.memory_space<vmem>> -> memref<5x8x512xf32, #tpu.memory_space<vmem>>
        %dma_wait3A_551 = arith.constant 0 : i32
        %dma_wait3A_552 = tpu.memref_slice %arg4[%dma_wait3A_551, %mul3A_545, %mul3A_431] : memref<5x200x16384xf32, #tpu.memory_space<hbm>> -> memref<5x8x512xf32, #tpu.memory_space<hbm>>
        %dma_wait3A_553 = tpu.memref_slice %arg12[%and3A_493] : memref<2x!tpu.dma_semaphore, #tpu.memory_space<semaphore_mem>> -> memref<1x!tpu.dma_semaphore, #tpu.memory_space<semaphore_mem>>
        %dma_wait3A_554 = tpu.memref_squeeze %dma_wait3A_553 : memref<1x!tpu.dma_semaphore, #tpu.memory_space<semaphore_mem>> -> memref<!tpu.dma_semaphore, #tpu.memory_space<semaphore_mem>>
        %dma_wait3A_555 = arith.constant 0 : i32
        %dma_wait3A_556 = tpu.memref_slice %arg4[%dma_wait3A_555, %mul3A_545, %mul3A_431] : memref<5x200x16384xf32, #tpu.memory_space<hbm>> -> memref<5x8x512xf32, #tpu.memory_space<hbm>>
        %dma_wait3A_557 = arith.constant 0 : i32
        %dma_wait3A_558 = arith.constant 0 : i32
        %dma_wait3A_559 = arith.constant 0 : i32
        %dma_wait3A_560 = tpu.memref_slice %arg10[%and3A_493, %dma_wait3A_557, %dma_wait3A_558, %dma_wait3A_559] : memref<2x5x8x512xf32, #tpu.memory_space<vmem>> -> memref<1x5x8x512xf32, #tpu.memory_space<vmem>>
        %dma_wait3A_561 = tpu.memref_squeeze %dma_wait3A_560 : memref<1x5x8x512xf32, #tpu.memory_space<vmem>> -> memref<5x8x512xf32, #tpu.memory_space<vmem>>
        tpu.wait_dma2 semaphore(%dma_wait3A_554 : memref<!tpu.dma_semaphore, #tpu.memory_space<semaphore_mem>>) src(%dma_wait3A_561 : memref<5x8x512xf32, #tpu.memory_space<vmem>>) dst(%dma_wait3A_556 : memref<5x8x512xf32, #tpu.memory_space<hbm>>)
      } else {
      }
      %eq3A_517 = arith.constant 0 : i32
      %eq3A_518 = arith.cmpi eq, %scan3A_491, %eq3A_517 : i32
      %jit3A_519 = arith.constant 50 : i32
      %jit3A_520 = arith.constant 0 : i32
      %select_n3A_521 = arith.select %eq3A_518, %jit3A_519, %jit3A_520 : i32
      %parallel_loop3A = arith.constant 0 : i32
      %parallel_loop3A_522 = arith.constant 32 : i32
      %parallel_loop3A_523 = arith.constant 1 : i32
      scf.for %parallel_loop3A_542 = %parallel_loop3A to %parallel_loop3A_522 step %parallel_loop3A_523  : i32 {
        %parallel_loop3A_543 = arith.constant 16 : i32
        %parallel_loop3A_544 = arith.muli %parallel_loop3A_542, %parallel_loop3A_543 : i32
        %parallel_loop3A_545 = arith.constant 0 : i32
        %parallel_loop3A_546 = arith.index_cast %and3A_493 : i32 to index
        %parallel_loop3A_547 = arith.index_cast %parallel_loop3A_545 : i32 to index
        %parallel_loop3A_548 = arith.index_cast %parallel_loop3A_544 : i32 to index
        %parallel_loop3A_549 = tpu.vector_load %arg9[%parallel_loop3A_546, %parallel_loop3A_547, %parallel_loop3A_548] {strides = array<i32>} : memref<2x8x512xi32, #tpu.memory_space<vmem>>, vector<16xi32>,
        %parallel_loop3A_550 = arith.constant 5 : i32
        %parallel_loop3A_551 = vector.broadcast %parallel_loop3A_550 : i32 to vector<16xi32>
        %parallel_loop3A_552 = arith.muli %parallel_loop3A_549, %parallel_loop3A_551 : vector<16xi32>
        %parallel_loop3A_553 = vector.broadcast %select_n3A_521 : i32 to vector<16xi32>
        %parallel_loop3A_554 = arith.addi %parallel_loop3A_552, %parallel_loop3A_553 : vector<16xi32>
        %parallel_loop3A_555 = arith.constant 0 : i32
        %parallel_loop3A_556 = vector.broadcast %parallel_loop3A_555 : i32 to vector<16xi32>
        %parallel_loop3A_557 = arith.addi %parallel_loop3A_554, %parallel_loop3A_556 : vector<16xi32>
        %parallel_loop3A_558 = tpu.vector_load_idx %arg5[%parallel_loop3A_557] : memref<128xf32, #tpu.memory_space<vmem>>[vector<16xi32>], vector<16xf32>,
        %parallel_loop3A_559 = arith.constant 0 : i32
        %parallel_loop3A_560 = arith.constant 0 : i32
        %parallel_loop3A_561 = arith.index_cast %and3A_493 : i32 to index
        %parallel_loop3A_562 = arith.index_cast %parallel_loop3A_559 : i32 to index
        %parallel_loop3A_563 = arith.index_cast %parallel_loop3A_560 : i32 to index
        %parallel_loop3A_564 = arith.index_cast %parallel_loop3A_544 : i32 to index
        %parallel_loop3A_565 = tpu.vector_load %arg10[%parallel_loop3A_561, %parallel_loop3A_562, %parallel_loop3A_563, %parallel_loop3A_564] {strides = array<i32>} : memref<2x5x8x512xf32, #tpu.memory_space<vmem>>, vector<16xf32>,
        tpu.vector_store %arg10[%parallel_loop3A_561, %parallel_loop3A_562, %parallel_loop3A_563, %parallel_loop3A_564], %parallel_loop3A_558 {strides = array<i32>} : memref<2x5x8x512xf32, #tpu.memory_space<vmem>>, vector<16xf32>,
        %parallel_loop3A_566 = arith.constant 1 : i32
        %parallel_loop3A_567 = vector.broadcast %parallel_loop3A_566 : i32 to vector<16xi32>
        %parallel_loop3A_568 = arith.addi %parallel_loop3A_554, %parallel_loop3A_567 : vector<16xi32>
        %parallel_loop3A_569 = tpu.vector_load_idx %arg5[%parallel_loop3A_568] : memref<128xf32, #tpu.memory_space<vmem>>[vector<16xi32>], vector<16xf32>,
        %parallel_loop3A_570 = arith.constant 1 : i32
        %parallel_loop3A_571 = arith.constant 0 : i32
        %parallel_loop3A_572 = arith.index_cast %and3A_493 : i32 to index
        %parallel_loop3A_573 = arith.index_cast %parallel_loop3A_570 : i32 to index
        %parallel_loop3A_574 = arith.index_cast %parallel_loop3A_571 : i32 to index
        %parallel_loop3A_575 = arith.index_cast %parallel_loop3A_544 : i32 to index
        %parallel_loop3A_576 = tpu.vector_load %arg10[%parallel_loop3A_572, %parallel_loop3A_573, %parallel_loop3A_574, %parallel_loop3A_575] {strides = array<i32>} : memref<2x5x8x512xf32, #tpu.memory_space<vmem>>, vector<16xf32>,
        tpu.vector_store %arg10[%parallel_loop3A_572, %parallel_loop3A_573, %parallel_loop3A_574, %parallel_loop3A_575], %parallel_loop3A_569 {strides = array<i32>} : memref<2x5x8x512xf32, #tpu.memory_space<vmem>>, vector<16xf32>,
        %parallel_loop3A_577 = arith.constant 2 : i32
        %parallel_loop3A_578 = vector.broadcast %parallel_loop3A_577 : i32 to vector<16xi32>
        %parallel_loop3A_579 = arith.addi %parallel_loop3A_554, %parallel_loop3A_578 : vector<16xi32>
        %parallel_loop3A_580 = tpu.vector_load_idx %arg5[%parallel_loop3A_579] : memref<128xf32, #tpu.memory_space<vmem>>[vector<16xi32>], vector<16xf32>,
        %parallel_loop3A_581 = arith.constant 2 : i32
        %parallel_loop3A_582 = arith.constant 0 : i32
        %parallel_loop3A_583 = arith.index_cast %and3A_493 : i32 to index
        %parallel_loop3A_584 = arith.index_cast %parallel_loop3A_581 : i32 to index
        %parallel_loop3A_585 = arith.index_cast %parallel_loop3A_582 : i32 to index
        %parallel_loop3A_586 = arith.index_cast %parallel_loop3A_544 : i32 to index
        %parallel_loop3A_587 = tpu.vector_load %arg10[%parallel_loop3A_583, %parallel_loop3A_584, %parallel_loop3A_585, %parallel_loop3A_586] {strides = array<i32>} : memref<2x5x8x512xf32, #tpu.memory_space<vmem>>, vector<16xf32>,
        tpu.vector_store %arg10[%parallel_loop3A_583, %parallel_loop3A_584, %parallel_loop3A_585, %parallel_loop3A_586], %parallel_loop3A_580 {strides = array<i32>} : memref<2x5x8x512xf32, #tpu.memory_space<vmem>>, vector<16xf32>,
        %parallel_loop3A_588 = arith.constant 3 : i32
        %parallel_loop3A_589 = vector.broadcast %parallel_loop3A_588 : i32 to vector<16xi32>
        %parallel_loop3A_590 = arith.addi %parallel_loop3A_554, %parallel_loop3A_589 : vector<16xi32>
        %parallel_loop3A_591 = tpu.vector_load_idx %arg5[%parallel_loop3A_590] : memref<128xf32, #tpu.memory_space<vmem>>[vector<16xi32>], vector<16xf32>,
        %parallel_loop3A_592 = arith.constant 3 : i32
        %parallel_loop3A_593 = arith.constant 0 : i32
        %parallel_loop3A_594 = arith.index_cast %and3A_493 : i32 to index
        %parallel_loop3A_595 = arith.index_cast %parallel_loop3A_592 : i32 to index
        %parallel_loop3A_596 = arith.index_cast %parallel_loop3A_593 : i32 to index
        %parallel_loop3A_597 = arith.index_cast %parallel_loop3A_544 : i32 to index
        %parallel_loop3A_598 = tpu.vector_load %arg10[%parallel_loop3A_594, %parallel_loop3A_595, %parallel_loop3A_596, %parallel_loop3A_597] {strides = array<i32>} : memref<2x5x8x512xf32, #tpu.memory_space<vmem>>, vector<16xf32>,
        tpu.vector_store %arg10[%parallel_loop3A_594, %parallel_loop3A_595, %parallel_loop3A_596, %parallel_loop3A_597], %parallel_loop3A_591 {strides = array<i32>} : memref<2x5x8x512xf32, #tpu.memory_space<vmem>>, vector<16xf32>,
        %parallel_loop3A_599 = arith.constant 4 : i32
        %parallel_loop3A_600 = vector.broadcast %parallel_loop3A_599 : i32 to vector<16xi32>
        %parallel_loop3A_601 = arith.addi %parallel_loop3A_554, %parallel_loop3A_600 : vector<16xi32>
        %parallel_loop3A_602 = tpu.vector_load_idx %arg5[%parallel_loop3A_601] : memref<128xf32, #tpu.memory_space<vmem>>[vector<16xi32>], vector<16xf32>,
        %parallel_loop3A_603 = arith.constant 4 : i32
        %parallel_loop3A_604 = arith.constant 0 : i32
        %parallel_loop3A_605 = arith.index_cast %and3A_493 : i32 to index
        %parallel_loop3A_606 = arith.index_cast %parallel_loop3A_603 : i32 to index
        %parallel_loop3A_607 = arith.index_cast %parallel_loop3A_604 : i32 to index
        %parallel_loop3A_608 = arith.index_cast %parallel_loop3A_544 : i32 to index
        %parallel_loop3A_609 = tpu.vector_load %arg10[%parallel_loop3A_605, %parallel_loop3A_606, %parallel_loop3A_607, %parallel_loop3A_608] {strides = array<i32>} : memref<2x5x8x512xf32, #tpu.memory_space<vmem>>, vector<16xf32>,
        tpu.vector_store %arg10[%parallel_loop3A_605, %parallel_loop3A_606, %parallel_loop3A_607, %parallel_loop3A_608], %parallel_loop3A_602 {strides = array<i32>} : memref<2x5x8x512xf32, #tpu.memory_space<vmem>>, vector<16xf32>,
        %parallel_loop3A_610 = arith.constant 1 : i32
        %parallel_loop3A_611 = arith.index_cast %and3A_493 : i32 to index
        %parallel_loop3A_612 = arith.index_cast %parallel_loop3A_610 : i32 to index
        %parallel_loop3A_613 = arith.index_cast %parallel_loop3A_544 : i32 to index
        %parallel_loop3A_614 = tpu.vector_load %arg9[%parallel_loop3A_611, %parallel_loop3A_612, %parallel_loop3A_613] {strides = array<i32>} : memref<2x8x512xi32, #tpu.memory_space<vmem>>, vector<16xi32>,
        %parallel_loop3A_615 = arith.constant 0 : i32
        %parallel_loop3A_616 = vector.broadcast %parallel_loop3A_615 : i32 to vector<16xi32>
        %parallel_loop3A_617 = arith.cmpi slt, %parallel_loop3A_614, %parallel_loop3A_616 : vector<16xi32>
        %parallel_loop3A_618 = arith.constant 16 : i32
        %parallel_loop3A_619 = vector.broadcast %parallel_loop3A_618 : i32 to vector<16xi32>
        %parallel_loop3A_620 = arith.addi %parallel_loop3A_614, %parallel_loop3A_619 : vector<16xi32>
        %parallel_loop3A_621 = arith.select %parallel_loop3A_617, %parallel_loop3A_620, %parallel_loop3A_614 : vector<16xi1>, vector<16xi32>
        %parallel_loop3A_622 = vector.shape_cast %parallel_loop3A_621 : vector<16xi32> to vector<16x1xi32>
        %parallel_loop3A_623 = vector.shape_cast %parallel_loop3A_622 : vector<16x1xi32> to vector<16xi32>
        %parallel_loop3A_624 = tpu.dynamic_gather %gather3A_389[%parallel_loop3A_623] in [0] : vector<16xf32>, vector<16xi32> -> vector<16xf32>
        %parallel_loop3A_625 = arith.constant 0 : i32
        %parallel_loop3A_626 = arith.constant 1 : i32
        %parallel_loop3A_627 = arith.index_cast %and3A_493 : i32 to index
        %parallel_loop3A_628 = arith.index_cast %parallel_loop3A_625 : i32 to index
        %parallel_loop3A_629 = arith.index_cast %parallel_loop3A_626 : i32 to index
        %parallel_loop3A_630 = arith.index_cast %parallel_loop3A_544 : i32 to index
        %parallel_loop3A_631 = tpu.vector_load %arg10[%parallel_loop3A_627, %parallel_loop3A_628, %parallel_loop3A_629, %parallel_loop3A_630] {strides = array<i32>} : memref<2x5x8x512xf32, #tpu.memory_space<vmem>>, vector<16xf32>,
        tpu.vector_store %arg10[%parallel_loop3A_627, %parallel_loop3A_628, %parallel_loop3A_629, %parallel_loop3A_630], %parallel_loop3A_624 {strides = array<i32>} : memref<2x5x8x512xf32, #tpu.memory_space<vmem>>, vector<16xf32>,
        %parallel_loop3A_632 = arith.constant 0 : i32
        %parallel_loop3A_633 = vector.broadcast %parallel_loop3A_632 : i32 to vector<16xi32>
        %parallel_loop3A_634 = arith.cmpi slt, %parallel_loop3A_614, %parallel_loop3A_633 : vector<16xi32>
        %parallel_loop3A_635 = arith.constant 16 : i32
        %parallel_loop3A_636 = vector.broadcast %parallel_loop3A_635 : i32 to vector<16xi32>
        %parallel_loop3A_637 = arith.addi %parallel_loop3A_614, %parallel_loop3A_636 : vector<16xi32>
        %parallel_loop3A_638 = arith.select %parallel_loop3A_634, %parallel_loop3A_637, %parallel_loop3A_614 : vector<16xi1>, vector<16xi32>
        %parallel_loop3A_639 = vector.shape_cast %parallel_loop3A_638 : vector<16xi32> to vector<16x1xi32>
        %parallel_loop3A_640 = vector.shape_cast %parallel_loop3A_639 : vector<16x1xi32> to vector<16xi32>
        %parallel_loop3A_641 = tpu.dynamic_gather %gather3A_399[%parallel_loop3A_640] in [0] : vector<16xf32>, vector<16xi32> -> vector<16xf32>
        %parallel_loop3A_642 = arith.constant 1 : i32
        %parallel_loop3A_643 = arith.constant 1 : i32
        %parallel_loop3A_644 = arith.index_cast %and3A_493 : i32 to index
        %parallel_loop3A_645 = arith.index_cast %parallel_loop3A_642 : i32 to index
        %parallel_loop3A_646 = arith.index_cast %parallel_loop3A_643 : i32 to index
        %parallel_loop3A_647 = arith.index_cast %parallel_loop3A_544 : i32 to index
        %parallel_loop3A_648 = tpu.vector_load %arg10[%parallel_loop3A_644, %parallel_loop3A_645, %parallel_loop3A_646, %parallel_loop3A_647] {strides = array<i32>} : memref<2x5x8x512xf32, #tpu.memory_space<vmem>>, vector<16xf32>,
        tpu.vector_store %arg10[%parallel_loop3A_644, %parallel_loop3A_645, %parallel_loop3A_646, %parallel_loop3A_647], %parallel_loop3A_641 {strides = array<i32>} : memref<2x5x8x512xf32, #tpu.memory_space<vmem>>, vector<16xf32>,
        %parallel_loop3A_649 = arith.constant 0 : i32
        %parallel_loop3A_650 = vector.broadcast %parallel_loop3A_649 : i32 to vector<16xi32>
        %parallel_loop3A_651 = arith.cmpi slt, %parallel_loop3A_614, %parallel_loop3A_650 : vector<16xi32>
        %parallel_loop3A_652 = arith.constant 16 : i32
        %parallel_loop3A_653 = vector.broadcast %parallel_loop3A_652 : i32 to vector<16xi32>
        %parallel_loop3A_654 = arith.addi %parallel_loop3A_614, %parallel_loop3A_653 : vector<16xi32>
        %parallel_loop3A_655 = arith.select %parallel_loop3A_651, %parallel_loop3A_654, %parallel_loop3A_614 : vector<16xi1>, vector<16xi32>
        %parallel_loop3A_656 = vector.shape_cast %parallel_loop3A_655 : vector<16xi32> to vector<16x1xi32>
        %parallel_loop3A_657 = vector.shape_cast %parallel_loop3A_656 : vector<16x1xi32> to vector<16xi32>
        %parallel_loop3A_658 = tpu.dynamic_gather %gather3A_409[%parallel_loop3A_657] in [0] : vector<16xf32>, vector<16xi32> -> vector<16xf32>
        %parallel_loop3A_659 = arith.constant 2 : i32
        %parallel_loop3A_660 = arith.constant 1 : i32
        %parallel_loop3A_661 = arith.index_cast %and3A_493 : i32 to index
        %parallel_loop3A_662 = arith.index_cast %parallel_loop3A_659 : i32 to index
        %parallel_loop3A_663 = arith.index_cast %parallel_loop3A_660 : i32 to index
        %parallel_loop3A_664 = arith.index_cast %parallel_loop3A_544 : i32 to index
        %parallel_loop3A_665 = tpu.vector_load %arg10[%parallel_loop3A_661, %parallel_loop3A_662, %parallel_loop3A_663, %parallel_loop3A_664] {strides = array<i32>} : memref<2x5x8x512xf32, #tpu.memory_space<vmem>>, vector<16xf32>,
        tpu.vector_store %arg10[%parallel_loop3A_661, %parallel_loop3A_662, %parallel_loop3A_663, %parallel_loop3A_664], %parallel_loop3A_658 {strides = array<i32>} : memref<2x5x8x512xf32, #tpu.memory_space<vmem>>, vector<16xf32>,
        %parallel_loop3A_666 = arith.constant 0 : i32
        %parallel_loop3A_667 = vector.broadcast %parallel_loop3A_666 : i32 to vector<16xi32>
        %parallel_loop3A_668 = arith.cmpi slt, %parallel_loop3A_614, %parallel_loop3A_667 : vector<16xi32>
        %parallel_loop3A_669 = arith.constant 16 : i32
        %parallel_loop3A_670 = vector.broadcast %parallel_loop3A_669 : i32 to vector<16xi32>
        %parallel_loop3A_671 = arith.addi %parallel_loop3A_614, %parallel_loop3A_670 : vector<16xi32>
        %parallel_loop3A_672 = arith.select %parallel_loop3A_668, %parallel_loop3A_671, %parallel_loop3A_614 : vector<16xi1>, vector<16xi32>
        %parallel_loop3A_673 = vector.shape_cast %parallel_loop3A_672 : vector<16xi32> to vector<16x1xi32>
        %parallel_loop3A_674 = vector.shape_cast %parallel_loop3A_673 : vector<16x1xi32> to vector<16xi32>
        %parallel_loop3A_675 = tpu.dynamic_gather %gather3A_419[%parallel_loop3A_674] in [0] : vector<16xf32>, vector<16xi32> -> vector<16xf32>
        %parallel_loop3A_676 = arith.constant 3 : i32
        %parallel_loop3A_677 = arith.constant 1 : i32
        %parallel_loop3A_678 = arith.index_cast %and3A_493 : i32 to index
        %parallel_loop3A_679 = arith.index_cast %parallel_loop3A_676 : i32 to index
        %parallel_loop3A_680 = arith.index_cast %parallel_loop3A_677 : i32 to index
        %parallel_loop3A_681 = arith.index_cast %parallel_loop3A_544 : i32 to index
        %parallel_loop3A_682 = tpu.vector_load %arg10[%parallel_loop3A_678, %parallel_loop3A_679, %parallel_loop3A_680, %parallel_loop3A_681] {strides = array<i32>} : memref<2x5x8x512xf32, #tpu.memory_space<vmem>>, vector<16xf32>,
        tpu.vector_store %arg10[%parallel_loop3A_678, %parallel_loop3A_679, %parallel_loop3A_680, %parallel_loop3A_681], %parallel_loop3A_675 {strides = array<i32>} : memref<2x5x8x512xf32, #tpu.memory_space<vmem>>, vector<16xf32>,
        %parallel_loop3A_683 = arith.constant 0 : i32
        %parallel_loop3A_684 = vector.broadcast %parallel_loop3A_683 : i32 to vector<16xi32>
        %parallel_loop3A_685 = arith.cmpi slt, %parallel_loop3A_614, %parallel_loop3A_684 : vector<16xi32>
        %parallel_loop3A_686 = arith.constant 16 : i32
        %parallel_loop3A_687 = vector.broadcast %parallel_loop3A_686 : i32 to vector<16xi32>
        %parallel_loop3A_688 = arith.addi %parallel_loop3A_614, %parallel_loop3A_687 : vector<16xi32>
        %parallel_loop3A_689 = arith.select %parallel_loop3A_685, %parallel_loop3A_688, %parallel_loop3A_614 : vector<16xi1>, vector<16xi32>
        %parallel_loop3A_690 = vector.shape_cast %parallel_loop3A_689 : vector<16xi32> to vector<16x1xi32>
        %parallel_loop3A_691 = vector.shape_cast %parallel_loop3A_690 : vector<16x1xi32> to vector<16xi32>
        %parallel_loop3A_692 = tpu.dynamic_gather %gather3A_429[%parallel_loop3A_691] in [0] : vector<16xf32>, vector<16xi32> -> vector<16xf32>
        %parallel_loop3A_693 = arith.constant 4 : i32
        %parallel_loop3A_694 = arith.constant 1 : i32
        %parallel_loop3A_695 = arith.index_cast %and3A_493 : i32 to index
        %parallel_loop3A_696 = arith.index_cast %parallel_loop3A_693 : i32 to index
        %parallel_loop3A_697 = arith.index_cast %parallel_loop3A_694 : i32 to index
        %parallel_loop3A_698 = arith.index_cast %parallel_loop3A_544 : i32 to index
        %parallel_loop3A_699 = tpu.vector_load %arg10[%parallel_loop3A_695, %parallel_loop3A_696, %parallel_loop3A_697, %parallel_loop3A_698] {strides = array<i32>} : memref<2x5x8x512xf32, #tpu.memory_space<vmem>>, vector<16xf32>,
        tpu.vector_store %arg10[%parallel_loop3A_695, %parallel_loop3A_696, %parallel_loop3A_697, %parallel_loop3A_698], %parallel_loop3A_692 {strides = array<i32>} : memref<2x5x8x512xf32, #tpu.memory_space<vmem>>, vector<16xf32>,
        %parallel_loop3A_700 = arith.constant 2 : i32
        %parallel_loop3A_701 = arith.index_cast %and3A_493 : i32 to index
        %parallel_loop3A_702 = arith.index_cast %parallel_loop3A_700 : i32 to index
        %parallel_loop3A_703 = arith.index_cast %parallel_loop3A_544 : i32 to index
        %parallel_loop3A_704 = tpu.vector_load %arg9[%parallel_loop3A_701, %parallel_loop3A_702, %parallel_loop3A_703] {strides = array<i32>} : memref<2x8x512xi32, #tpu.memory_space<vmem>>, vector<16xi32>,
        %parallel_loop3A_705 = arith.constant 0 : i32
        %parallel_loop3A_706 = vector.broadcast %parallel_loop3A_705 : i32 to vector<16xi32>
        %parallel_loop3A_707 = arith.cmpi slt, %parallel_loop3A_704, %parallel_loop3A_706 : vector<16xi32>
        %parallel_loop3A_708 = arith.constant 16 : i32
        %parallel_loop3A_709 = vector.broadcast %parallel_loop3A_708 : i32 to vector<16xi32>
        %parallel_loop3A_710 = arith.addi %parallel_loop3A_704, %parallel_loop3A_709 : vector<16xi32>
        %parallel_loop3A_711 = arith.select %parallel_loop3A_707, %parallel_loop3A_710, %parallel_loop3A_704 : vector<16xi1>, vector<16xi32>
        %parallel_loop3A_712 = vector.shape_cast %parallel_loop3A_711 : vector<16xi32> to vector<16x1xi32>
        %parallel_loop3A_713 = vector.shape_cast %parallel_loop3A_712 : vector<16x1xi32> to vector<16xi32>
        %parallel_loop3A_714 = tpu.dynamic_gather %gather3A_389[%parallel_loop3A_713] in [0] : vector<16xf32>, vector<16xi32> -> vector<16xf32>
        %parallel_loop3A_715 = arith.constant 0 : i32
        %parallel_loop3A_716 = arith.constant 2 : i32
        %parallel_loop3A_717 = arith.index_cast %and3A_493 : i32 to index
        %parallel_loop3A_718 = arith.index_cast %parallel_loop3A_715 : i32 to index
        %parallel_loop3A_719 = arith.index_cast %parallel_loop3A_716 : i32 to index
        %parallel_loop3A_720 = arith.index_cast %parallel_loop3A_544 : i32 to index
        %parallel_loop3A_721 = tpu.vector_load %arg10[%parallel_loop3A_717, %parallel_loop3A_718, %parallel_loop3A_719, %parallel_loop3A_720] {strides = array<i32>} : memref<2x5x8x512xf32, #tpu.memory_space<vmem>>, vector<16xf32>,
        tpu.vector_store %arg10[%parallel_loop3A_717, %parallel_loop3A_718, %parallel_loop3A_719, %parallel_loop3A_720], %parallel_loop3A_714 {strides = array<i32>} : memref<2x5x8x512xf32, #tpu.memory_space<vmem>>, vector<16xf32>,
        %parallel_loop3A_722 = arith.constant 0 : i32
        %parallel_loop3A_723 = vector.broadcast %parallel_loop3A_722 : i32 to vector<16xi32>
        %parallel_loop3A_724 = arith.cmpi slt, %parallel_loop3A_704, %parallel_loop3A_723 : vector<16xi32>
        %parallel_loop3A_725 = arith.constant 16 : i32
        %parallel_loop3A_726 = vector.broadcast %parallel_loop3A_725 : i32 to vector<16xi32>
        %parallel_loop3A_727 = arith.addi %parallel_loop3A_704, %parallel_loop3A_726 : vector<16xi32>
        %parallel_loop3A_728 = arith.select %parallel_loop3A_724, %parallel_loop3A_727, %parallel_loop3A_704 : vector<16xi1>, vector<16xi32>
        %parallel_loop3A_729 = vector.shape_cast %parallel_loop3A_728 : vector<16xi32> to vector<16x1xi32>
        %parallel_loop3A_730 = vector.shape_cast %parallel_loop3A_729 : vector<16x1xi32> to vector<16xi32>
        %parallel_loop3A_731 = tpu.dynamic_gather %gather3A_399[%parallel_loop3A_730] in [0] : vector<16xf32>, vector<16xi32> -> vector<16xf32>
        %parallel_loop3A_732 = arith.constant 1 : i32
        %parallel_loop3A_733 = arith.constant 2 : i32
        %parallel_loop3A_734 = arith.index_cast %and3A_493 : i32 to index
        %parallel_loop3A_735 = arith.index_cast %parallel_loop3A_732 : i32 to index
        %parallel_loop3A_736 = arith.index_cast %parallel_loop3A_733 : i32 to index
        %parallel_loop3A_737 = arith.index_cast %parallel_loop3A_544 : i32 to index
        %parallel_loop3A_738 = tpu.vector_load %arg10[%parallel_loop3A_734, %parallel_loop3A_735, %parallel_loop3A_736, %parallel_loop3A_737] {strides = array<i32>} : memref<2x5x8x512xf32, #tpu.memory_space<vmem>>, vector<16xf32>,
        tpu.vector_store %arg10[%parallel_loop3A_734, %parallel_loop3A_735, %parallel_loop3A_736, %parallel_loop3A_737], %parallel_loop3A_731 {strides = array<i32>} : memref<2x5x8x512xf32, #tpu.memory_space<vmem>>, vector<16xf32>,
        %parallel_loop3A_739 = arith.constant 0 : i32
        %parallel_loop3A_740 = vector.broadcast %parallel_loop3A_739 : i32 to vector<16xi32>
        %parallel_loop3A_741 = arith.cmpi slt, %parallel_loop3A_704, %parallel_loop3A_740 : vector<16xi32>
        %parallel_loop3A_742 = arith.constant 16 : i32
        %parallel_loop3A_743 = vector.broadcast %parallel_loop3A_742 : i32 to vector<16xi32>
        %parallel_loop3A_744 = arith.addi %parallel_loop3A_704, %parallel_loop3A_743 : vector<16xi32>
        %parallel_loop3A_745 = arith.select %parallel_loop3A_741, %parallel_loop3A_744, %parallel_loop3A_704 : vector<16xi1>, vector<16xi32>
        %parallel_loop3A_746 = vector.shape_cast %parallel_loop3A_745 : vector<16xi32> to vector<16x1xi32>
        %parallel_loop3A_747 = vector.shape_cast %parallel_loop3A_746 : vector<16x1xi32> to vector<16xi32>
        %parallel_loop3A_748 = tpu.dynamic_gather %gather3A_409[%parallel_loop3A_747] in [0] : vector<16xf32>, vector<16xi32> -> vector<16xf32>
        %parallel_loop3A_749 = arith.constant 2 : i32
        %parallel_loop3A_750 = arith.constant 2 : i32
        %parallel_loop3A_751 = arith.index_cast %and3A_493 : i32 to index
        %parallel_loop3A_752 = arith.index_cast %parallel_loop3A_749 : i32 to index
        %parallel_loop3A_753 = arith.index_cast %parallel_loop3A_750 : i32 to index
        %parallel_loop3A_754 = arith.index_cast %parallel_loop3A_544 : i32 to index
        %parallel_loop3A_755 = tpu.vector_load %arg10[%parallel_loop3A_751, %parallel_loop3A_752, %parallel_loop3A_753, %parallel_loop3A_754] {strides = array<i32>} : memref<2x5x8x512xf32, #tpu.memory_space<vmem>>, vector<16xf32>,
        tpu.vector_store %arg10[%parallel_loop3A_751, %parallel_loop3A_752, %parallel_loop3A_753, %parallel_loop3A_754], %parallel_loop3A_748 {strides = array<i32>} : memref<2x5x8x512xf32, #tpu.memory_space<vmem>>, vector<16xf32>,
        %parallel_loop3A_756 = arith.constant 0 : i32
        %parallel_loop3A_757 = vector.broadcast %parallel_loop3A_756 : i32 to vector<16xi32>
        %parallel_loop3A_758 = arith.cmpi slt, %parallel_loop3A_704, %parallel_loop3A_757 : vector<16xi32>
        %parallel_loop3A_759 = arith.constant 16 : i32
        %parallel_loop3A_760 = vector.broadcast %parallel_loop3A_759 : i32 to vector<16xi32>
        %parallel_loop3A_761 = arith.addi %parallel_loop3A_704, %parallel_loop3A_760 : vector<16xi32>
        %parallel_loop3A_762 = arith.select %parallel_loop3A_758, %parallel_loop3A_761, %parallel_loop3A_704 : vector<16xi1>, vector<16xi32>
        %parallel_loop3A_763 = vector.shape_cast %parallel_loop3A_762 : vector<16xi32> to vector<16x1xi32>
        %parallel_loop3A_764 = vector.shape_cast %parallel_loop3A_763 : vector<16x1xi32> to vector<16xi32>
        %parallel_loop3A_765 = tpu.dynamic_gather %gather3A_419[%parallel_loop3A_764] in [0] : vector<16xf32>, vector<16xi32> -> vector<16xf32>
        %parallel_loop3A_766 = arith.constant 3 : i32
        %parallel_loop3A_767 = arith.constant 2 : i32
        %parallel_loop3A_768 = arith.index_cast %and3A_493 : i32 to index
        %parallel_loop3A_769 = arith.index_cast %parallel_loop3A_766 : i32 to index
        %parallel_loop3A_770 = arith.index_cast %parallel_loop3A_767 : i32 to index
        %parallel_loop3A_771 = arith.index_cast %parallel_loop3A_544 : i32 to index
        %parallel_loop3A_772 = tpu.vector_load %arg10[%parallel_loop3A_768, %parallel_loop3A_769, %parallel_loop3A_770, %parallel_loop3A_771] {strides = array<i32>} : memref<2x5x8x512xf32, #tpu.memory_space<vmem>>, vector<16xf32>,
        tpu.vector_store %arg10[%parallel_loop3A_768, %parallel_loop3A_769, %parallel_loop3A_770, %parallel_loop3A_771], %parallel_loop3A_765 {strides = array<i32>} : memref<2x5x8x512xf32, #tpu.memory_space<vmem>>, vector<16xf32>,
        %parallel_loop3A_773 = arith.constant 0 : i32
        %parallel_loop3A_774 = vector.broadcast %parallel_loop3A_773 : i32 to vector<16xi32>
        %parallel_loop3A_775 = arith.cmpi slt, %parallel_loop3A_704, %parallel_loop3A_774 : vector<16xi32>
        %parallel_loop3A_776 = arith.constant 16 : i32
        %parallel_loop3A_777 = vector.broadcast %parallel_loop3A_776 : i32 to vector<16xi32>
        %parallel_loop3A_778 = arith.addi %parallel_loop3A_704, %parallel_loop3A_777 : vector<16xi32>
        %parallel_loop3A_779 = arith.select %parallel_loop3A_775, %parallel_loop3A_778, %parallel_loop3A_704 : vector<16xi1>, vector<16xi32>
        %parallel_loop3A_780 = vector.shape_cast %parallel_loop3A_779 : vector<16xi32> to vector<16x1xi32>
        %parallel_loop3A_781 = vector.shape_cast %parallel_loop3A_780 : vector<16x1xi32> to vector<16xi32>
        %parallel_loop3A_782 = tpu.dynamic_gather %gather3A_429[%parallel_loop3A_781] in [0] : vector<16xf32>, vector<16xi32> -> vector<16xf32>
        %parallel_loop3A_783 = arith.constant 4 : i32
        %parallel_loop3A_784 = arith.constant 2 : i32
        %parallel_loop3A_785 = arith.index_cast %and3A_493 : i32 to index
        %parallel_loop3A_786 = arith.index_cast %parallel_loop3A_783 : i32 to index
        %parallel_loop3A_787 = arith.index_cast %parallel_loop3A_784 : i32 to index
        %parallel_loop3A_788 = arith.index_cast %parallel_loop3A_544 : i32 to index
        %parallel_loop3A_789 = tpu.vector_load %arg10[%parallel_loop3A_785, %parallel_loop3A_786, %parallel_loop3A_787, %parallel_loop3A_788] {strides = array<i32>} : memref<2x5x8x512xf32, #tpu.memory_space<vmem>>, vector<16xf32>,
        tpu.vector_store %arg10[%parallel_loop3A_785, %parallel_loop3A_786, %parallel_loop3A_787, %parallel_loop3A_788], %parallel_loop3A_782 {strides = array<i32>} : memref<2x5x8x512xf32, #tpu.memory_space<vmem>>, vector<16xf32>,
        %parallel_loop3A_790 = arith.constant 3 : i32
        %parallel_loop3A_791 = arith.index_cast %and3A_493 : i32 to index
        %parallel_loop3A_792 = arith.index_cast %parallel_loop3A_790 : i32 to index
        %parallel_loop3A_793 = arith.index_cast %parallel_loop3A_544 : i32 to index
        %parallel_loop3A_794 = tpu.vector_load %arg9[%parallel_loop3A_791, %parallel_loop3A_792, %parallel_loop3A_793] {strides = array<i32>} : memref<2x8x512xi32, #tpu.memory_space<vmem>>, vector<16xi32>,
        %parallel_loop3A_795 = arith.constant 0 : i32
        %parallel_loop3A_796 = vector.broadcast %parallel_loop3A_795 : i32 to vector<16xi32>
        %parallel_loop3A_797 = arith.cmpi slt, %parallel_loop3A_794, %parallel_loop3A_796 : vector<16xi32>
        %parallel_loop3A_798 = arith.constant 16 : i32
        %parallel_loop3A_799 = vector.broadcast %parallel_loop3A_798 : i32 to vector<16xi32>
        %parallel_loop3A_800 = arith.addi %parallel_loop3A_794, %parallel_loop3A_799 : vector<16xi32>
        %parallel_loop3A_801 = arith.select %parallel_loop3A_797, %parallel_loop3A_800, %parallel_loop3A_794 : vector<16xi1>, vector<16xi32>
        %parallel_loop3A_802 = vector.shape_cast %parallel_loop3A_801 : vector<16xi32> to vector<16x1xi32>
        %parallel_loop3A_803 = vector.shape_cast %parallel_loop3A_802 : vector<16x1xi32> to vector<16xi32>
        %parallel_loop3A_804 = tpu.dynamic_gather %gather3A_389[%parallel_loop3A_803] in [0] : vector<16xf32>, vector<16xi32> -> vector<16xf32>
        %parallel_loop3A_805 = arith.constant 0 : i32
        %parallel_loop3A_806 = arith.constant 3 : i32
        %parallel_loop3A_807 = arith.index_cast %and3A_493 : i32 to index
        %parallel_loop3A_808 = arith.index_cast %parallel_loop3A_805 : i32 to index
        %parallel_loop3A_809 = arith.index_cast %parallel_loop3A_806 : i32 to index
        %parallel_loop3A_810 = arith.index_cast %parallel_loop3A_544 : i32 to index
        %parallel_loop3A_811 = tpu.vector_load %arg10[%parallel_loop3A_807, %parallel_loop3A_808, %parallel_loop3A_809, %parallel_loop3A_810] {strides = array<i32>} : memref<2x5x8x512xf32, #tpu.memory_space<vmem>>, vector<16xf32>,
        tpu.vector_store %arg10[%parallel_loop3A_807, %parallel_loop3A_808, %parallel_loop3A_809, %parallel_loop3A_810], %parallel_loop3A_804 {strides = array<i32>} : memref<2x5x8x512xf32, #tpu.memory_space<vmem>>, vector<16xf32>,
        %parallel_loop3A_812 = arith.constant 0 : i32
        %parallel_loop3A_813 = vector.broadcast %parallel_loop3A_812 : i32 to vector<16xi32>
        %parallel_loop3A_814 = arith.cmpi slt, %parallel_loop3A_794, %parallel_loop3A_813 : vector<16xi32>
        %parallel_loop3A_815 = arith.constant 16 : i32
        %parallel_loop3A_816 = vector.broadcast %parallel_loop3A_815 : i32 to vector<16xi32>
        %parallel_loop3A_817 = arith.addi %parallel_loop3A_794, %parallel_loop3A_816 : vector<16xi32>
        %parallel_loop3A_818 = arith.select %parallel_loop3A_814, %parallel_loop3A_817, %parallel_loop3A_794 : vector<16xi1>, vector<16xi32>
        %parallel_loop3A_819 = vector.shape_cast %parallel_loop3A_818 : vector<16xi32> to vector<16x1xi32>
        %parallel_loop3A_820 = vector.shape_cast %parallel_loop3A_819 : vector<16x1xi32> to vector<16xi32>
        %parallel_loop3A_821 = tpu.dynamic_gather %gather3A_399[%parallel_loop3A_820] in [0] : vector<16xf32>, vector<16xi32> -> vector<16xf32>
        %parallel_loop3A_822 = arith.constant 1 : i32
        %parallel_loop3A_823 = arith.constant 3 : i32
        %parallel_loop3A_824 = arith.index_cast %and3A_493 : i32 to index
        %parallel_loop3A_825 = arith.index_cast %parallel_loop3A_822 : i32 to index
        %parallel_loop3A_826 = arith.index_cast %parallel_loop3A_823 : i32 to index
        %parallel_loop3A_827 = arith.index_cast %parallel_loop3A_544 : i32 to index
        %parallel_loop3A_828 = tpu.vector_load %arg10[%parallel_loop3A_824, %parallel_loop3A_825, %parallel_loop3A_826, %parallel_loop3A_827] {strides = array<i32>} : memref<2x5x8x512xf32, #tpu.memory_space<vmem>>, vector<16xf32>,
        tpu.vector_store %arg10[%parallel_loop3A_824, %parallel_loop3A_825, %parallel_loop3A_826, %parallel_loop3A_827], %parallel_loop3A_821 {strides = array<i32>} : memref<2x5x8x512xf32, #tpu.memory_space<vmem>>, vector<16xf32>,
        %parallel_loop3A_829 = arith.constant 0 : i32
        %parallel_loop3A_830 = vector.broadcast %parallel_loop3A_829 : i32 to vector<16xi32>
        %parallel_loop3A_831 = arith.cmpi slt, %parallel_loop3A_794, %parallel_loop3A_830 : vector<16xi32>
        %parallel_loop3A_832 = arith.constant 16 : i32
        %parallel_loop3A_833 = vector.broadcast %parallel_loop3A_832 : i32 to vector<16xi32>
        %parallel_loop3A_834 = arith.addi %parallel_loop3A_794, %parallel_loop3A_833 : vector<16xi32>
        %parallel_loop3A_835 = arith.select %parallel_loop3A_831, %parallel_loop3A_834, %parallel_loop3A_794 : vector<16xi1>, vector<16xi32>
        %parallel_loop3A_836 = vector.shape_cast %parallel_loop3A_835 : vector<16xi32> to vector<16x1xi32>
        %parallel_loop3A_837 = vector.shape_cast %parallel_loop3A_836 : vector<16x1xi32> to vector<16xi32>
        %parallel_loop3A_838 = tpu.dynamic_gather %gather3A_409[%parallel_loop3A_837] in [0] : vector<16xf32>, vector<16xi32> -> vector<16xf32>
        %parallel_loop3A_839 = arith.constant 2 : i32
        %parallel_loop3A_840 = arith.constant 3 : i32
        %parallel_loop3A_841 = arith.index_cast %and3A_493 : i32 to index
        %parallel_loop3A_842 = arith.index_cast %parallel_loop3A_839 : i32 to index
        %parallel_loop3A_843 = arith.index_cast %parallel_loop3A_840 : i32 to index
        %parallel_loop3A_844 = arith.index_cast %parallel_loop3A_544 : i32 to index
        %parallel_loop3A_845 = tpu.vector_load %arg10[%parallel_loop3A_841, %parallel_loop3A_842, %parallel_loop3A_843, %parallel_loop3A_844] {strides = array<i32>} : memref<2x5x8x512xf32, #tpu.memory_space<vmem>>, vector<16xf32>,
        tpu.vector_store %arg10[%parallel_loop3A_841, %parallel_loop3A_842, %parallel_loop3A_843, %parallel_loop3A_844], %parallel_loop3A_838 {strides = array<i32>} : memref<2x5x8x512xf32, #tpu.memory_space<vmem>>, vector<16xf32>,
        %parallel_loop3A_846 = arith.constant 0 : i32
        %parallel_loop3A_847 = vector.broadcast %parallel_loop3A_846 : i32 to vector<16xi32>
        %parallel_loop3A_848 = arith.cmpi slt, %parallel_loop3A_794, %parallel_loop3A_847 : vector<16xi32>
        %parallel_loop3A_849 = arith.constant 16 : i32
        %parallel_loop3A_850 = vector.broadcast %parallel_loop3A_849 : i32 to vector<16xi32>
        %parallel_loop3A_851 = arith.addi %parallel_loop3A_794, %parallel_loop3A_850 : vector<16xi32>
        %parallel_loop3A_852 = arith.select %parallel_loop3A_848, %parallel_loop3A_851, %parallel_loop3A_794 : vector<16xi1>, vector<16xi32>
        %parallel_loop3A_853 = vector.shape_cast %parallel_loop3A_852 : vector<16xi32> to vector<16x1xi32>
        %parallel_loop3A_854 = vector.shape_cast %parallel_loop3A_853 : vector<16x1xi32> to vector<16xi32>
        %parallel_loop3A_855 = tpu.dynamic_gather %gather3A_419[%parallel_loop3A_854] in [0] : vector<16xf32>, vector<16xi32> -> vector<16xf32>
        %parallel_loop3A_856 = arith.constant 3 : i32
        %parallel_loop3A_857 = arith.constant 3 : i32
        %parallel_loop3A_858 = arith.index_cast %and3A_493 : i32 to index
        %parallel_loop3A_859 = arith.index_cast %parallel_loop3A_856 : i32 to index
        %parallel_loop3A_860 = arith.index_cast %parallel_loop3A_857 : i32 to index
        %parallel_loop3A_861 = arith.index_cast %parallel_loop3A_544 : i32 to index
        %parallel_loop3A_862 = tpu.vector_load %arg10[%parallel_loop3A_858, %parallel_loop3A_859, %parallel_loop3A_860, %parallel_loop3A_861] {strides = array<i32>} : memref<2x5x8x512xf32, #tpu.memory_space<vmem>>, vector<16xf32>,
        tpu.vector_store %arg10[%parallel_loop3A_858, %parallel_loop3A_859, %parallel_loop3A_860, %parallel_loop3A_861], %parallel_loop3A_855 {strides = array<i32>} : memref<2x5x8x512xf32, #tpu.memory_space<vmem>>, vector<16xf32>,
        %parallel_loop3A_863 = arith.constant 0 : i32
        %parallel_loop3A_864 = vector.broadcast %parallel_loop3A_863 : i32 to vector<16xi32>
        %parallel_loop3A_865 = arith.cmpi slt, %parallel_loop3A_794, %parallel_loop3A_864 : vector<16xi32>
        %parallel_loop3A_866 = arith.constant 16 : i32
        %parallel_loop3A_867 = vector.broadcast %parallel_loop3A_866 : i32 to vector<16xi32>
        %parallel_loop3A_868 = arith.addi %parallel_loop3A_794, %parallel_loop3A_867 : vector<16xi32>
        %parallel_loop3A_869 = arith.select %parallel_loop3A_865, %parallel_loop3A_868, %parallel_loop3A_794 : vector<16xi1>, vector<16xi32>
        %parallel_loop3A_870 = vector.shape_cast %parallel_loop3A_869 : vector<16xi32> to vector<16x1xi32>
        %parallel_loop3A_871 = vector.shape_cast %parallel_loop3A_870 : vector<16x1xi32> to vector<16xi32>
        %parallel_loop3A_872 = tpu.dynamic_gather %gather3A_429[%parallel_loop3A_871] in [0] : vector<16xf32>, vector<16xi32> -> vector<16xf32>
        %parallel_loop3A_873 = arith.constant 4 : i32
        %parallel_loop3A_874 = arith.constant 3 : i32
        %parallel_loop3A_875 = arith.index_cast %and3A_493 : i32 to index
        %parallel_loop3A_876 = arith.index_cast %parallel_loop3A_873 : i32 to index
        %parallel_loop3A_877 = arith.index_cast %parallel_loop3A_874 : i32 to index
        %parallel_loop3A_878 = arith.index_cast %parallel_loop3A_544 : i32 to index
        %parallel_loop3A_879 = tpu.vector_load %arg10[%parallel_loop3A_875, %parallel_loop3A_876, %parallel_loop3A_877, %parallel_loop3A_878] {strides = array<i32>} : memref<2x5x8x512xf32, #tpu.memory_space<vmem>>, vector<16xf32>,
        tpu.vector_store %arg10[%parallel_loop3A_875, %parallel_loop3A_876, %parallel_loop3A_877, %parallel_loop3A_878], %parallel_loop3A_872 {strides = array<i32>} : memref<2x5x8x512xf32, #tpu.memory_space<vmem>>, vector<16xf32>,
        %parallel_loop3A_880 = arith.constant 4 : i32
        %parallel_loop3A_881 = arith.index_cast %and3A_493 : i32 to index
        %parallel_loop3A_882 = arith.index_cast %parallel_loop3A_880 : i32 to index
        %parallel_loop3A_883 = arith.index_cast %parallel_loop3A_544 : i32 to index
        %parallel_loop3A_884 = tpu.vector_load %arg9[%parallel_loop3A_881, %parallel_loop3A_882, %parallel_loop3A_883] {strides = array<i32>} : memref<2x8x512xi32, #tpu.memory_space<vmem>>, vector<16xi32>,
        %parallel_loop3A_885 = arith.constant 0 : i32
        %parallel_loop3A_886 = vector.broadcast %parallel_loop3A_885 : i32 to vector<16xi32>
        %parallel_loop3A_887 = arith.cmpi slt, %parallel_loop3A_884, %parallel_loop3A_886 : vector<16xi32>
        %parallel_loop3A_888 = arith.constant 16 : i32
        %parallel_loop3A_889 = vector.broadcast %parallel_loop3A_888 : i32 to vector<16xi32>
        %parallel_loop3A_890 = arith.addi %parallel_loop3A_884, %parallel_loop3A_889 : vector<16xi32>
        %parallel_loop3A_891 = arith.select %parallel_loop3A_887, %parallel_loop3A_890, %parallel_loop3A_884 : vector<16xi1>, vector<16xi32>
        %parallel_loop3A_892 = vector.shape_cast %parallel_loop3A_891 : vector<16xi32> to vector<16x1xi32>
        %parallel_loop3A_893 = vector.shape_cast %parallel_loop3A_892 : vector<16x1xi32> to vector<16xi32>
        %parallel_loop3A_894 = tpu.dynamic_gather %gather3A_389[%parallel_loop3A_893] in [0] : vector<16xf32>, vector<16xi32> -> vector<16xf32>
        %parallel_loop3A_895 = arith.constant 0 : i32
        %parallel_loop3A_896 = arith.constant 4 : i32
        %parallel_loop3A_897 = arith.index_cast %and3A_493 : i32 to index
        %parallel_loop3A_898 = arith.index_cast %parallel_loop3A_895 : i32 to index
        %parallel_loop3A_899 = arith.index_cast %parallel_loop3A_896 : i32 to index
        %parallel_loop3A_900 = arith.index_cast %parallel_loop3A_544 : i32 to index
        %parallel_loop3A_901 = tpu.vector_load %arg10[%parallel_loop3A_897, %parallel_loop3A_898, %parallel_loop3A_899, %parallel_loop3A_900] {strides = array<i32>} : memref<2x5x8x512xf32, #tpu.memory_space<vmem>>, vector<16xf32>,
        tpu.vector_store %arg10[%parallel_loop3A_897, %parallel_loop3A_898, %parallel_loop3A_899, %parallel_loop3A_900], %parallel_loop3A_894 {strides = array<i32>} : memref<2x5x8x512xf32, #tpu.memory_space<vmem>>, vector<16xf32>,
        %parallel_loop3A_902 = arith.constant 0 : i32
        %parallel_loop3A_903 = vector.broadcast %parallel_loop3A_902 : i32 to vector<16xi32>
        %parallel_loop3A_904 = arith.cmpi slt, %parallel_loop3A_884, %parallel_loop3A_903 : vector<16xi32>
        %parallel_loop3A_905 = arith.constant 16 : i32
        %parallel_loop3A_906 = vector.broadcast %parallel_loop3A_905 : i32 to vector<16xi32>
        %parallel_loop3A_907 = arith.addi %parallel_loop3A_884, %parallel_loop3A_906 : vector<16xi32>
        %parallel_loop3A_908 = arith.select %parallel_loop3A_904, %parallel_loop3A_907, %parallel_loop3A_884 : vector<16xi1>, vector<16xi32>
        %parallel_loop3A_909 = vector.shape_cast %parallel_loop3A_908 : vector<16xi32> to vector<16x1xi32>
        %parallel_loop3A_910 = vector.shape_cast %parallel_loop3A_909 : vector<16x1xi32> to vector<16xi32>
        %parallel_loop3A_911 = tpu.dynamic_gather %gather3A_399[%parallel_loop3A_910] in [0] : vector<16xf32>, vector<16xi32> -> vector<16xf32>
        %parallel_loop3A_912 = arith.constant 1 : i32
        %parallel_loop3A_913 = arith.constant 4 : i32
        %parallel_loop3A_914 = arith.index_cast %and3A_493 : i32 to index
        %parallel_loop3A_915 = arith.index_cast %parallel_loop3A_912 : i32 to index
        %parallel_loop3A_916 = arith.index_cast %parallel_loop3A_913 : i32 to index
        %parallel_loop3A_917 = arith.index_cast %parallel_loop3A_544 : i32 to index
        %parallel_loop3A_918 = tpu.vector_load %arg10[%parallel_loop3A_914, %parallel_loop3A_915, %parallel_loop3A_916, %parallel_loop3A_917] {strides = array<i32>} : memref<2x5x8x512xf32, #tpu.memory_space<vmem>>, vector<16xf32>,
        tpu.vector_store %arg10[%parallel_loop3A_914, %parallel_loop3A_915, %parallel_loop3A_916, %parallel_loop3A_917], %parallel_loop3A_911 {strides = array<i32>} : memref<2x5x8x512xf32, #tpu.memory_space<vmem>>, vector<16xf32>,
        %parallel_loop3A_919 = arith.constant 0 : i32
        %parallel_loop3A_920 = vector.broadcast %parallel_loop3A_919 : i32 to vector<16xi32>
        %parallel_loop3A_921 = arith.cmpi slt, %parallel_loop3A_884, %parallel_loop3A_920 : vector<16xi32>
        %parallel_loop3A_922 = arith.constant 16 : i32
        %parallel_loop3A_923 = vector.broadcast %parallel_loop3A_922 : i32 to vector<16xi32>
        %parallel_loop3A_924 = arith.addi %parallel_loop3A_884, %parallel_loop3A_923 : vector<16xi32>
        %parallel_loop3A_925 = arith.select %parallel_loop3A_921, %parallel_loop3A_924, %parallel_loop3A_884 : vector<16xi1>, vector<16xi32>
        %parallel_loop3A_926 = vector.shape_cast %parallel_loop3A_925 : vector<16xi32> to vector<16x1xi32>
        %parallel_loop3A_927 = vector.shape_cast %parallel_loop3A_926 : vector<16x1xi32> to vector<16xi32>
        %parallel_loop3A_928 = tpu.dynamic_gather %gather3A_409[%parallel_loop3A_927] in [0] : vector<16xf32>, vector<16xi32> -> vector<16xf32>
        %parallel_loop3A_929 = arith.constant 2 : i32
        %parallel_loop3A_930 = arith.constant 4 : i32
        %parallel_loop3A_931 = arith.index_cast %and3A_493 : i32 to index
        %parallel_loop3A_932 = arith.index_cast %parallel_loop3A_929 : i32 to index
        %parallel_loop3A_933 = arith.index_cast %parallel_loop3A_930 : i32 to index
        %parallel_loop3A_934 = arith.index_cast %parallel_loop3A_544 : i32 to index
        %parallel_loop3A_935 = tpu.vector_load %arg10[%parallel_loop3A_931, %parallel_loop3A_932, %parallel_loop3A_933, %parallel_loop3A_934] {strides = array<i32>} : memref<2x5x8x512xf32, #tpu.memory_space<vmem>>, vector<16xf32>,
        tpu.vector_store %arg10[%parallel_loop3A_931, %parallel_loop3A_932, %parallel_loop3A_933, %parallel_loop3A_934], %parallel_loop3A_928 {strides = array<i32>} : memref<2x5x8x512xf32, #tpu.memory_space<vmem>>, vector<16xf32>,
        %parallel_loop3A_936 = arith.constant 0 : i32
        %parallel_loop3A_937 = vector.broadcast %parallel_loop3A_936 : i32 to vector<16xi32>
        %parallel_loop3A_938 = arith.cmpi slt, %parallel_loop3A_884, %parallel_loop3A_937 : vector<16xi32>
        %parallel_loop3A_939 = arith.constant 16 : i32
        %parallel_loop3A_940 = vector.broadcast %parallel_loop3A_939 : i32 to vector<16xi32>
        %parallel_loop3A_941 = arith.addi %parallel_loop3A_884, %parallel_loop3A_940 : vector<16xi32>
        %parallel_loop3A_942 = arith.select %parallel_loop3A_938, %parallel_loop3A_941, %parallel_loop3A_884 : vector<16xi1>, vector<16xi32>
        %parallel_loop3A_943 = vector.shape_cast %parallel_loop3A_942 : vector<16xi32> to vector<16x1xi32>
        %parallel_loop3A_944 = vector.shape_cast %parallel_loop3A_943 : vector<16x1xi32> to vector<16xi32>
        %parallel_loop3A_945 = tpu.dynamic_gather %gather3A_419[%parallel_loop3A_944] in [0] : vector<16xf32>, vector<16xi32> -> vector<16xf32>
        %parallel_loop3A_946 = arith.constant 3 : i32
        %parallel_loop3A_947 = arith.constant 4 : i32
        %parallel_loop3A_948 = arith.index_cast %and3A_493 : i32 to index
        %parallel_loop3A_949 = arith.index_cast %parallel_loop3A_946 : i32 to index
        %parallel_loop3A_950 = arith.index_cast %parallel_loop3A_947 : i32 to index
        %parallel_loop3A_951 = arith.index_cast %parallel_loop3A_544 : i32 to index
        %parallel_loop3A_952 = tpu.vector_load %arg10[%parallel_loop3A_948, %parallel_loop3A_949, %parallel_loop3A_950, %parallel_loop3A_951] {strides = array<i32>} : memref<2x5x8x512xf32, #tpu.memory_space<vmem>>, vector<16xf32>,
        tpu.vector_store %arg10[%parallel_loop3A_948, %parallel_loop3A_949, %parallel_loop3A_950, %parallel_loop3A_951], %parallel_loop3A_945 {strides = array<i32>} : memref<2x5x8x512xf32, #tpu.memory_space<vmem>>, vector<16xf32>,
        %parallel_loop3A_953 = arith.constant 0 : i32
        %parallel_loop3A_954 = vector.broadcast %parallel_loop3A_953 : i32 to vector<16xi32>
        %parallel_loop3A_955 = arith.cmpi slt, %parallel_loop3A_884, %parallel_loop3A_954 : vector<16xi32>
        %parallel_loop3A_956 = arith.constant 16 : i32
        %parallel_loop3A_957 = vector.broadcast %parallel_loop3A_956 : i32 to vector<16xi32>
        %parallel_loop3A_958 = arith.addi %parallel_loop3A_884, %parallel_loop3A_957 : vector<16xi32>
        %parallel_loop3A_959 = arith.select %parallel_loop3A_955, %parallel_loop3A_958, %parallel_loop3A_884 : vector<16xi1>, vector<16xi32>
        %parallel_loop3A_960 = vector.shape_cast %parallel_loop3A_959 : vector<16xi32> to vector<16x1xi32>
        %parallel_loop3A_961 = vector.shape_cast %parallel_loop3A_960 : vector<16x1xi32> to vector<16xi32>
        %parallel_loop3A_962 = tpu.dynamic_gather %gather3A_429[%parallel_loop3A_961] in [0] : vector<16xf32>, vector<16xi32> -> vector<16xf32>
        %parallel_loop3A_963 = arith.constant 4 : i32
        %parallel_loop3A_964 = arith.constant 4 : i32
        %parallel_loop3A_965 = arith.index_cast %and3A_493 : i32 to index
        %parallel_loop3A_966 = arith.index_cast %parallel_loop3A_963 : i32 to index
        %parallel_loop3A_967 = arith.index_cast %parallel_loop3A_964 : i32 to index
        %parallel_loop3A_968 = arith.index_cast %parallel_loop3A_544 : i32 to index
        %parallel_loop3A_969 = tpu.vector_load %arg10[%parallel_loop3A_965, %parallel_loop3A_966, %parallel_loop3A_967, %parallel_loop3A_968] {strides = array<i32>} : memref<2x5x8x512xf32, #tpu.memory_space<vmem>>, vector<16xf32>,
        tpu.vector_store %arg10[%parallel_loop3A_965, %parallel_loop3A_966, %parallel_loop3A_967, %parallel_loop3A_968], %parallel_loop3A_962 {strides = array<i32>} : memref<2x5x8x512xf32, #tpu.memory_space<vmem>>, vector<16xf32>,
        %parallel_loop3A_970 = arith.constant 5 : i32
        %parallel_loop3A_971 = arith.index_cast %and3A_493 : i32 to index
        %parallel_loop3A_972 = arith.index_cast %parallel_loop3A_970 : i32 to index
        %parallel_loop3A_973 = arith.index_cast %parallel_loop3A_544 : i32 to index
        %parallel_loop3A_974 = tpu.vector_load %arg9[%parallel_loop3A_971, %parallel_loop3A_972, %parallel_loop3A_973] {strides = array<i32>} : memref<2x8x512xi32, #tpu.memory_space<vmem>>, vector<16xi32>,
        %parallel_loop3A_975 = arith.constant 0 : i32
        %parallel_loop3A_976 = vector.broadcast %parallel_loop3A_975 : i32 to vector<16xi32>
        %parallel_loop3A_977 = arith.cmpi slt, %parallel_loop3A_974, %parallel_loop3A_976 : vector<16xi32>
        %parallel_loop3A_978 = arith.constant 16 : i32
        %parallel_loop3A_979 = vector.broadcast %parallel_loop3A_978 : i32 to vector<16xi32>
        %parallel_loop3A_980 = arith.addi %parallel_loop3A_974, %parallel_loop3A_979 : vector<16xi32>
        %parallel_loop3A_981 = arith.select %parallel_loop3A_977, %parallel_loop3A_980, %parallel_loop3A_974 : vector<16xi1>, vector<16xi32>
        %parallel_loop3A_982 = vector.shape_cast %parallel_loop3A_981 : vector<16xi32> to vector<16x1xi32>
        %parallel_loop3A_983 = vector.shape_cast %parallel_loop3A_982 : vector<16x1xi32> to vector<16xi32>
        %parallel_loop3A_984 = tpu.dynamic_gather %gather3A_389[%parallel_loop3A_983] in [0] : vector<16xf32>, vector<16xi32> -> vector<16xf32>
        %parallel_loop3A_985 = arith.constant 0 : i32
        %parallel_loop3A_986 = arith.constant 5 : i32
        %parallel_loop3A_987 = arith.index_cast %and3A_493 : i32 to index
        %parallel_loop3A_988 = arith.index_cast %parallel_loop3A_985 : i32 to index
        %parallel_loop3A_989 = arith.index_cast %parallel_loop3A_986 : i32 to index
        %parallel_loop3A_990 = arith.index_cast %parallel_loop3A_544 : i32 to index
        %parallel_loop3A_991 = tpu.vector_load %arg10[%parallel_loop3A_987, %parallel_loop3A_988, %parallel_loop3A_989, %parallel_loop3A_990] {strides = array<i32>} : memref<2x5x8x512xf32, #tpu.memory_space<vmem>>, vector<16xf32>,
        tpu.vector_store %arg10[%parallel_loop3A_987, %parallel_loop3A_988, %parallel_loop3A_989, %parallel_loop3A_990], %parallel_loop3A_984 {strides = array<i32>} : memref<2x5x8x512xf32, #tpu.memory_space<vmem>>, vector<16xf32>,
        %parallel_loop3A_992 = arith.constant 0 : i32
        %parallel_loop3A_993 = vector.broadcast %parallel_loop3A_992 : i32 to vector<16xi32>
        %parallel_loop3A_994 = arith.cmpi slt, %parallel_loop3A_974, %parallel_loop3A_993 : vector<16xi32>
        %parallel_loop3A_995 = arith.constant 16 : i32
        %parallel_loop3A_996 = vector.broadcast %parallel_loop3A_995 : i32 to vector<16xi32>
        %parallel_loop3A_997 = arith.addi %parallel_loop3A_974, %parallel_loop3A_996 : vector<16xi32>
        %parallel_loop3A_998 = arith.select %parallel_loop3A_994, %parallel_loop3A_997, %parallel_loop3A_974 : vector<16xi1>, vector<16xi32>
        %parallel_loop3A_999 = vector.shape_cast %parallel_loop3A_998 : vector<16xi32> to vector<16x1xi32>
        %parallel_loop3A_1000 = vector.shape_cast %parallel_loop3A_999 : vector<16x1xi32> to vector<16xi32>
        %parallel_loop3A_1001 = tpu.dynamic_gather %gather3A_399[%parallel_loop3A_1000] in [0] : vector<16xf32>, vector<16xi32> -> vector<16xf32>
        %parallel_loop3A_1002 = arith.constant 1 : i32
        %parallel_loop3A_1003 = arith.constant 5 : i32
        %parallel_loop3A_1004 = arith.index_cast %and3A_493 : i32 to index
        %parallel_loop3A_1005 = arith.index_cast %parallel_loop3A_1002 : i32 to index
        %parallel_loop3A_1006 = arith.index_cast %parallel_loop3A_1003 : i32 to index
        %parallel_loop3A_1007 = arith.index_cast %parallel_loop3A_544 : i32 to index
        %parallel_loop3A_1008 = tpu.vector_load %arg10[%parallel_loop3A_1004, %parallel_loop3A_1005, %parallel_loop3A_1006, %parallel_loop3A_1007] {strides = array<i32>} : memref<2x5x8x512xf32, #tpu.memory_space<vmem>>, vector<16xf32>,
        tpu.vector_store %arg10[%parallel_loop3A_1004, %parallel_loop3A_1005, %parallel_loop3A_1006, %parallel_loop3A_1007], %parallel_loop3A_1001 {strides = array<i32>} : memref<2x5x8x512xf32, #tpu.memory_space<vmem>>, vector<16xf32>,
        %parallel_loop3A_1009 = arith.constant 0 : i32
        %parallel_loop3A_1010 = vector.broadcast %parallel_loop3A_1009 : i32 to vector<16xi32>
        %parallel_loop3A_1011 = arith.cmpi slt, %parallel_loop3A_974, %parallel_loop3A_1010 : vector<16xi32>
        %parallel_loop3A_1012 = arith.constant 16 : i32
        %parallel_loop3A_1013 = vector.broadcast %parallel_loop3A_1012 : i32 to vector<16xi32>
        %parallel_loop3A_1014 = arith.addi %parallel_loop3A_974, %parallel_loop3A_1013 : vector<16xi32>
        %parallel_loop3A_1015 = arith.select %parallel_loop3A_1011, %parallel_loop3A_1014, %parallel_loop3A_974 : vector<16xi1>, vector<16xi32>
        %parallel_loop3A_1016 = vector.shape_cast %parallel_loop3A_1015 : vector<16xi32> to vector<16x1xi32>
        %parallel_loop3A_1017 = vector.shape_cast %parallel_loop3A_1016 : vector<16x1xi32> to vector<16xi32>
        %parallel_loop3A_1018 = tpu.dynamic_gather %gather3A_409[%parallel_loop3A_1017] in [0] : vector<16xf32>, vector<16xi32> -> vector<16xf32>
        %parallel_loop3A_1019 = arith.constant 2 : i32
        %parallel_loop3A_1020 = arith.constant 5 : i32
        %parallel_loop3A_1021 = arith.index_cast %and3A_493 : i32 to index
        %parallel_loop3A_1022 = arith.index_cast %parallel_loop3A_1019 : i32 to index
        %parallel_loop3A_1023 = arith.index_cast %parallel_loop3A_1020 : i32 to index
        %parallel_loop3A_1024 = arith.index_cast %parallel_loop3A_544 : i32 to index
        %parallel_loop3A_1025 = tpu.vector_load %arg10[%parallel_loop3A_1021, %parallel_loop3A_1022, %parallel_loop3A_1023, %parallel_loop3A_1024] {strides = array<i32>} : memref<2x5x8x512xf32, #tpu.memory_space<vmem>>, vector<16xf32>,
        tpu.vector_store %arg10[%parallel_loop3A_1021, %parallel_loop3A_1022, %parallel_loop3A_1023, %parallel_loop3A_1024], %parallel_loop3A_1018 {strides = array<i32>} : memref<2x5x8x512xf32, #tpu.memory_space<vmem>>, vector<16xf32>,
        %parallel_loop3A_1026 = arith.constant 0 : i32
        %parallel_loop3A_1027 = vector.broadcast %parallel_loop3A_1026 : i32 to vector<16xi32>
        %parallel_loop3A_1028 = arith.cmpi slt, %parallel_loop3A_974, %parallel_loop3A_1027 : vector<16xi32>
        %parallel_loop3A_1029 = arith.constant 16 : i32
        %parallel_loop3A_1030 = vector.broadcast %parallel_loop3A_1029 : i32 to vector<16xi32>
        %parallel_loop3A_1031 = arith.addi %parallel_loop3A_974, %parallel_loop3A_1030 : vector<16xi32>
        %parallel_loop3A_1032 = arith.select %parallel_loop3A_1028, %parallel_loop3A_1031, %parallel_loop3A_974 : vector<16xi1>, vector<16xi32>
        %parallel_loop3A_1033 = vector.shape_cast %parallel_loop3A_1032 : vector<16xi32> to vector<16x1xi32>
        %parallel_loop3A_1034 = vector.shape_cast %parallel_loop3A_1033 : vector<16x1xi32> to vector<16xi32>
        %parallel_loop3A_1035 = tpu.dynamic_gather %gather3A_419[%parallel_loop3A_1034] in [0] : vector<16xf32>, vector<16xi32> -> vector<16xf32>
        %parallel_loop3A_1036 = arith.constant 3 : i32
        %parallel_loop3A_1037 = arith.constant 5 : i32
        %parallel_loop3A_1038 = arith.index_cast %and3A_493 : i32 to index
        %parallel_loop3A_1039 = arith.index_cast %parallel_loop3A_1036 : i32 to index
        %parallel_loop3A_1040 = arith.index_cast %parallel_loop3A_1037 : i32 to index
        %parallel_loop3A_1041 = arith.index_cast %parallel_loop3A_544 : i32 to index
        %parallel_loop3A_1042 = tpu.vector_load %arg10[%parallel_loop3A_1038, %parallel_loop3A_1039, %parallel_loop3A_1040, %parallel_loop3A_1041] {strides = array<i32>} : memref<2x5x8x512xf32, #tpu.memory_space<vmem>>, vector<16xf32>,
        tpu.vector_store %arg10[%parallel_loop3A_1038, %parallel_loop3A_1039, %parallel_loop3A_1040, %parallel_loop3A_1041], %parallel_loop3A_1035 {strides = array<i32>} : memref<2x5x8x512xf32, #tpu.memory_space<vmem>>, vector<16xf32>,
        %parallel_loop3A_1043 = arith.constant 0 : i32
        %parallel_loop3A_1044 = vector.broadcast %parallel_loop3A_1043 : i32 to vector<16xi32>
        %parallel_loop3A_1045 = arith.cmpi slt, %parallel_loop3A_974, %parallel_loop3A_1044 : vector<16xi32>
        %parallel_loop3A_1046 = arith.constant 16 : i32
        %parallel_loop3A_1047 = vector.broadcast %parallel_loop3A_1046 : i32 to vector<16xi32>
        %parallel_loop3A_1048 = arith.addi %parallel_loop3A_974, %parallel_loop3A_1047 : vector<16xi32>
        %parallel_loop3A_1049 = arith.select %parallel_loop3A_1045, %parallel_loop3A_1048, %parallel_loop3A_974 : vector<16xi1>, vector<16xi32>
        %parallel_loop3A_1050 = vector.shape_cast %parallel_loop3A_1049 : vector<16xi32> to vector<16x1xi32>
        %parallel_loop3A_1051 = vector.shape_cast %parallel_loop3A_1050 : vector<16x1xi32> to vector<16xi32>
        %parallel_loop3A_1052 = tpu.dynamic_gather %gather3A_429[%parallel_loop3A_1051] in [0] : vector<16xf32>, vector<16xi32> -> vector<16xf32>
        %parallel_loop3A_1053 = arith.constant 4 : i32
        %parallel_loop3A_1054 = arith.constant 5 : i32
        %parallel_loop3A_1055 = arith.index_cast %and3A_493 : i32 to index
        %parallel_loop3A_1056 = arith.index_cast %parallel_loop3A_1053 : i32 to index
        %parallel_loop3A_1057 = arith.index_cast %parallel_loop3A_1054 : i32 to index
        %parallel_loop3A_1058 = arith.index_cast %parallel_loop3A_544 : i32 to index
        %parallel_loop3A_1059 = tpu.vector_load %arg10[%parallel_loop3A_1055, %parallel_loop3A_1056, %parallel_loop3A_1057, %parallel_loop3A_1058] {strides = array<i32>} : memref<2x5x8x512xf32, #tpu.memory_space<vmem>>, vector<16xf32>,
        tpu.vector_store %arg10[%parallel_loop3A_1055, %parallel_loop3A_1056, %parallel_loop3A_1057, %parallel_loop3A_1058], %parallel_loop3A_1052 {strides = array<i32>} : memref<2x5x8x512xf32, #tpu.memory_space<vmem>>, vector<16xf32>,
        %parallel_loop3A_1060 = arith.constant 6 : i32
        %parallel_loop3A_1061 = arith.index_cast %and3A_493 : i32 to index
        %parallel_loop3A_1062 = arith.index_cast %parallel_loop3A_1060 : i32 to index
        %parallel_loop3A_1063 = arith.index_cast %parallel_loop3A_544 : i32 to index
        %parallel_loop3A_1064 = tpu.vector_load %arg9[%parallel_loop3A_1061, %parallel_loop3A_1062, %parallel_loop3A_1063] {strides = array<i32>} : memref<2x8x512xi32, #tpu.memory_space<vmem>>, vector<16xi32>,
        %parallel_loop3A_1065 = arith.constant 0 : i32
        %parallel_loop3A_1066 = vector.broadcast %parallel_loop3A_1065 : i32 to vector<16xi32>
        %parallel_loop3A_1067 = arith.cmpi slt, %parallel_loop3A_1064, %parallel_loop3A_1066 : vector<16xi32>
        %parallel_loop3A_1068 = arith.constant 16 : i32
        %parallel_loop3A_1069 = vector.broadcast %parallel_loop3A_1068 : i32 to vector<16xi32>
        %parallel_loop3A_1070 = arith.addi %parallel_loop3A_1064, %parallel_loop3A_1069 : vector<16xi32>
        %parallel_loop3A_1071 = arith.select %parallel_loop3A_1067, %parallel_loop3A_1070, %parallel_loop3A_1064 : vector<16xi1>, vector<16xi32>
        %parallel_loop3A_1072 = vector.shape_cast %parallel_loop3A_1071 : vector<16xi32> to vector<16x1xi32>
        %parallel_loop3A_1073 = vector.shape_cast %parallel_loop3A_1072 : vector<16x1xi32> to vector<16xi32>
        %parallel_loop3A_1074 = tpu.dynamic_gather %gather3A_389[%parallel_loop3A_1073] in [0] : vector<16xf32>, vector<16xi32> -> vector<16xf32>
        %parallel_loop3A_1075 = arith.constant 0 : i32
        %parallel_loop3A_1076 = arith.constant 6 : i32
        %parallel_loop3A_1077 = arith.index_cast %and3A_493 : i32 to index
        %parallel_loop3A_1078 = arith.index_cast %parallel_loop3A_1075 : i32 to index
        %parallel_loop3A_1079 = arith.index_cast %parallel_loop3A_1076 : i32 to index
        %parallel_loop3A_1080 = arith.index_cast %parallel_loop3A_544 : i32 to index
        %parallel_loop3A_1081 = tpu.vector_load %arg10[%parallel_loop3A_1077, %parallel_loop3A_1078, %parallel_loop3A_1079, %parallel_loop3A_1080] {strides = array<i32>} : memref<2x5x8x512xf32, #tpu.memory_space<vmem>>, vector<16xf32>,
        tpu.vector_store %arg10[%parallel_loop3A_1077, %parallel_loop3A_1078, %parallel_loop3A_1079, %parallel_loop3A_1080], %parallel_loop3A_1074 {strides = array<i32>} : memref<2x5x8x512xf32, #tpu.memory_space<vmem>>, vector<16xf32>,
        %parallel_loop3A_1082 = arith.constant 0 : i32
        %parallel_loop3A_1083 = vector.broadcast %parallel_loop3A_1082 : i32 to vector<16xi32>
        %parallel_loop3A_1084 = arith.cmpi slt, %parallel_loop3A_1064, %parallel_loop3A_1083 : vector<16xi32>
        %parallel_loop3A_1085 = arith.constant 16 : i32
        %parallel_loop3A_1086 = vector.broadcast %parallel_loop3A_1085 : i32 to vector<16xi32>
        %parallel_loop3A_1087 = arith.addi %parallel_loop3A_1064, %parallel_loop3A_1086 : vector<16xi32>
        %parallel_loop3A_1088 = arith.select %parallel_loop3A_1084, %parallel_loop3A_1087, %parallel_loop3A_1064 : vector<16xi1>, vector<16xi32>
        %parallel_loop3A_1089 = vector.shape_cast %parallel_loop3A_1088 : vector<16xi32> to vector<16x1xi32>
        %parallel_loop3A_1090 = vector.shape_cast %parallel_loop3A_1089 : vector<16x1xi32> to vector<16xi32>
        %parallel_loop3A_1091 = tpu.dynamic_gather %gather3A_399[%parallel_loop3A_1090] in [0] : vector<16xf32>, vector<16xi32> -> vector<16xf32>
        %parallel_loop3A_1092 = arith.constant 1 : i32
        %parallel_loop3A_1093 = arith.constant 6 : i32
        %parallel_loop3A_1094 = arith.index_cast %and3A_493 : i32 to index
        %parallel_loop3A_1095 = arith.index_cast %parallel_loop3A_1092 : i32 to index
        %parallel_loop3A_1096 = arith.index_cast %parallel_loop3A_1093 : i32 to index
        %parallel_loop3A_1097 = arith.index_cast %parallel_loop3A_544 : i32 to index
        %parallel_loop3A_1098 = tpu.vector_load %arg10[%parallel_loop3A_1094, %parallel_loop3A_1095, %parallel_loop3A_1096, %parallel_loop3A_1097] {strides = array<i32>} : memref<2x5x8x512xf32, #tpu.memory_space<vmem>>, vector<16xf32>,
        tpu.vector_store %arg10[%parallel_loop3A_1094, %parallel_loop3A_1095, %parallel_loop3A_1096, %parallel_loop3A_1097], %parallel_loop3A_1091 {strides = array<i32>} : memref<2x5x8x512xf32, #tpu.memory_space<vmem>>, vector<16xf32>,
        %parallel_loop3A_1099 = arith.constant 0 : i32
        %parallel_loop3A_1100 = vector.broadcast %parallel_loop3A_1099 : i32 to vector<16xi32>
        %parallel_loop3A_1101 = arith.cmpi slt, %parallel_loop3A_1064, %parallel_loop3A_1100 : vector<16xi32>
        %parallel_loop3A_1102 = arith.constant 16 : i32
        %parallel_loop3A_1103 = vector.broadcast %parallel_loop3A_1102 : i32 to vector<16xi32>
        %parallel_loop3A_1104 = arith.addi %parallel_loop3A_1064, %parallel_loop3A_1103 : vector<16xi32>
        %parallel_loop3A_1105 = arith.select %parallel_loop3A_1101, %parallel_loop3A_1104, %parallel_loop3A_1064 : vector<16xi1>, vector<16xi32>
        %parallel_loop3A_1106 = vector.shape_cast %parallel_loop3A_1105 : vector<16xi32> to vector<16x1xi32>
        %parallel_loop3A_1107 = vector.shape_cast %parallel_loop3A_1106 : vector<16x1xi32> to vector<16xi32>
        %parallel_loop3A_1108 = tpu.dynamic_gather %gather3A_409[%parallel_loop3A_1107] in [0] : vector<16xf32>, vector<16xi32> -> vector<16xf32>
        %parallel_loop3A_1109 = arith.constant 2 : i32
        %parallel_loop3A_1110 = arith.constant 6 : i32
        %parallel_loop3A_1111 = arith.index_cast %and3A_493 : i32 to index
        %parallel_loop3A_1112 = arith.index_cast %parallel_loop3A_1109 : i32 to index
        %parallel_loop3A_1113 = arith.index_cast %parallel_loop3A_1110 : i32 to index
        %parallel_loop3A_1114 = arith.index_cast %parallel_loop3A_544 : i32 to index
        %parallel_loop3A_1115 = tpu.vector_load %arg10[%parallel_loop3A_1111, %parallel_loop3A_1112, %parallel_loop3A_1113, %parallel_loop3A_1114] {strides = array<i32>} : memref<2x5x8x512xf32, #tpu.memory_space<vmem>>, vector<16xf32>,
        tpu.vector_store %arg10[%parallel_loop3A_1111, %parallel_loop3A_1112, %parallel_loop3A_1113, %parallel_loop3A_1114], %parallel_loop3A_1108 {strides = array<i32>} : memref<2x5x8x512xf32, #tpu.memory_space<vmem>>, vector<16xf32>,
        %parallel_loop3A_1116 = arith.constant 0 : i32
        %parallel_loop3A_1117 = vector.broadcast %parallel_loop3A_1116 : i32 to vector<16xi32>
        %parallel_loop3A_1118 = arith.cmpi slt, %parallel_loop3A_1064, %parallel_loop3A_1117 : vector<16xi32>
        %parallel_loop3A_1119 = arith.constant 16 : i32
        %parallel_loop3A_1120 = vector.broadcast %parallel_loop3A_1119 : i32 to vector<16xi32>
        %parallel_loop3A_1121 = arith.addi %parallel_loop3A_1064, %parallel_loop3A_1120 : vector<16xi32>
        %parallel_loop3A_1122 = arith.select %parallel_loop3A_1118, %parallel_loop3A_1121, %parallel_loop3A_1064 : vector<16xi1>, vector<16xi32>
        %parallel_loop3A_1123 = vector.shape_cast %parallel_loop3A_1122 : vector<16xi32> to vector<16x1xi32>
        %parallel_loop3A_1124 = vector.shape_cast %parallel_loop3A_1123 : vector<16x1xi32> to vector<16xi32>
        %parallel_loop3A_1125 = tpu.dynamic_gather %gather3A_419[%parallel_loop3A_1124] in [0] : vector<16xf32>, vector<16xi32> -> vector<16xf32>
        %parallel_loop3A_1126 = arith.constant 3 : i32
        %parallel_loop3A_1127 = arith.constant 6 : i32
        %parallel_loop3A_1128 = arith.index_cast %and3A_493 : i32 to index
        %parallel_loop3A_1129 = arith.index_cast %parallel_loop3A_1126 : i32 to index
        %parallel_loop3A_1130 = arith.index_cast %parallel_loop3A_1127 : i32 to index
        %parallel_loop3A_1131 = arith.index_cast %parallel_loop3A_544 : i32 to index
        %parallel_loop3A_1132 = tpu.vector_load %arg10[%parallel_loop3A_1128, %parallel_loop3A_1129, %parallel_loop3A_1130, %parallel_loop3A_1131] {strides = array<i32>} : memref<2x5x8x512xf32, #tpu.memory_space<vmem>>, vector<16xf32>,
        tpu.vector_store %arg10[%parallel_loop3A_1128, %parallel_loop3A_1129, %parallel_loop3A_1130, %parallel_loop3A_1131], %parallel_loop3A_1125 {strides = array<i32>} : memref<2x5x8x512xf32, #tpu.memory_space<vmem>>, vector<16xf32>,
        %parallel_loop3A_1133 = arith.constant 0 : i32
        %parallel_loop3A_1134 = vector.broadcast %parallel_loop3A_1133 : i32 to vector<16xi32>
        %parallel_loop3A_1135 = arith.cmpi slt, %parallel_loop3A_1064, %parallel_loop3A_1134 : vector<16xi32>
        %parallel_loop3A_1136 = arith.constant 16 : i32
        %parallel_loop3A_1137 = vector.broadcast %parallel_loop3A_1136 : i32 to vector<16xi32>
        %parallel_loop3A_1138 = arith.addi %parallel_loop3A_1064, %parallel_loop3A_1137 : vector<16xi32>
        %parallel_loop3A_1139 = arith.select %parallel_loop3A_1135, %parallel_loop3A_1138, %parallel_loop3A_1064 : vector<16xi1>, vector<16xi32>
        %parallel_loop3A_1140 = vector.shape_cast %parallel_loop3A_1139 : vector<16xi32> to vector<16x1xi32>
        %parallel_loop3A_1141 = vector.shape_cast %parallel_loop3A_1140 : vector<16x1xi32> to vector<16xi32>
        %parallel_loop3A_1142 = tpu.dynamic_gather %gather3A_429[%parallel_loop3A_1141] in [0] : vector<16xf32>, vector<16xi32> -> vector<16xf32>
        %parallel_loop3A_1143 = arith.constant 4 : i32
        %parallel_loop3A_1144 = arith.constant 6 : i32
        %parallel_loop3A_1145 = arith.index_cast %and3A_493 : i32 to index
        %parallel_loop3A_1146 = arith.index_cast %parallel_loop3A_1143 : i32 to index
        %parallel_loop3A_1147 = arith.index_cast %parallel_loop3A_1144 : i32 to index
        %parallel_loop3A_1148 = arith.index_cast %parallel_loop3A_544 : i32 to index
        %parallel_loop3A_1149 = tpu.vector_load %arg10[%parallel_loop3A_1145, %parallel_loop3A_1146, %parallel_loop3A_1147, %parallel_loop3A_1148] {strides = array<i32>} : memref<2x5x8x512xf32, #tpu.memory_space<vmem>>, vector<16xf32>,
        tpu.vector_store %arg10[%parallel_loop3A_1145, %parallel_loop3A_1146, %parallel_loop3A_1147, %parallel_loop3A_1148], %parallel_loop3A_1142 {strides = array<i32>} : memref<2x5x8x512xf32, #tpu.memory_space<vmem>>, vector<16xf32>,
        %parallel_loop3A_1150 = arith.constant 7 : i32
        %parallel_loop3A_1151 = arith.index_cast %and3A_493 : i32 to index
        %parallel_loop3A_1152 = arith.index_cast %parallel_loop3A_1150 : i32 to index
        %parallel_loop3A_1153 = arith.index_cast %parallel_loop3A_544 : i32 to index
        %parallel_loop3A_1154 = tpu.vector_load %arg9[%parallel_loop3A_1151, %parallel_loop3A_1152, %parallel_loop3A_1153] {strides = array<i32>} : memref<2x8x512xi32, #tpu.memory_space<vmem>>, vector<16xi32>,
        %parallel_loop3A_1155 = arith.constant 0 : i32
        %parallel_loop3A_1156 = vector.broadcast %parallel_loop3A_1155 : i32 to vector<16xi32>
        %parallel_loop3A_1157 = arith.cmpi slt, %parallel_loop3A_1154, %parallel_loop3A_1156 : vector<16xi32>
        %parallel_loop3A_1158 = arith.constant 16 : i32
        %parallel_loop3A_1159 = vector.broadcast %parallel_loop3A_1158 : i32 to vector<16xi32>
        %parallel_loop3A_1160 = arith.addi %parallel_loop3A_1154, %parallel_loop3A_1159 : vector<16xi32>
        %parallel_loop3A_1161 = arith.select %parallel_loop3A_1157, %parallel_loop3A_1160, %parallel_loop3A_1154 : vector<16xi1>, vector<16xi32>
        %parallel_loop3A_1162 = vector.shape_cast %parallel_loop3A_1161 : vector<16xi32> to vector<16x1xi32>
        %parallel_loop3A_1163 = vector.shape_cast %parallel_loop3A_1162 : vector<16x1xi32> to vector<16xi32>
        %parallel_loop3A_1164 = tpu.dynamic_gather %gather3A_389[%parallel_loop3A_1163] in [0] : vector<16xf32>, vector<16xi32> -> vector<16xf32>
        %parallel_loop3A_1165 = arith.constant 0 : i32
        %parallel_loop3A_1166 = arith.constant 7 : i32
        %parallel_loop3A_1167 = arith.index_cast %and3A_493 : i32 to index
        %parallel_loop3A_1168 = arith.index_cast %parallel_loop3A_1165 : i32 to index
        %parallel_loop3A_1169 = arith.index_cast %parallel_loop3A_1166 : i32 to index
        %parallel_loop3A_1170 = arith.index_cast %parallel_loop3A_544 : i32 to index
        %parallel_loop3A_1171 = tpu.vector_load %arg10[%parallel_loop3A_1167, %parallel_loop3A_1168, %parallel_loop3A_1169, %parallel_loop3A_1170] {strides = array<i32>} : memref<2x5x8x512xf32, #tpu.memory_space<vmem>>, vector<16xf32>,
        tpu.vector_store %arg10[%parallel_loop3A_1167, %parallel_loop3A_1168, %parallel_loop3A_1169, %parallel_loop3A_1170], %parallel_loop3A_1164 {strides = array<i32>} : memref<2x5x8x512xf32, #tpu.memory_space<vmem>>, vector<16xf32>,
        %parallel_loop3A_1172 = arith.constant 0 : i32
        %parallel_loop3A_1173 = vector.broadcast %parallel_loop3A_1172 : i32 to vector<16xi32>
        %parallel_loop3A_1174 = arith.cmpi slt, %parallel_loop3A_1154, %parallel_loop3A_1173 : vector<16xi32>
        %parallel_loop3A_1175 = arith.constant 16 : i32
        %parallel_loop3A_1176 = vector.broadcast %parallel_loop3A_1175 : i32 to vector<16xi32>
        %parallel_loop3A_1177 = arith.addi %parallel_loop3A_1154, %parallel_loop3A_1176 : vector<16xi32>
        %parallel_loop3A_1178 = arith.select %parallel_loop3A_1174, %parallel_loop3A_1177, %parallel_loop3A_1154 : vector<16xi1>, vector<16xi32>
        %parallel_loop3A_1179 = vector.shape_cast %parallel_loop3A_1178 : vector<16xi32> to vector<16x1xi32>
        %parallel_loop3A_1180 = vector.shape_cast %parallel_loop3A_1179 : vector<16x1xi32> to vector<16xi32>
        %parallel_loop3A_1181 = tpu.dynamic_gather %gather3A_399[%parallel_loop3A_1180] in [0] : vector<16xf32>, vector<16xi32> -> vector<16xf32>
        %parallel_loop3A_1182 = arith.constant 1 : i32
        %parallel_loop3A_1183 = arith.constant 7 : i32
        %parallel_loop3A_1184 = arith.index_cast %and3A_493 : i32 to index
        %parallel_loop3A_1185 = arith.index_cast %parallel_loop3A_1182 : i32 to index
        %parallel_loop3A_1186 = arith.index_cast %parallel_loop3A_1183 : i32 to index
        %parallel_loop3A_1187 = arith.index_cast %parallel_loop3A_544 : i32 to index
        %parallel_loop3A_1188 = tpu.vector_load %arg10[%parallel_loop3A_1184, %parallel_loop3A_1185, %parallel_loop3A_1186, %parallel_loop3A_1187] {strides = array<i32>} : memref<2x5x8x512xf32, #tpu.memory_space<vmem>>, vector<16xf32>,
        tpu.vector_store %arg10[%parallel_loop3A_1184, %parallel_loop3A_1185, %parallel_loop3A_1186, %parallel_loop3A_1187], %parallel_loop3A_1181 {strides = array<i32>} : memref<2x5x8x512xf32, #tpu.memory_space<vmem>>, vector<16xf32>,
        %parallel_loop3A_1189 = arith.constant 0 : i32
        %parallel_loop3A_1190 = vector.broadcast %parallel_loop3A_1189 : i32 to vector<16xi32>
        %parallel_loop3A_1191 = arith.cmpi slt, %parallel_loop3A_1154, %parallel_loop3A_1190 : vector<16xi32>
        %parallel_loop3A_1192 = arith.constant 16 : i32
        %parallel_loop3A_1193 = vector.broadcast %parallel_loop3A_1192 : i32 to vector<16xi32>
        %parallel_loop3A_1194 = arith.addi %parallel_loop3A_1154, %parallel_loop3A_1193 : vector<16xi32>
        %parallel_loop3A_1195 = arith.select %parallel_loop3A_1191, %parallel_loop3A_1194, %parallel_loop3A_1154 : vector<16xi1>, vector<16xi32>
        %parallel_loop3A_1196 = vector.shape_cast %parallel_loop3A_1195 : vector<16xi32> to vector<16x1xi32>
        %parallel_loop3A_1197 = vector.shape_cast %parallel_loop3A_1196 : vector<16x1xi32> to vector<16xi32>
        %parallel_loop3A_1198 = tpu.dynamic_gather %gather3A_409[%parallel_loop3A_1197] in [0] : vector<16xf32>, vector<16xi32> -> vector<16xf32>
        %parallel_loop3A_1199 = arith.constant 2 : i32
        %parallel_loop3A_1200 = arith.constant 7 : i32
        %parallel_loop3A_1201 = arith.index_cast %and3A_493 : i32 to index
        %parallel_loop3A_1202 = arith.index_cast %parallel_loop3A_1199 : i32 to index
        %parallel_loop3A_1203 = arith.index_cast %parallel_loop3A_1200 : i32 to index
        %parallel_loop3A_1204 = arith.index_cast %parallel_loop3A_544 : i32 to index
        %parallel_loop3A_1205 = tpu.vector_load %arg10[%parallel_loop3A_1201, %parallel_loop3A_1202, %parallel_loop3A_1203, %parallel_loop3A_1204] {strides = array<i32>} : memref<2x5x8x512xf32, #tpu.memory_space<vmem>>, vector<16xf32>,
        tpu.vector_store %arg10[%parallel_loop3A_1201, %parallel_loop3A_1202, %parallel_loop3A_1203, %parallel_loop3A_1204], %parallel_loop3A_1198 {strides = array<i32>} : memref<2x5x8x512xf32, #tpu.memory_space<vmem>>, vector<16xf32>,
        %parallel_loop3A_1206 = arith.constant 0 : i32
        %parallel_loop3A_1207 = vector.broadcast %parallel_loop3A_1206 : i32 to vector<16xi32>
        %parallel_loop3A_1208 = arith.cmpi slt, %parallel_loop3A_1154, %parallel_loop3A_1207 : vector<16xi32>
        %parallel_loop3A_1209 = arith.constant 16 : i32
        %parallel_loop3A_1210 = vector.broadcast %parallel_loop3A_1209 : i32 to vector<16xi32>
        %parallel_loop3A_1211 = arith.addi %parallel_loop3A_1154, %parallel_loop3A_1210 : vector<16xi32>
        %parallel_loop3A_1212 = arith.select %parallel_loop3A_1208, %parallel_loop3A_1211, %parallel_loop3A_1154 : vector<16xi1>, vector<16xi32>
        %parallel_loop3A_1213 = vector.shape_cast %parallel_loop3A_1212 : vector<16xi32> to vector<16x1xi32>
        %parallel_loop3A_1214 = vector.shape_cast %parallel_loop3A_1213 : vector<16x1xi32> to vector<16xi32>
        %parallel_loop3A_1215 = tpu.dynamic_gather %gather3A_419[%parallel_loop3A_1214] in [0] : vector<16xf32>, vector<16xi32> -> vector<16xf32>
        %parallel_loop3A_1216 = arith.constant 3 : i32
        %parallel_loop3A_1217 = arith.constant 7 : i32
        %parallel_loop3A_1218 = arith.index_cast %and3A_493 : i32 to index
        %parallel_loop3A_1219 = arith.index_cast %parallel_loop3A_1216 : i32 to index
        %parallel_loop3A_1220 = arith.index_cast %parallel_loop3A_1217 : i32 to index
        %parallel_loop3A_1221 = arith.index_cast %parallel_loop3A_544 : i32 to index
        %parallel_loop3A_1222 = tpu.vector_load %arg10[%parallel_loop3A_1218, %parallel_loop3A_1219, %parallel_loop3A_1220, %parallel_loop3A_1221] {strides = array<i32>} : memref<2x5x8x512xf32, #tpu.memory_space<vmem>>, vector<16xf32>,
        tpu.vector_store %arg10[%parallel_loop3A_1218, %parallel_loop3A_1219, %parallel_loop3A_1220, %parallel_loop3A_1221], %parallel_loop3A_1215 {strides = array<i32>} : memref<2x5x8x512xf32, #tpu.memory_space<vmem>>, vector<16xf32>,
        %parallel_loop3A_1223 = arith.constant 0 : i32
        %parallel_loop3A_1224 = vector.broadcast %parallel_loop3A_1223 : i32 to vector<16xi32>
        %parallel_loop3A_1225 = arith.cmpi slt, %parallel_loop3A_1154, %parallel_loop3A_1224 : vector<16xi32>
        %parallel_loop3A_1226 = arith.constant 16 : i32
        %parallel_loop3A_1227 = vector.broadcast %parallel_loop3A_1226 : i32 to vector<16xi32>
        %parallel_loop3A_1228 = arith.addi %parallel_loop3A_1154, %parallel_loop3A_1227 : vector<16xi32>
        %parallel_loop3A_1229 = arith.select %parallel_loop3A_1225, %parallel_loop3A_1228, %parallel_loop3A_1154 : vector<16xi1>, vector<16xi32>
        %parallel_loop3A_1230 = vector.shape_cast %parallel_loop3A_1229 : vector<16xi32> to vector<16x1xi32>
        %parallel_loop3A_1231 = vector.shape_cast %parallel_loop3A_1230 : vector<16x1xi32> to vector<16xi32>
        %parallel_loop3A_1232 = tpu.dynamic_gather %gather3A_429[%parallel_loop3A_1231] in [0] : vector<16xf32>, vector<16xi32> -> vector<16xf32>
        %parallel_loop3A_1233 = arith.constant 4 : i32
        %parallel_loop3A_1234 = arith.constant 7 : i32
        %parallel_loop3A_1235 = arith.index_cast %and3A_493 : i32 to index
        %parallel_loop3A_1236 = arith.index_cast %parallel_loop3A_1233 : i32 to index
        %parallel_loop3A_1237 = arith.index_cast %parallel_loop3A_1234 : i32 to index
        %parallel_loop3A_1238 = arith.index_cast %parallel_loop3A_544 : i32 to index
        %parallel_loop3A_1239 = tpu.vector_load %arg10[%parallel_loop3A_1235, %parallel_loop3A_1236, %parallel_loop3A_1237, %parallel_loop3A_1238] {strides = array<i32>} : memref<2x5x8x512xf32, #tpu.memory_space<vmem>>, vector<16xf32>,
        tpu.vector_store %arg10[%parallel_loop3A_1235, %parallel_loop3A_1236, %parallel_loop3A_1237, %parallel_loop3A_1238], %parallel_loop3A_1232 {strides = array<i32>} : memref<2x5x8x512xf32, #tpu.memory_space<vmem>>, vector<16xf32>,
      } {sc.loop_unroll_factor = 4 : i64, sc.parallel_access}
      %mul3A_524 = arith.constant 8 : i32
      %mul3A_525 = arith.muli %scan3A_491, %mul3A_524 : i32
      %dma_start3A_526 = arith.constant 0 : i32
      %dma_start3A_527 = arith.constant 0 : i32
      %dma_start3A_528 = arith.constant 0 : i32
      %dma_start3A_529 = tpu.memref_slice %arg10[%and3A_493, %dma_start3A_526, %dma_start3A_527, %dma_start3A_528] : memref<2x5x8x512xf32, #tpu.memory_space<vmem>> -> memref<1x5x8x512xf32, #tpu.memory_space<vmem>>
      %dma_start3A_530 = tpu.memref_squeeze %dma_start3A_529 : memref<1x5x8x512xf32, #tpu.memory_space<vmem>> -> memref<5x8x512xf32, #tpu.memory_space<vmem>>
      %dma_start3A_531 = arith.constant 0 : i32
      %dma_start3A_532 = tpu.memref_slice %arg4[%dma_start3A_531, %mul3A_525, %mul3A_431] : memref<5x200x16384xf32, #tpu.memory_space<hbm>> -> memref<5x8x512xf32, #tpu.memory_space<hbm>>
      %dma_start3A_533 = tpu.memref_slice %arg12[%and3A_493] : memref<2x!tpu.dma_semaphore, #tpu.memory_space<semaphore_mem>> -> memref<1x!tpu.dma_semaphore, #tpu.memory_space<semaphore_mem>>
      %dma_start3A_534 = tpu.memref_squeeze %dma_start3A_533 : memref<1x!tpu.dma_semaphore, #tpu.memory_space<semaphore_mem>> -> memref<!tpu.dma_semaphore, #tpu.memory_space<semaphore_mem>>
      %dma_start3A_535 = arith.constant 0 : i32
      %dma_start3A_536 = tpu.memref_slice %arg4[%dma_start3A_535, %mul3A_525, %mul3A_431] : memref<5x200x16384xf32, #tpu.memory_space<hbm>> -> memref<5x8x512xf32, #tpu.memory_space<hbm>>
      %dma_start3A_537 = arith.constant 0 : i32
      %dma_start3A_538 = arith.constant 0 : i32
      %dma_start3A_539 = arith.constant 0 : i32
      %dma_start3A_540 = tpu.memref_slice %arg10[%and3A_493, %dma_start3A_537, %dma_start3A_538, %dma_start3A_539] : memref<2x5x8x512xf32, #tpu.memory_space<vmem>> -> memref<1x5x8x512xf32, #tpu.memory_space<vmem>>
      %dma_start3A_541 = tpu.memref_squeeze %dma_start3A_540 : memref<1x5x8x512xf32, #tpu.memory_space<vmem>> -> memref<5x8x512xf32, #tpu.memory_space<vmem>>
      tpu.enqueue_dma source(%dma_start3A_541 : memref<5x8x512xf32, #tpu.memory_space<vmem>>) target(%dma_start3A_536 : memref<5x8x512xf32, #tpu.memory_space<hbm>>) target_semaphore(%dma_start3A_534 : memref<!tpu.dma_semaphore, #tpu.memory_space<semaphore_mem>>)
    }
    %scan3A_451 = arith.constant 25 : i32
    %dma_wait3A = arith.constant 1 : i32
    %dma_wait3A_452 = arith.constant 1 : i32
    %dma_wait3A_453 = arith.constant 0 : i32
    %dma_wait3A_454 = arith.constant 0 : i32
    %dma_wait3A_455 = arith.constant 0 : i32
    %dma_wait3A_456 = tpu.memref_slice %arg10[%dma_wait3A, %dma_wait3A_453, %dma_wait3A_454, %dma_wait3A_455] : memref<2x5x8x512xf32, #tpu.memory_space<vmem>> -> memref<1x5x8x512xf32, #tpu.memory_space<vmem>>
    %dma_wait3A_457 = tpu.memref_squeeze %dma_wait3A_456 : memref<1x5x8x512xf32, #tpu.memory_space<vmem>> -> memref<5x8x512xf32, #tpu.memory_space<vmem>>
    %dma_wait3A_458 = arith.constant 0 : i32
    %dma_wait3A_459 = arith.constant 184 : i32
    %dma_wait3A_460 = tpu.memref_slice %arg4[%dma_wait3A_458, %dma_wait3A_459, %mul3A_431] : memref<5x200x16384xf32, #tpu.memory_space<hbm>> -> memref<5x8x512xf32, #tpu.memory_space<hbm>>
    %dma_wait3A_461 = tpu.memref_slice %arg12[%dma_wait3A_452] : memref<2x!tpu.dma_semaphore, #tpu.memory_space<semaphore_mem>> -> memref<1x!tpu.dma_semaphore, #tpu.memory_space<semaphore_mem>>
    %dma_wait3A_462 = tpu.memref_squeeze %dma_wait3A_461 : memref<1x!tpu.dma_semaphore, #tpu.memory_space<semaphore_mem>> -> memref<!tpu.dma_semaphore, #tpu.memory_space<semaphore_mem>>
    %dma_wait3A_463 = arith.constant 0 : i32
    %dma_wait3A_464 = arith.constant 184 : i32
    %dma_wait3A_465 = tpu.memref_slice %arg4[%dma_wait3A_463, %dma_wait3A_464, %mul3A_431] : memref<5x200x16384xf32, #tpu.memory_space<hbm>> -> memref<5x8x512xf32, #tpu.memory_space<hbm>>
    %dma_wait3A_466 = arith.constant 0 : i32
    %dma_wait3A_467 = arith.constant 0 : i32
    %dma_wait3A_468 = arith.constant 0 : i32
    %dma_wait3A_469 = tpu.memref_slice %arg10[%dma_wait3A, %dma_wait3A_466, %dma_wait3A_467, %dma_wait3A_468] : memref<2x5x8x512xf32, #tpu.memory_space<vmem>> -> memref<1x5x8x512xf32, #tpu.memory_space<vmem>>
    %dma_wait3A_470 = tpu.memref_squeeze %dma_wait3A_469 : memref<1x5x8x512xf32, #tpu.memory_space<vmem>> -> memref<5x8x512xf32, #tpu.memory_space<vmem>>
    tpu.wait_dma2 semaphore(%dma_wait3A_462 : memref<!tpu.dma_semaphore, #tpu.memory_space<semaphore_mem>>) src(%dma_wait3A_470 : memref<5x8x512xf32, #tpu.memory_space<vmem>>) dst(%dma_wait3A_465 : memref<5x8x512xf32, #tpu.memory_space<hbm>>)
    %dma_wait3A_471 = arith.constant 0 : i32
    %dma_wait3A_472 = arith.constant 0 : i32
    %dma_wait3A_473 = arith.constant 0 : i32
    %dma_wait3A_474 = arith.constant 0 : i32
    %dma_wait3A_475 = arith.constant 0 : i32
    %dma_wait3A_476 = tpu.memref_slice %arg10[%dma_wait3A_471, %dma_wait3A_473, %dma_wait3A_474, %dma_wait3A_475] : memref<2x5x8x512xf32, #tpu.memory_space<vmem>> -> memref<1x5x8x512xf32, #tpu.memory_space<vmem>>
    %dma_wait3A_477 = tpu.memref_squeeze %dma_wait3A_476 : memref<1x5x8x512xf32, #tpu.memory_space<vmem>> -> memref<5x8x512xf32, #tpu.memory_space<vmem>>
    %dma_wait3A_478 = arith.constant 0 : i32
    %dma_wait3A_479 = arith.constant 192 : i32
    %dma_wait3A_480 = tpu.memref_slice %arg4[%dma_wait3A_478, %dma_wait3A_479, %mul3A_431] : memref<5x200x16384xf32, #tpu.memory_space<hbm>> -> memref<5x8x512xf32, #tpu.memory_space<hbm>>
    %dma_wait3A_481 = tpu.memref_slice %arg12[%dma_wait3A_472] : memref<2x!tpu.dma_semaphore, #tpu.memory_space<semaphore_mem>> -> memref<1x!tpu.dma_semaphore, #tpu.memory_space<semaphore_mem>>
    %dma_wait3A_482 = tpu.memref_squeeze %dma_wait3A_481 : memref<1x!tpu.dma_semaphore, #tpu.memory_space<semaphore_mem>> -> memref<!tpu.dma_semaphore, #tpu.memory_space<semaphore_mem>>
    %dma_wait3A_483 = arith.constant 0 : i32
    %dma_wait3A_484 = arith.constant 192 : i32
    %dma_wait3A_485 = tpu.memref_slice %arg4[%dma_wait3A_483, %dma_wait3A_484, %mul3A_431] : memref<5x200x16384xf32, #tpu.memory_space<hbm>> -> memref<5x8x512xf32, #tpu.memory_space<hbm>>
    %dma_wait3A_486 = arith.constant 0 : i32
    %dma_wait3A_487 = arith.constant 0 : i32
    %dma_wait3A_488 = arith.constant 0 : i32
    %dma_wait3A_489 = tpu.memref_slice %arg10[%dma_wait3A_471, %dma_wait3A_486, %dma_wait3A_487, %dma_wait3A_488] : memref<2x5x8x512xf32, #tpu.memory_space<vmem>> -> memref<1x5x8x512xf32, #tpu.memory_space<vmem>>
    %dma_wait3A_490 = tpu.memref_squeeze %dma_wait3A_489 : memref<1x5x8x512xf32, #tpu.memory_space<vmem>> -> memref<5x8x512xf32, #tpu.memory_space<vmem>>
    tpu.wait_dma2 semaphore(%dma_wait3A_482 : memref<!tpu.dma_semaphore, #tpu.memory_space<semaphore_mem>>) src(%dma_wait3A_490 : memref<5x8x512xf32, #tpu.memory_space<vmem>>) dst(%dma_wait3A_485 : memref<5x8x512xf32, #tpu.memory_space<hbm>>)
    return
  }
}

</mosaic_0001>

<sc_bundles>
// kernel: kernel.3.cloned.1.call-start
scs
__scs_entry_jumppad:
0x0: {  	(pc) =	sbr.rel $0x88, $3  }
0x1: {  	(tag) =	ssettag $0x0;
	lr =	simm.s32 $0x1  }
0x2: {  	[smem:$0x3F9F] =	sst lr;
	_ =	strace $0xD0000000  }
0x3: {  	_ = 	snop  }
0x4: {  	_ = 	snop  }
0x5: {  	_ = 	snop  }
0x6: {  	_ = 	snop  }
0x7: {  	_ = 	snop  }
__scs_overlays_trampoline_lowered:
0x8: {  	[smem:$0x3FAE] =	sst s0  }
0x9: {  	[smem:$0x3FAF] =	sst s1  }
0xa: {  	[smem:$0x3FB0] =	sst s2  }
0xb: {  	[smem:$0x3FB1] =	sst s3  }
0xc: {  	[smem:$0x3FB2] =	sst s4  }
0xd: {  	[smem:$0x3FB3] =	sst s5  }
0xe: {  	[smem:$0x3FB4] =	sst s6  }
0xf: {  	[smem:$0x3FB5] =	sst s7  }
0x10: {  	[smem:$0x3FB6] =	sst s8  }
0x11: {  	[smem:$0x3FB7] =	sst s9;
	s0 =	simm.s32 @!p0 $0x0  }
0x12: {  	s1 =	sld [smem:$0x3F9D];
	s0 =	simm.s32 @p0 $0x1  }
0x13: {  	[smem:$0x3FB8] =	sst s0;
	s0 =	simm.s32 @!p1 $0x0  }
0x14: {  	s2 =	sld [smem:$0x3F9C];
	s0 =	simm.s32 @p1 $0x1  }
0x15: {  	[smem:$0x3FB9] =	sst s0;
	s0 =	simm.s32 @!p2 $0x0  }
0x16: {  	s3 =	sld [smem:$0x3FDB];
	s0 =	simm.s32 @p2 $0x1  }
0x17: {  	s4 =	simm.s32 $0x1BF5;
	[smem:$0x3FBB] =	sst s0  }
0x18: {  	s0 =	sld [smem:$0x3F9E];
	_ =	swait.ge [sflag:s4], $0x0  }
0x19: {  	s7 =	sld [smem:$0x3F9F]  }
0x1a: {  	s8 =	sadd.s32 $0xFFFFE003, lr  }
0x1b: {  	s9 =	sadd.s32 $0xFFFFFEF7, lr;
	s5 =	simm.s32 $0xFFFFFFFF;
	p2 =	slt.u32 s8, $0xFFFFF086  }
0x1c: {  	p1 =	slt.u32 s9, $0xF7A;
	s5 =	simm.s32 @!p2 $0x0  }
0x1d: {  	s5 =	simm.s32 @p1 $0x1;
	p0 =	seq.s32 s7, s2  }
0x1e: {  	s7 =	smul.u32 @!p0 $0xF7A, s2;
	p2 =	seq.s32 @!p0 s5, $0x0  }
0x1f: {  	s9 =	smul.u32 $0xF7A, s1;
	s8 =	simm.s32 @!p0 $0x1BF5;
	p2 =	por !p2, p0  }
0x20: {  	[sflag:s8] =	ssyncset.s32 @!p0 $0xFFFFF086;
	s6 =	sadd.s32 @!p0 s3, s7;
	s7 =	simm.s32 @!p0 $0x108  }
0x21: {  	s3 =	sadd.s32 s3, s9;
	s6 =	sadd.s32 @!p0 $0x88, s6;
	s7 =	simm.s32 @p2 $0x1082  }
0x22: {  	[simem:s7], [sflag:s8] =	dma.local @!p0 [hbm:s6], $0xF7A  }
0x23: {  	s9 =	sor.u32 $0xD0000000, s2;
	s6 =	simm.s32 $0x108;
	_ =	swait.ge @!p0 [sflag:s8], $0x0  }
0x24: {  	s3 =	sadd.s32 $0x88, s3;
	s6 =	simm.s32 @!p1 $0x1082;
	[sflag:s4] =	ssyncset.s32 $0xFFFFF086  }
0x25: {  	[simem:s6], [sflag:s4] =	dma.local [hbm:s3], $0xF7A  }
0x26: {  	[smem:$0x3F9F] =	sst s1;
	(tag) =	ssettag s2;
	_ =	strace s9  }
0x27: {  	s1 =	sld [smem:$0x3FAF]  }
0x28: {  	s2 =	sld [smem:$0x3FB0]  }
0x29: {  	s4 =	sld [smem:$0x3FB2]  }
0x2a: {  	p0 =	seq.s32 s5, $0x0;
	s5 =	sld [smem:$0x3FB3]  }
0x2b: {  	s6 =	sld [smem:$0x3FB4]  }
0x2c: {  	s7 =	sld [smem:$0x3FB5]  }
0x2d: {  	s3 =	simm.s32 $0x108;
	s8 =	sld [smem:$0x3FB6]  }
0x2e: {  	s3 =	simm.s32 @!p0 $0x1082;
	s9 =	sld [smem:$0x3FB7]  }
0x2f: {  	lr =	sadd.s32 s0, s3;
	s0 =	sld [smem:$0x3FAE]  }
0x30: {  	s3 =	sld [smem:$0x3FB1]  }
0x31: {  	[smem:$0x3FBA] =	sst s10  }
0x32: {  	s10 =	sld [smem:$0x3FB8];
	_ =	sdelay $0x3  }
0x33: {  	p0 =	seq.s32 s10, $0x1;
	s10 =	sld [smem:$0x3FBA];
	_ =	sdelay $0x3  }
0x34: {  	[smem:$0x3FBA] =	sst s10  }
0x35: {  	s10 =	sld [smem:$0x3FB9];
	_ =	sdelay $0x3  }
0x36: {  	p1 =	seq.s32 s10, $0x1;
	s10 =	sld [smem:$0x3FBA];
	_ =	sdelay $0x3  }
0x37: {  	[smem:$0x3FBA] =	sst s10  }
0x38: {  	s10 =	sld [smem:$0x3FBB]  }
0x39: {  	_ = 	snop;
	(pc) =	sbr.ind lr, $3  }
0x3a: {  	_ = 	snop  }
0x3b: {  	_ = 	snop  }
0x3c: {  	p2 =	seq.s32 s10, $0x1;
	s10 =	sld [smem:$0x3FBA]  }
0x3d: {  	_ =	shalt  }
0x3e: {  	_ =	shalt  }
0x3f: {  	_ =	shalt  }
0x40: {  	_ =	shalt  }
0x41: {  	_ =	shalt  }
0x42: {  	_ =	shalt  }
0x43: {  	_ =	shalt  }
0x44: {  	_ =	shalt  }
0x45: {  	_ =	shalt  }
0x46: {  	_ =	shalt  }
0x47: {  	_ =	shalt  }
0x48: {  	_ =	shalt  }
0x49: {  	_ =	shalt  }
0x4a: {  	_ =	shalt  }
0x4b: {  	_ =	shalt  }
0x4c: {  	_ =	shalt  }
0x4d: {  	_ =	shalt  }
0x4e: {  	_ =	shalt  }
0x4f: {  	_ =	shalt  }
0x50: {  	_ =	shalt  }
0x51: {  	_ =	shalt  }
0x52: {  	_ =	shalt  }
0x53: {  	_ =	shalt  }
0x54: {  	_ =	shalt  }
0x55: {  	_ =	shalt  }
0x56: {  	_ =	shalt  }
0x57: {  	_ =	shalt  }
0x58: {  	_ =	shalt  }
0x59: {  	_ =	shalt  }
0x5a: {  	_ =	shalt  }
0x5b: {  	_ =	shalt  }
0x5c: {  	_ =	shalt  }
0x5d: {  	_ =	shalt  }
0x5e: {  	_ =	shalt  }
0x5f: {  	_ =	shalt  }
0x60: {  	_ =	shalt  }
0x61: {  	_ =	shalt  }
0x62: {  	_ =	shalt  }
0x63: {  	_ =	shalt  }
0x64: {  	_ =	shalt  }
0x65: {  	_ =	shalt  }
0x66: {  	_ =	shalt  }
0x67: {  	_ =	shalt  }
0x68: {  	_ =	shalt  }
0x69: {  	_ =	shalt  }
0x6a: {  	_ =	shalt  }
0x6b: {  	_ =	shalt  }
0x6c: {  	_ =	shalt  }
0x6d: {  	_ =	shalt  }
0x6e: {  	_ =	shalt  }
0x6f: {  	_ =	shalt  }
0x70: {  	_ =	shalt  }
0x71: {  	_ =	shalt  }
0x72: {  	_ =	shalt  }
0x73: {  	_ =	shalt  }
0x74: {  	_ =	shalt  }
0x75: {  	_ =	shalt  }
0x76: {  	_ =	shalt  }
0x77: {  	_ =	shalt  }
0x78: {  	_ =	shalt  }
0x79: {  	_ =	shalt  }
0x7a: {  	_ =	shalt  }
0x7b: {  	_ =	shalt  }
0x7c: {  	_ =	shalt  }
0x7d: {  	_ =	shalt  }
0x7e: {  	_ =	shalt  }
0x7f: {  	_ =	shalt  }
0x80: {  	_ =	shalt  }
0x81: {  	_ =	shalt  }
0x82: {  	_ =	shalt  }
0x83: {  	_ =	shalt  }
0x84: {  	_ =	shalt  }
0x85: {  	_ =	shalt  }
0x86: {  	_ =	shalt  }
0x87: {  	_ =	shalt  }
.Lfunc_end0:
.L_simem_size_0:
called_computation_lowered:
.L_overlay_start_0:
0x88: {  	s2 =	sld [smem:$0x3FD9]  }
0x89: {  	s3 =	sld [smem:$0x3FFE];
	_ =	sdelay $0x1  }
0x8a: {  	s1 =	srdreg.scid  }
0x8b: {  	s0 =	sand.u32 $0x1, s1  }
0x8c: {  	s17 =	sshll.u32 s0, $0xA;
	s2 =	sadd.s32 s3, s2  }
0x8d: {  	s2 =	sadd.s32 s2, s17  }
0x8e: {  	[smem:$0x3FC6] =	sst s2  }
0x8f: {  	_ = 	snop  }
0x90: {  	s2 =	sld [smem:$0x3FC9]  }
0x91: {  	s18 =	sld [smem:$0x3FD0];
	(tm) =	ssettm $0x1  }
0x92: {  	s4 =	sld [smem:$0x3FFB];
	_ =	sdelay $0x3  }
0x93: {  	_ =	strace s4  }
0x94: {  	s4 =	sld [smem:$0x3FFC];
	_ =	sdelay $0x3  }
0x95: {  	_ =	strace s4  }
0x96: {  	s4 =	sld [smem:$0x3FFD];
	_ =	sdelay $0x3  }
0x97: {  	_ =	strace s4  }
0x98: {  	_ =	strace $0x8FFFFFFF  }
0x99: {  	s19 =	sld [smem:$0x3FDB];
	_ =	sdelay $0x1  }
0x9a: {  	s5 =	simm.s32 $_scs_section_size  }
0x9b: {  	s6 =	simm.s32 $_size__tile_overlayer_lowered;
	s7 =	simm.s32 $_tile_overlayer_lowered  }
0x9c: {  	s22 =	simm.s32 $0x1BFF;
	s21 =	sshll.u32 s7, $0x1;
	s4 =	sadd.s32 s5, s19  }
0x9d: {  	s8 =	simm.s32 $0x0;
	s20 =	sshll.u32 s6, $0x1;
	s6 =	sadd.s32 s21, s4  }
0x9e: {  	[timem:s8], [sflag:s22] =	dma.local [hbm:s6], s20  }
0x9f: {  	_ =	swait.ge [sflag:s22], s20  }
0xa0: {  	s5 =	ssub.s32 $0x0, s20;
	[sflag:s22] =	ssyncset.done $0x0  }
0xa1: {  	[sflag:s22] =	ssyncadd.s32 s5;
	_ =	sdelay $0x1  }
0xa2: {  	s23 =	simm.s32 $0x1B8B  }
0xa3: {  	_ =	swait.ge [sflag:s23], $0x1  }
0xa4: {  	[sflag:s23] =	ssyncset.done $0x0  }
0xa5: {  	s25 =	simm.s32 $0x1B8E;
	s24 =	sld [smem:$0x3FFE];
	[sflag:s23] =	ssyncadd.s32 $0xFFFFFFFF  }
0xa6: {  	s26 =	simm.s32 $execute0_lowered;
	[smem:$0x3FD2] =	sst s25  }
0xa7: {  	s6 =	sshll.u32 s26, $0x1;
	_ =	strace $0x80000046;
	[dreg:$0x1] =	wrdreg $0xFFFFFFFF  }
0xa8: {  	s28 =	simm.s32 $_size_execute0_lowered;
	s4 =	sadd.s32 s4, s6;
	[dreg:$0x0] =	wrdreg $0x0  }
0xa9: {  	s6 =	sshll.u32 s28, $0x1;
	[dreg:$0x2] =	wrdreg s4  }
0xaa: {  	[dreg:$0x3] =	wrdreg s6  }
0xab: {  	[dreg:$0x4] =	wrdreg $0xC0  }
0xac: {  	_ =	task [dreg:s8], $0x5FFFF  }
0xad: {  	[dreg:$0x1] =	wrdreg $0xFFFFFFFF  }
0xae: {  	[dreg:$0x0] =	wrdreg $0x60  }
0xaf: {  	[dreg:$0x2] =	wrdreg s2  }
0xb0: {  	[dreg:$0x3] =	wrdreg s24  }
0xb1: {  	[dreg:$0x4] =	wrdreg s18  }
0xb2: {  	[dreg:$0x5] =	wrdreg $0x9  }
0xb3: {  	_ =	task.clear_ibuf [dreg:s8], $0x6FFFF;
	_ =	strace $0x90000046  }
0xb4: {  	s29 =	simm.s32 $0x9;
	_ =	strace $0x80000048  }
0xb5: {  	_ =	swait.ge [sflag:s29], $0x1  }
0xb6: {  	[sflag:s29] =	ssyncadd.s32 $0xFFFFFFFF  }
0xb7: {  	_ =	strace $0x90000048  }
0xb8: {  	_ =	sfence  }
0xb9: {  	s30 =	sld [smem:$0x0];
	_ =	sdelay $0x2  }
0xba: {  	s31 =	sshll.u32 s1, $0xD;
	s1 =	sshrl.u32 s1, $0x2  }
0xbb: {  	s3 =	sand.u32 $0x4000, s31;
	s1 =	sadd.s32 s1, s30  }
0xbc: {  	s0 =	sor.u32 s3, s0;
	s1 =	sshll.u32 s1, $0x11  }
0xbd: {  	s0 =	sor.u32 s1, s0  }
0xbe: {  	s0 =	sadd.s32 $0x8F2B, s0  }
0xbf: {  	[sflag:s0] =	ssyncadd.remote.s32 $0x1  }
0xc0: {  	_ =	sfence.sel $0xFFFF  }
0xc1: {  	[dreg:$0x0] =	wrdreg $0xFFFFFFFF;
	(pc) =	sbr.abs _section_cstart, $3  }
0xc2: {  	[dreg:$0x1] =	wrdreg $0xFFFFFFFF  }
0xc3: {  	_ =	task.clear_ibuf [dreg:s8], $0x2FFFF;
	_ =	strace $0x9FFFFFFF  }
0xc4: {  	(tm) =	ssettm $0x7FFFFFFF  }
0xc5: {  	_ =	shalt  }
tec
execute0_lowered:
.L_overlay_start_1:
0x0: {  	(tag) =	ssettag $0x1  }
0x1: {  	v0 =	vimm.s32 $0x21043213;
	vm0 =	vmmov $0x1  }
0x2: {  	vm1 =	vmmov $0x1f;
	vm3 =	vcmask $0x2304;
	v3 =	vimm.s32 $0x54329876  }
0x3: {  	vm4 =	vcmask $0x3F24;
	v5 =	vimm.s32 $0x43210430;
	v6 =	vimm.s32 $0x1003130  }
0x4: {  	v7 =	vimm.s32 $0x4321041;
	v8 =	vimm.s32 $0x32104320;
	vm2 =	vcmask $0x2F10  }
0x5: {  	v9 =	vimm.s32 $0x10432102;
	v10 =	vimm.s32 $0xD0C0B0A;
	v11 =	vimm.s32 $0x4030201  }
0x6: {  	v12 =	vimm.s32 $0x231E1914;
	vm5 =	vcmask $0x1F10;
	vm15 =	vcmask $0x2F20  }
0x7: {  	v14 =	vimm.s32 $0x241F1A15;
	v15 =	vimm.s32 $0x110C0702;
	v16 =	vimm.s32 $0x120D0803  }
0x8: {  	v17 =	vimm.s32 $0x27221D18;
	v1 =	vunpack.c.l.s4.s8 v0;
	v0 =	vimm.s32 $0x4321040  }
0x9: {  	v4 =	vunpack.c.l.s4.s8 v3;
	v5 =	vunpack.c.l.s4.s8 v5;
	v6 =	vunpack.c.0.s8.s32 v6  }
0xa: {  	v7 =	vunpack.c.l.s4.s8 v7;
	v8 =	vunpack.c.l.s4.s8 v8;
	v9 =	vunpack.c.l.s4.s8 v9  }
0xb: {  	v13 =	vunpack.c.0.s8.s32 v11;
	v11 =	vunpack.c.0.s8.s32 v12;
	v12 =	vimm.s32 $0x31312D28  }
0xc: {  	v2 =	vunpack.c.l.s4.s8 v0;
	v4 =	vunpack.c.0.s8.s32 v4;
	v7 =	vunpack.c.0.s8.s32 v7  }
0xd: {  	v0 =	vlaneseq.u32;
	v1 =	vunpack.c.0.s8.s32 v1;
	v8 =	vunpack.c.0.s8.s32 v8  }
0xe: {  	v9 =	vunpack.c.0.s8.s32 v9;
	v4 =	vand.u32 $0xF, v4;
	v7 =	vnsel vm3, $0x3, v7  }
0xf: {  	v4 =	vsel vm2, v4, v6;
	v6 =	vunpack.c.0.s8.s32 v10;
	v10 =	vunpack.c.0.s8.s32 v5  }
0x10: {  	v2 =	vunpack.c.0.s8.s32 v2;
	v5 =	vsel vm4, v8, v7;
	v7 =	vnsel vm3, $0x4, v9  }
0x11: {  	v1 =	vnsel vm3, $0x0, v1;
	v7 =	vsel vm4, v10, v7;
	v10 =	vimm.s32 $0xF0A0500  }
0x12: {  	v3 =	vor.u32 $0x20, v0;
	v1 =	vsel vm4, v2, v1;
	v10 =	vunpack.c.0.s8.s32 v10  }
0x13: {  	v2 =	vor.u32 $0x10, v0;
	vm2 =	vcmask $0x3F30;
	vm3 =	vcmask $0xF00  }
0x14: {  	v8 =	vadd.s32 $0x1E, v0;
	v9 =	vimm.s32 $0x31302F2E;
	v10 =	vnsel vm3, $0x31, v10  }
0x15: {  	v10 =	vsel vm5, v11, v10;
	v11 =	vunpack.c.0.s8.s32 v12;
	v12 =	vimm.s32 $0x100B0601  }
0x16: {  	v9 =	vunpack.c.0.s8.s32 v9;
	v13 =	vnsel vm3, $0x4, v13;
	v12 =	vunpack.c.0.s8.s32 v12  }
0x17: {  	v10 =	vsel vm15, v11, v10;
	v11 =	vunpack.c.0.s8.s32 v14;
	v14 =	vimm.s32 $0x31312E29  }
0x18: {  	v4 =	vsel vm2, v6, v4;
	v12 =	vnsel vm3, $0x31, v12;
	v14 =	vunpack.c.0.s8.s32 v14  }
0x19: {  	v11 =	vsel vm5, v11, v12;
	v12 =	vunpack.c.0.s8.s32 v15;
	v15 =	vimm.s32 $0x25201B16  }
0x1a: {  	s5 =	rddreg [dreg:$0x0];
	v11 =	vsel vm15, v14, v11;
	v14 =	vunpack.c.0.s8.s32 v15;
	v15 =	vimm.s32 $0x31312F2A  }
0x1b: {  	s0 =	rddreg [dreg:$0x1];
	s6 =	simm.s32 $0x0;
	s1 =	srdreg.scid;
	vm2 =	vmmov $0x3;
	v12 =	vnsel vm3, $0x31, v12;
	v15 =	vunpack.c.0.s8.s32 v15  }
0x1c: {  	s3 =	stileid.u32;
	[smem:$0x7FF] =	sst s6;
	s1 =	sand.u32 $0x1, s1;
	v12 =	vsel vm5, v14, v12;
	v14 =	vunpack.c.0.s8.s32 v16;
	v16 =	vimm.s32 $0x26211C17  }
0x1d: {  	s3 =	sshll.u32 s3, $0xD;
	s2 =	ssub.s32 $0x2, s1;
	s1 =	sshll.u32 s1, $0xC;
	v12 =	vsel vm15, v15, v12;
	v15 =	vunpack.c.0.s8.s32 v16;
	v16 =	vimm.s32 $0x130E0904  }
0x1e: {  	s0 =	sadd.s32 $0x400, s0;
	_ =	strace $0x80000047;
	s3 =	sor.u32 s1, s3;
	v6 =	vadd.s32 $0xE, v0;
	v14 =	vnsel vm3, $0x31, v14;
	v16 =	vunpack.c.0.s8.s32 v16  }
0x1f: {  	[dreg:$0x1c] =	wrdreg s0;
	s4 =	sshrl.u32 s2, $0x1;
	s1 =	sshrl.u32 s3, $0x3;
	v18 =	vsel vm5, v15, v14;
	v14 =	vimm.s32 $0x3131302B;
	v15 =	vunpack.c.0.s8.s32 v17  }
0x20: {  	s31 =	ssub.s32 s2, s4;
	[dreg:$0x1b] =	wrdreg s3;
	s1 =	sadd.s32 s5, s1;
	v9 =	vnsel vm3, $0x31, v9;
	v17 =	vunpack.c.0.s8.s32 v14;
	v16 =	vnsel vm3, $0x31, v16  }
0x21: {  	s0 =	smax.u32 s31, $0x1;
	[dreg:$0x1d] =	wrdreg s1;
	v14 =	vimm.s32 $0x31;
	vm3 =	vcmask $0x2320;
	v19 =	vsel vm5, v15, v16  }
0x22: {  	s2 =	simm.s32 $0x0;
	[dreg:$0x1e] =	wrdreg s0;
	v15 =	vimm.s32 $0x4;
	v16 =	vsel vm15, v17, v18;
	v17 =	vsel vm3, $0x2C, v19  }
.LBB2_1:
0x23: {  	[dreg:$0x1f] =	wrdreg s2  }
0x24: {  	s0 =	rddreg [dreg:$0x1c];
	s1 =	simm.s32 $0x80;
	s25 =	simm.s32 $0x5  }
0x25: {  	[tilespmem:s1], [sflag:$0x5] =	stream.linear.gather [hbm4b:s0+s6], $0x80, $0x38;
	[tilespmem:$0xC200] =	vst v63  }
0x26: {  	_ =	swait.ge [sflag:s25], $0x80  }
0x27: {  	[sflag:s25] =	ssyncset.done $0x0  }
0x28: {  	[sflag:s25] =	ssyncadd.s32 $0xFFFFFF80  }
0x29: {  	s4 =	simm.s32 $0x180;
	s26 =	rddreg [dreg:$0x0]  }
0x2a: {  	[tilespmem:s4], [sflag:$0x5] =	stream.linear.gather [hbm4b:s26+s6], $0x10, $0x38;
	[tilespmem:$0xC200] =	vst v63  }
0x2b: {  	_ =	swait.ge [sflag:s25], $0x10  }
0x2c: {  	[sflag:s25] =	ssyncset.done $0x0  }
0x2d: {  	[sflag:s25] =	ssyncadd.s32 $0xFFFFFFF0  }
0x2e: {  	v18 =	vld [tilespmem:$0x180];
	_ =	sdelay $0x4  }
0x2f: {  	v18 =	vnsel vm0, $0x0, v18  }
0x30: {  	(xrf0) =	vadd.scan.msk.s32 $0xffff, v18;
	_ =	sdelay $0x5  }
0x31: {  	v18, _, _ =	vpop (xrf0)  }
0x32: {  	(v2sf) =	vpush v18, $0xF;
	_ =	sdelay $0xe  }
0x33: {  	s28 =	spop (v2sf)  }
0x34: {  	s0 =	smul.u32 $0x5, s28;
	_ =	sdelay $0x1  }
0x35: {  	v18 =	vadd.s32 s0, v0  }
0x36: {  	vm3 =	vlt.s32 v18, $0x31  }
0x37: {  	v18 =	vnsel vm3, $0x31, v18;
	_ =	sdelay $0x4  }
0x38: {  	v18 =	vld.idx.msk [tilespmem:v18+s1+$0x0], $0xffff;
	_ =	sdelay $0x4  }
0x39: {  	v18 =	vnsel vm1, $0xF149F2CA, v18  }
0x3a: {  	(xrf0) =	vmax.scan.msk.f32 $0xffff, v18;
	_ =	sdelay $0x5  }
0x3b: {  	v19, _, _ =	vpop (xrf0)  }
0x3c: {  	v19 =	vbroadcast v19, $0xF;
	_ =	sdelay $0x1  }
0x3d: {  	v18 =	vsub.f32 v18, v19;
	_ =	sdelay $0x1  }
0x3e: {  	v18 =	vmul.f32 $1.442695020e+00, v18;
	_ =	sdelay $0x1  }
0x3f: {  	(erf) = vpow2.f32 v18;
	_ =	sdelay $0x8  }
0x40: {  	v18 =	vpop (erf)  }
0x41: {  	v18 =	vnsel vm1, $0x0, v18  }
0x42: {  	(xrf2) =	vadd.scan.msk.f32 $0xffff, v18;
	_ =	sdelay $0x9  }
0x43: {  	v19, _, _ =	vpop (xrf2)  }
0x44: {  	v19 =	vbroadcast v19, $0xF;
	_ =	sdelay $0x1  }
0x45: {  	(erf) = vrcp.f32 v19;
	_ =	sdelay $0x8  }
0x46: {  	v19 =	vpop (erf)  }
0x47: {  	v18 =	vmul.f32 v19, v18;
	_ =	sdelay $0x1  }
0x48: {  	[tilespmem:$0x100] =	vst v18  }
0x49: {  	v18 =	vld.idx.msk [tilespmem:v0+s1+$0x0], $0xffff;
	_ =	sdelay $0x4  }
0x4a: {  	[tilespmem:$0x0] =	vst v18  }
0x4b: {  	v18 =	vld.idx.msk [tilespmem:v2+s1+$0x0], $0xffff;
	_ =	sdelay $0x4  }
0x4c: {  	[tilespmem:$0x10] =	vst v18  }
0x4d: {  	v18 =	vld.idx.msk [tilespmem:v3+s1+$0x0], $0xffff;
	_ =	sdelay $0x4  }
0x4e: {  	[tilespmem:$0x20] =	vst v18  }
0x4f: {  	s29 =	simm.s32 $0x100;
	v18 =	vld.idx.msk [tilespmem:v4+s1+$0x0], $0xffff  }
0x50: {  	v19 =	vld.idx.msk [tilespmem:v5+s29+$0x0], $0xffff;
	_ =	sdelay $0x4  }
0x51: {  	v19 =	vmul.f32 v19, v18;
	_ =	sdelay $0x1  }
0x52: {  	v18 =	vsel vm2, v18, v19  }
0x53: {  	[tilespmem:$0x30] =	vst v18  }
0x54: {  	v18 =	vld.idx.msk [tilespmem:v6+s1+$0x0], $0xffff  }
0x55: {  	v19 =	vld.idx.msk [tilespmem:v7+s29+$0x0], $0xffff;
	_ =	sdelay $0x4  }
0x56: {  	v18 =	vmul.f32 v19, v18;
	_ =	sdelay $0x1  }
0x57: {  	[tilespmem:$0x40] =	vst v18  }
0x58: {  	v18 =	vld.idx.msk [tilespmem:v8+s1+$0x0], $0xffff  }
0x59: {  	v19 =	vld.idx.msk [tilespmem:v1+s29+$0x0], $0xffff;
	_ =	sdelay $0x4  }
0x5a: {  	v18 =	vmul.f32 v19, v18;
	_ =	sdelay $0x1  }
0x5b: {  	[tilespmem:$0x50] =	vst v18  }
0x5c: {  	v18 =	vld.idx.msk [tilespmem:v9+s1+$0x0], $0xffff  }
0x5d: {  	v19 =	vld.idx.msk [tilespmem:v13+s29+$0x0], $0xffff;
	_ =	sdelay $0x4  }
0x5e: {  	v18 =	vmul.f32 v19, v18;
	_ =	sdelay $0x1  }
0x5f: {  	[tilespmem:$0x60] =	vst v18  }
0x60: {  	v18 =	vld.idx.msk [tilespmem:v14+s1+$0x0], $0xffff  }
0x61: {  	v19 =	vld.idx.msk [tilespmem:v15+s29+$0x0], $0xffff;
	_ =	sdelay $0x4  }
0x62: {  	v18 =	vmul.f32 v19, v18;
	_ =	sdelay $0x1  }
0x63: {  	[tilespmem:$0x70] =	vst v18  }
0x64: {  	v18 =	vld.idx.msk [tilespmem:v10+s1+$0x0], $0xffff  }
0x65: {  	v19 =	vld.idx.msk [tilespmem:v11+s1+$0x0], $0xffff  }
0x66: {  	v20 =	vld.idx.msk [tilespmem:v12+s1+$0x0], $0xffff  }
0x67: {  	s31 =	simm.s32 $0x200;
	s30 =	rddreg [dreg:$0x1d];
	v21 =	vld.idx.msk [tilespmem:v16+s1+$0x0], $0xffff  }
0x68: {  	v22 =	vld.idx.msk [tilespmem:v17+s1+$0x0], $0xffff;
	[tilespmem:s31], [sflag:$0x1] =	stream.linear.gather [hbm4b:s30+s6], $0x1000, $0x38  }
0x69: {  	s6 =	simm.s32 $0x0  }
.LBB2_2:
0x6a: {  	s4 =	sand.u32 $0x1, s6;
	s0 =	sadd.s32 $0x1, s6  }
0x6b: {  	p0 =	seq.s32 s6, $0x18;
	s5 =	simm.s32 $0x0;
	[smem:$0x7F5] =	sst s0  }
0x6c: {  	s0 =	sshll.u32 @!p0 s0, $0x11;
	s1 =	sxor.u32 @!p0 $0x1, s4;
	s16 =	sadd.s32 $0x1, s4  }
0x6d: {  	s17 =	smul.u32 $0x14000, s4;
	s0 =	sor.u32 @!p0 s3, s0;
	s2 =	sshll.u32 @!p0 s1, $0xC  }
0x6e: {  	s1 =	sadd.s32 @!p0 $0x1, s1;
	s3 =	rddreg [dreg:$0x0];
	s0 =	sshrl.u32 @!p0 s0, $0x3  }
0x6f: {  	s2 =	sor.u32 @!p0 $0x200, s2;
	s0 =	sadd.s32 @!p0 s3, s0;
	s3 =	simm.s32 @!p0 $0x0  }
0x70: {  	[tilespmem:s2], [sflag:s1] =	stream.linear.gather @!p0 [hbm4b:s0+s3], $0x1000, $0x38;
	[tilespmem:$0xC200] =	vst v63  }
0x71: {  	s18 =	sshll.u32 s4, $0xC;
	p0 =	slt.u32 s6, $0x2;
	_ =	swait.ge [sflag:s16], $0x1000  }
0x72: {  	s2 =	sor.u32 $0x200, s18;
	s1 =	sshrl.u32 s17, $0x2;
	[sflag:s16] =	ssyncset.done $0x0  }
0x73: {  	s0 =	sadd.s32 @!p0 $0x3, s4;
	[smem:$0x7F6] =	sst s4;
	[sflag:s16] =	ssyncadd.s32 $0xFFFFF000  }
0x74: {  	s19 =	sadd.s32 $0x3200, s1;
	_ =	swait.ge @!p0 [sflag:s0], $0x5000;
	[dreg:$0x4] =	wrdreg s2  }
0x75: {  	s15 =	sand.u32 $0xC00, s5;
	s20 =	sadd.s32 $0x4200, s1;
	[dreg:$0x5] =	wrdreg s19  }
0x76: {  	s3 =	sand.u32 $0x40, s5;
	s22 =	sadd.s32 $0x5200, s1;
	[dreg:$0x6] =	wrdreg s20  }
0x77: {  	s23 =	sadd.s32 $0x6200, s1;
	s13 =	sor.u32 $0x30, s3;
	s21 =	rddreg [dreg:$0x4]  }
0x78: {  	[dreg:$0x7] =	wrdreg s22;
	[sflag:s0] =	ssyncset.done @!p0 $0x0;
	s5 =	sadd.s32 s15, s21  }
0x79: {  	[dreg:$0x8] =	wrdreg s23;
	[sflag:s0] =	ssyncadd.s32 @!p0 $0xFFFFB000;
	s4 =	sadd.s32 s13, s5  }
0x7a: {  	s7 =	sadd.s32 s3, s5;
	v23 =	vld [tilespmem:s4+$0x0]  }
0x7b: {  	v24 =	vld [tilespmem:s7+$0x0];
	_ =	sdelay $0x1  }
0x7c: {  	s17 =	sor.u32 $0x10, s3;
	s18 =	sor.u32 $0x20, s3;
	p0 =	seq.s32 s6, $0x0  }
0x7d: {  	s0 =	simm.s32 $0x32;
	s23 =	sadd.s32 s17, s5;
	[smem:$0x7F7] =	sst s6  }
0x7e: {  	s0 =	simm.s32 @!p0 $0x0;
	s19 =	sadd.s32 s18, s5;
	v25 =	vld [tilespmem:s23+$0x0];
	v26 =	vmul.u32 $0x5, v23  }
0x7f: {  	v27 =	vld [tilespmem:s19+$0x0];
	v23 =	vmov s0;
	v24 =	vmul.u32 $0x5, v24  }
0x80: {  	v26 =	vadd.s32 v23, v26  }
0x81: {  	v24 =	vadd.s32 v23, v24;
	_ =	sdelay $0x1  }
0x82: {  	v25 =	vmul.u32 $0x5, v25  }
0x83: {  	s30 =	simm.s32 $0x0;
	v27 =	vmul.u32 $0x5, v27  }
0x84: {  	v25 =	vadd.s32 v23, v25;
	v28 =	vld.idx.msk [tilespmem:v26+s30+$0x0], $0xffff  }
0x85: {  	v27 =	vadd.s32 v23, v27;
	v29 =	vld.idx.msk [tilespmem:v24+s30+$0x0], $0xffff  }
0x86: {  	s24 =	sadd.s32 $0x2200, s1;
	v30 =	vadd.s32 $0x1, v26  }
0x87: {  	s25 =	sadd.s32 s15, s24;
	v31 =	vadd.s32 $0x1, v24  }
0x88: {  	s26 =	sadd.s32 s13, s25;
	[dreg:$0x9] =	wrdreg s24  }
0x89: {  	s6 =	sadd.s32 s3, s25;
	v32 =	vld.idx.msk [tilespmem:v25+s30+$0x0], $0xffff;
	[tilespmem:s26+$0x0] =	vst v28  }
0x8a: {  	v28 =	vld.idx.msk [tilespmem:v27+s30+$0x0], $0xffff;
	[tilespmem:s6+$0x0] =	vst v29;
	v29 =	vadd.s32 $0x1, v25  }
0x8b: {  	v33 =	vadd.s32 $0x1, v27;
	v30 =	vld.idx.msk [tilespmem:v30+s30+$0x0], $0xffff  }
0x8c: {  	v34 =	vadd.s32 $0x2, v26;
	v31 =	vld.idx.msk [tilespmem:v31+s30+$0x0], $0xffff  }
0x8d: {  	s0 =	sadd.s32 s17, s25;
	s8 =	rddreg [dreg:$0x5]  }
0x8e: {  	s29 =	sadd.s32 s18, s25;
	v35 =	vadd.s32 $0x2, v24;
	[tilespmem:s0+$0x0] =	vst v32;
	s9 =	sadd.s32 s15, s8  }
0x8f: {  	s11 =	sadd.s32 s13, s9;
	[tilespmem:s29+$0x0] =	vst v28;
	v28 =	vld.idx.msk [tilespmem:v29+s30+$0x0], $0xffff  }
0x90: {  	s8 =	sadd.s32 s3, s9;
	[tilespmem:s11+$0x0] =	vst v30;
	v29 =	vld.idx.msk [tilespmem:v33+s30+$0x0], $0xffff;
	v30 =	vadd.s32 $0x2, v25  }
0x91: {  	v43 =	vadd.s32 $0x2, v27;
	[tilespmem:s8+$0x0] =	vst v31;
	v31 =	vld.idx.msk [tilespmem:v34+s30+$0x0], $0xffff  }
0x92: {  	v45 =	vadd.s32 $0x3, v26  }
0x93: {  	s31 =	sadd.s32 s17, s9;
	s10 =	rddreg [dreg:$0x6];
	v44 =	vld.idx.msk [tilespmem:v35+s30+$0x0], $0xffff  }
0x94: {  	v46 =	vadd.s32 $0x3, v24;
	s24 =	sadd.s32 s18, s9;
	s12 =	sadd.s32 s15, s10;
	[tilespmem:s31+$0x0] =	vst v28  }
0x95: {  	s14 =	sadd.s32 s13, s12;
	[tilespmem:s24+$0x0] =	vst v29;
	v28 =	vld.idx.msk [tilespmem:v30+s30+$0x0], $0xffff  }
0x96: {  	[tilespmem:s14+$0x0] =	vst v31;
	v29 =	vld.idx.msk [tilespmem:v43+s30+$0x0], $0xffff  }
0x97: {  	s22 =	sadd.s32 s3, s12;
	v30 =	vld.idx.msk [tilespmem:v45+s30+$0x0], $0xffff  }
0x98: {  	v26 =	vadd.s32 $0x4, v26;
	[tilespmem:s22+$0x0] =	vst v44  }
0x99: {  	s9 =	sadd.s32 s17, s12;
	s16 =	rddreg [dreg:$0x7];
	v31 =	vld.idx.msk [tilespmem:v46+s30+$0x0], $0xffff  }
0x9a: {  	s10 =	sadd.s32 s18, s12;
	s20 =	sadd.s32 s15, s16;
	[tilespmem:s9+$0x0] =	vst v28  }
0x9b: {  	s16 =	sadd.s32 s13, s20;
	v28 =	vadd.s32 $0x3, v25;
	[tilespmem:s10+$0x0] =	vst v29  }
0x9c: {  	v29 =	vadd.s32 $0x3, v27;
	[tilespmem:s16+$0x0] =	vst v30  }
0x9d: {  	v24 =	vadd.s32 $0x4, v24;
	s12 =	sadd.s32 s3, s20;
	v26 =	vld.idx.msk [tilespmem:v26+s30+$0x0], $0xffff  }
0x9e: {  	[tilespmem:s12+$0x0] =	vst v31  }
0x9f: {  	s21 =	rddreg [dreg:$0x8]  }
0xa0: {  	s21 =	sadd.s32 s15, s21;
	v28 =	vld.idx.msk [tilespmem:v28+s30+$0x0], $0xffff  }
0xa1: {  	v25 =	vadd.s32 $0x4, v25;
	s13 =	sadd.s32 s13, s21;
	v29 =	vld.idx.msk [tilespmem:v29+s30+$0x0], $0xffff  }
0xa2: {  	v27 =	vadd.s32 $0x4, v27;
	v24 =	vld.idx.msk [tilespmem:v24+s30+$0x0], $0xffff;
	[tilespmem:s13+$0x0] =	vst v26  }
0xa3: {  	v26 =	vld [tilespmem:s4+$0x80]  }
0xa4: {  	s15 =	sadd.s32 s17, s20  }
0xa5: {  	s25 =	sadd.s32 s18, s20;
	[tilespmem:s15+$0x0] =	vst v28  }
0xa6: {  	s5 =	smov.u32 s0;
	s0 =	sadd.s32 s3, s21;
	v25 =	vld.idx.msk [tilespmem:v25+s30+$0x0], $0xffff;
	[tilespmem:s25+$0x0] =	vst v29  }
0xa7: {  	[tilespmem:s0+$0x0] =	vst v24;
	v27 =	vld.idx.msk [tilespmem:v27+s30+$0x0], $0xffff  }
0xa8: {  	v24 =	vld [tilespmem:s7+$0x80];
	v28 =	vshrl.u32 v26, $0x1B  }
0xa9: {  	v28 =	vand.u32 $0x10, v28  }
0xaa: {  	s2 =	sadd.s32 s17, s21;
	v26 =	vadd.s32 v26, v28  }
0xab: {  	s18 =	sadd.s32 s18, s21;
	[tilespmem:s2+$0x0] =	vst v25;
	v25 =	vperm.xlane v18, v26  }
0xac: {  	[tilespmem:s18+$0x0] =	vst v27;
	v27 =	vperm.xlane v19, v26  }
0xad: {  	v29 =	vshrl.u32 v24, $0x1B;
	v28 =	vld [tilespmem:s23+$0x80];
	[tilespmem:s26+$0x80] =	vst v25;
	v25 =	vperm.xlane v20, v26  }
0xae: {  	v29 =	vand.u32 $0x10, v29;
	[tilespmem:s11+$0x80] =	vst v27;
	v27 =	vperm.xlane v21, v26  }
0xaf: {  	v24 =	vadd.s32 v24, v29;
	[tilespmem:s14+$0x80] =	vst v25;
	v25 =	vperm.xlane v22, v26  }
0xb0: {  	v26 =	vperm.xlane v18, v24;
	[tilespmem:s16+$0x80] =	vst v27  }
0xb1: {  	v27 =	vperm.xlane v19, v24;
	[tilespmem:s13+$0x80] =	vst v25  }
0xb2: {  	v29 =	vperm.xlane v20, v24;
	v25 =	vshrl.u32 v28, $0x1B;
	[tilespmem:s6+$0x80] =	vst v26;
	v26 =	vld [tilespmem:s4+$0x100]  }
0xb3: {  	v30 =	vperm.xlane v21, v24;
	v25 =	vand.u32 $0x10, v25;
	[tilespmem:s8+$0x80] =	vst v27  }
0xb4: {  	v24 =	vperm.xlane v22, v24;
	v25 =	vadd.s32 v28, v25;
	[tilespmem:s22+$0x80] =	vst v29  }
0xb5: {  	v27 =	vperm.xlane v18, v25;
	[tilespmem:s12+$0x80] =	vst v30  }
0xb6: {  	v28 =	vperm.xlane v19, v25;
	[tilespmem:s0+$0x80] =	vst v24  }
0xb7: {  	v29 =	vperm.xlane v20, v25;
	v24 =	vld [tilespmem:s19+$0x80];
	[tilespmem:s5+$0x80] =	vst v27;
	v27 =	vshrl.u32 v26, $0x1B  }
0xb8: {  	v30 =	vperm.xlane v21, v25;
	[tilespmem:s31+$0x80] =	vst v28;
	v27 =	vand.u32 $0x10, v27  }
0xb9: {  	v25 =	vperm.xlane v22, v25;
	[tilespmem:s9+$0x80] =	vst v29;
	v26 =	vadd.s32 v26, v27  }
0xba: {  	[tilespmem:s15+$0x80] =	vst v30;
	v27 =	vperm.xlane v18, v26  }
0xbb: {  	[tilespmem:s2+$0x80] =	vst v25;
	v25 =	vperm.xlane v19, v26  }
0xbc: {  	v29 =	vld [tilespmem:s7+$0x100];
	v28 =	vshrl.u32 v24, $0x1B;
	[tilespmem:s26+$0x100] =	vst v27;
	v27 =	vperm.xlane v20, v26  }
0xbd: {  	v28 =	vand.u32 $0x10, v28;
	[tilespmem:s11+$0x100] =	vst v25;
	v25 =	vperm.xlane v21, v26  }
0xbe: {  	v24 =	vadd.s32 v24, v28;
	v26 =	vperm.xlane v22, v26;
	[tilespmem:s14+$0x100] =	vst v27  }
0xbf: {  	v27 =	vperm.xlane v18, v24;
	[tilespmem:s16+$0x100] =	vst v25  }
0xc0: {  	v25 =	vperm.xlane v19, v24;
	[tilespmem:s13+$0x100] =	vst v26  }
0xc1: {  	v28 =	vshrl.u32 v29, $0x1B;
	v26 =	vperm.xlane v20, v24;
	[tilespmem:s29+$0x80] =	vst v27;
	v27 =	vld [tilespmem:s4+$0x180]  }
0xc2: {  	v30 =	vperm.xlane v21, v24;
	v28 =	vand.u32 $0x10, v28;
	[tilespmem:s24+$0x80] =	vst v25  }
0xc3: {  	v24 =	vperm.xlane v22, v24;
	v25 =	vadd.s32 v29, v28;
	[tilespmem:s10+$0x80] =	vst v26  }
0xc4: {  	v26 =	vperm.xlane v18, v25;
	[tilespmem:s25+$0x80] =	vst v30  }
0xc5: {  	v28 =	vperm.xlane v19, v25;
	[tilespmem:s18+$0x80] =	vst v24  }
0xc6: {  	v29 =	vperm.xlane v20, v25;
	v24 =	vld [tilespmem:s23+$0x100];
	[tilespmem:s6+$0x100] =	vst v26;
	v26 =	vshrl.u32 v27, $0x1B  }
0xc7: {  	v30 =	vperm.xlane v21, v25;
	[tilespmem:s8+$0x100] =	vst v28;
	v26 =	vand.u32 $0x10, v26  }
0xc8: {  	v25 =	vperm.xlane v22, v25;
	[tilespmem:s22+$0x100] =	vst v29;
	v26 =	vadd.s32 v27, v26  }
0xc9: {  	[tilespmem:s12+$0x100] =	vst v30;
	v27 =	vperm.xlane v18, v26  }
0xca: {  	[tilespmem:s0+$0x100] =	vst v25;
	v25 =	vperm.xlane v19, v26  }
0xcb: {  	v29 =	vld [tilespmem:s19+$0x100];
	v28 =	vshrl.u32 v24, $0x1B;
	[tilespmem:s26+$0x180] =	vst v27;
	v27 =	vperm.xlane v20, v26  }
0xcc: {  	v28 =	vand.u32 $0x10, v28;
	[tilespmem:s11+$0x180] =	vst v25;
	v25 =	vperm.xlane v21, v26  }
0xcd: {  	v24 =	vadd.s32 v24, v28;
	v26 =	vperm.xlane v22, v26;
	[tilespmem:s14+$0x180] =	vst v27  }
0xce: {  	v27 =	vperm.xlane v18, v24;
	[tilespmem:s16+$0x180] =	vst v25  }
0xcf: {  	v25 =	vperm.xlane v19, v24;
	[tilespmem:s13+$0x180] =	vst v26  }
0xd0: {  	v28 =	vshrl.u32 v29, $0x1B;
	v26 =	vperm.xlane v20, v24;
	[tilespmem:s5+$0x100] =	vst v27;
	v27 =	vld [tilespmem:s4+$0x200]  }
0xd1: {  	v30 =	vperm.xlane v21, v24;
	v28 =	vand.u32 $0x10, v28;
	[tilespmem:s31+$0x100] =	vst v25  }
0xd2: {  	v24 =	vperm.xlane v22, v24;
	v25 =	vadd.s32 v29, v28;
	[tilespmem:s9+$0x100] =	vst v26  }
0xd3: {  	v26 =	vperm.xlane v18, v25;
	[tilespmem:s15+$0x100] =	vst v30  }
0xd4: {  	v28 =	vperm.xlane v19, v25;
	[tilespmem:s2+$0x100] =	vst v24  }
0xd5: {  	v29 =	vperm.xlane v20, v25;
	v24 =	vld [tilespmem:s7+$0x180];
	[tilespmem:s29+$0x100] =	vst v26;
	v26 =	vshrl.u32 v27, $0x1B  }
0xd6: {  	v30 =	vperm.xlane v21, v25;
	[tilespmem:s24+$0x100] =	vst v28;
	v26 =	vand.u32 $0x10, v26  }
0xd7: {  	v25 =	vperm.xlane v22, v25;
	[tilespmem:s10+$0x100] =	vst v29;
	v26 =	vadd.s32 v27, v26  }
0xd8: {  	[tilespmem:s25+$0x100] =	vst v30;
	v27 =	vperm.xlane v18, v26  }
0xd9: {  	[tilespmem:s18+$0x100] =	vst v25;
	v25 =	vperm.xlane v19, v26  }
0xda: {  	v29 =	vld [tilespmem:s23+$0x180];
	v28 =	vshrl.u32 v24, $0x1B;
	[tilespmem:s26+$0x200] =	vst v27;
	v27 =	vperm.xlane v20, v26  }
0xdb: {  	v28 =	vand.u32 $0x10, v28;
	[tilespmem:s11+$0x200] =	vst v25;
	v25 =	vperm.xlane v21, v26  }
0xdc: {  	v24 =	vadd.s32 v24, v28;
	v26 =	vperm.xlane v22, v26;
	[tilespmem:s14+$0x200] =	vst v27  }
0xdd: {  	v27 =	vperm.xlane v18, v24;
	[tilespmem:s16+$0x200] =	vst v25  }
0xde: {  	v25 =	vperm.xlane v19, v24;
	[tilespmem:s13+$0x200] =	vst v26  }
0xdf: {  	v28 =	vshrl.u32 v29, $0x1B;
	v26 =	vperm.xlane v20, v24;
	[tilespmem:s6+$0x180] =	vst v27;
	v27 =	vld [tilespmem:s4+$0x280]  }
0xe0: {  	v30 =	vperm.xlane v21, v24;
	v28 =	vand.u32 $0x10, v28;
	[tilespmem:s8+$0x180] =	vst v25  }
0xe1: {  	v24 =	vperm.xlane v22, v24;
	v25 =	vadd.s32 v29, v28;
	[tilespmem:s22+$0x180] =	vst v26  }
0xe2: {  	v26 =	vperm.xlane v18, v25;
	[tilespmem:s12+$0x180] =	vst v30  }
0xe3: {  	v28 =	vperm.xlane v19, v25;
	[tilespmem:s0+$0x180] =	vst v24  }
0xe4: {  	v24 =	vperm.xlane v20, v25;
	[tilespmem:s5+$0x180] =	vst v26;
	v29 =	vld [tilespmem:s7+$0x200];
	v26 =	vshrl.u32 v27, $0x1B  }
0xe5: {  	v30 =	vperm.xlane v21, v25;
	[tilespmem:s31+$0x180] =	vst v28;
	v26 =	vand.u32 $0x10, v26  }
0xe6: {  	v25 =	vperm.xlane v22, v25;
	[tilespmem:s9+$0x180] =	vst v24;
	v24 =	vadd.s32 v27, v26  }
0xe7: {  	[tilespmem:s15+$0x180] =	vst v30;
	v26 =	vperm.xlane v18, v24  }
0xe8: {  	[tilespmem:s2+$0x180] =	vst v25;
	v25 =	vperm.xlane v19, v24  }
0xe9: {  	v27 =	vld [tilespmem:s19+$0x180];
	v28 =	vshrl.u32 v29, $0x1B;
	[tilespmem:s26+$0x280] =	vst v26;
	v26 =	vperm.xlane v20, v24  }
0xea: {  	v28 =	vand.u32 $0x10, v28;
	[tilespmem:s11+$0x280] =	vst v25;
	v25 =	vperm.xlane v21, v24  }
0xeb: {  	v28 =	vadd.s32 v29, v28;
	v24 =	vperm.xlane v22, v24;
	[tilespmem:s14+$0x280] =	vst v26  }
0xec: {  	v26 =	vperm.xlane v18, v28;
	[tilespmem:s16+$0x280] =	vst v25  }
0xed: {  	v25 =	vperm.xlane v19, v28;
	[tilespmem:s13+$0x280] =	vst v24  }
0xee: {  	v29 =	vperm.xlane v20, v28;
	v24 =	vshrl.u32 v27, $0x1B;
	[tilespmem:s6+$0x200] =	vst v26;
	v30 =	vld [tilespmem:s4+$0x300]  }
0xef: {  	v26 =	vperm.xlane v21, v28;
	v24 =	vand.u32 $0x10, v24;
	[tilespmem:s8+$0x200] =	vst v25  }
0xf0: {  	v25 =	vperm.xlane v22, v28;
	v24 =	vadd.s32 v27, v24;
	[tilespmem:s22+$0x200] =	vst v29  }
0xf1: {  	v27 =	vperm.xlane v18, v24;
	[tilespmem:s12+$0x200] =	vst v26  }
0xf2: {  	v26 =	vperm.xlane v19, v24;
	[tilespmem:s0+$0x200] =	vst v25  }
0xf3: {  	v25 =	vperm.xlane v20, v24;
	[tilespmem:s29+$0x180] =	vst v27;
	v28 =	vld [tilespmem:s7+$0x280];
	v27 =	vshrl.u32 v30, $0x1B  }
0xf4: {  	v29 =	vperm.xlane v21, v24;
	[tilespmem:s24+$0x180] =	vst v26;
	v26 =	vand.u32 $0x10, v27  }
0xf5: {  	v24 =	vperm.xlane v22, v24;
	[tilespmem:s10+$0x180] =	vst v25;
	v25 =	vadd.s32 v30, v26  }
0xf6: {  	[tilespmem:s25+$0x180] =	vst v29;
	v26 =	vperm.xlane v18, v25  }
0xf7: {  	[tilespmem:s18+$0x180] =	vst v24;
	v24 =	vperm.xlane v19, v25  }
0xf8: {  	v29 =	vshrl.u32 v28, $0x1B;
	[tilespmem:s26+$0x300] =	vst v26;
	v26 =	vperm.xlane v20, v25  }
0xf9: {  	v27 =	vld [tilespmem:s23+$0x200];
	v29 =	vand.u32 $0x10, v29;
	[tilespmem:s11+$0x300] =	vst v24;
	v24 =	vperm.xlane v21, v25  }
0xfa: {  	v25 =	vperm.xlane v22, v25;
	[tilespmem:s14+$0x300] =	vst v26;
	v26 =	vadd.s32 v28, v29  }
0xfb: {  	[tilespmem:s16+$0x300] =	vst v24;
	v24 =	vperm.xlane v18, v26  }
0xfc: {  	[tilespmem:s13+$0x300] =	vst v25;
	v25 =	vperm.xlane v19, v26  }
0xfd: {  	v30 =	vperm.xlane v20, v26;
	[tilespmem:s6+$0x280] =	vst v24  }
0xfe: {  	v28 =	vshrl.u32 v27, $0x1B;
	v29 =	vld [tilespmem:s19+$0x200];
	v31 =	vperm.xlane v21, v26;
	[tilespmem:s8+$0x280] =	vst v25  }
0xff: {  	v28 =	vand.u32 $0x10, v28;
	v26 =	vperm.xlane v22, v26;
	v24 =	vld [tilespmem:s4+$0x380];
	[tilespmem:s22+$0x280] =	vst v30  }
0x100: {  	v25 =	vadd.s32 v27, v28;
	[tilespmem:s12+$0x280] =	vst v31  }
0x101: {  	v27 =	vperm.xlane v18, v25;
	[tilespmem:s0+$0x280] =	vst v26  }
0x102: {  	v28 =	vperm.xlane v19, v25;
	[smem:$0x7F8] =	sst s0  }
0x103: {  	v30 =	vshrl.u32 v29, $0x1B;
	v26 =	vperm.xlane v20, v25;
	[tilespmem:s5+$0x200] =	vst v27  }
0x104: {  	v31 =	vperm.xlane v21, v25;
	v30 =	vand.u32 $0x10, v30;
	v27 =	vld [tilespmem:s7+$0x300];
	[tilespmem:s31+$0x200] =	vst v28;
	v28 =	vshrl.u32 v24, $0x1B  }
0x105: {  	v25 =	vperm.xlane v22, v25;
	v29 =	vadd.s32 v29, v30;
	[tilespmem:s9+$0x200] =	vst v26;
	v26 =	vand.u32 $0x10, v28  }
0x106: {  	v28 =	vperm.xlane v18, v29;
	[tilespmem:s15+$0x200] =	vst v31;
	v24 =	vadd.s32 v24, v26  }
0x107: {  	[tilespmem:s2+$0x200] =	vst v25;
	v25 =	vperm.xlane v18, v24  }
0x108: {  	[tilespmem:s29+$0x200] =	vst v28;
	v26 =	vperm.xlane v19, v24  }
0x109: {  	v28 =	vshrl.u32 v27, $0x1B;
	[tilespmem:s26+$0x380] =	vst v25;
	v25 =	vperm.xlane v20, v24  }
0x10a: {  	v28 =	vand.u32 $0x10, v28;
	[tilespmem:s11+$0x380] =	vst v26;
	v26 =	vperm.xlane v21, v24  }
0x10b: {  	v27 =	vadd.s32 v27, v28;
	[tilespmem:s14+$0x380] =	vst v25  }
0x10c: {  	v25 =	vperm.xlane v18, v27;
	[tilespmem:s16+$0x380] =	vst v26;
	s16 =	simm.s32 $0x40  }
0x10d: {  	s21 =	smov.u32 s29;
	s17 =	simm.s32 $0x200;
	v28 =	vld [tilespmem:s23+$0x280];
	[dreg:$0xb] =	wrdreg s16  }
0x10e: {  	s29 =	simm.s32 $0x200;
	s26 =	rddreg [dreg:$0x4];
	s11 =	simm.s32 $0x40;
	v26 =	vperm.xlane v19, v27;
	[tilespmem:s6+$0x300] =	vst v25  }
0x10f: {  	s29 =	sand.u32 $0xC00, s29;
	s3 =	sand.u32 $0x40, s11;
	v30 =	vperm.xlane v20, v27;
	[dreg:$0xa] =	wrdreg s17  }
0x110: {  	s1 =	sadd.s32 s29, s26;
	s28 =	sor.u32 $0x30, s3;
	[tilespmem:s8+$0x300] =	vst v26  }
0x111: {  	s20 =	sadd.s32 s28, s1;
	v25 =	vperm.xlane v21, v27;
	[tilespmem:s22+$0x300] =	vst v30  }
0x112: {  	[smem:$0x7F9] =	sst s20  }
0x113: {  	s26 =	sadd.s32 s3, s1;
	v26 =	vperm.xlane v22, v27;
	[tilespmem:s12+$0x300] =	vst v25  }
0x114: {  	v27 =	vperm.xlane v19, v29;
	v30 =	vld [tilespmem:s20+$0x0];
	[dreg:$0x18] =	wrdreg s26  }
0x115: {  	v25 =	vperm.xlane v20, v29;
	[tilespmem:s0+$0x300] =	vst v26  }
0x116: {  	v48 =	vperm.xlane v21, v29;
	v31 =	vshrl.u32 v28, $0x1B;
	s20 =	sor.u32 $0x10, s3;
	[tilespmem:s24+$0x200] =	vst v27  }
0x117: {  	v29 =	vperm.xlane v22, v29;
	s16 =	sadd.s32 s20, s1;
	v27 =	vand.u32 $0x10, v31;
	v26 =	vld [tilespmem:s7+$0x380];
	[tilespmem:s10+$0x200] =	vst v25  }
0x118: {  	s14 =	sor.u32 $0x20, s3;
	v25 =	vadd.s32 v28, v27;
	v27 =	vld [tilespmem:s16+$0x0];
	[tilespmem:s25+$0x200] =	vst v48  }
0x119: {  	s1 =	sadd.s32 s14, s1;
	v47 =	vld [tilespmem:s26+$0x0];
	v28 =	vperm.xlane v18, v25;
	[tilespmem:s18+$0x200] =	vst v29  }
0x11a: {  	v31 =	vld [tilespmem:s1+$0x0];
	v29 =	vperm.xlane v19, v25;
	v30 =	vmul.u32 $0x5, v30;
	[smem:$0x7FD] =	sst s19  }
0x11b: {  	v49 =	vperm.xlane v20, v25;
	[tilespmem:s5+$0x280] =	vst v28  }
0x11c: {  	v50 =	vperm.xlane v21, v25;
	[tilespmem:s31+$0x280] =	vst v29;
	v29 =	vadd.s32 v23, v30;
	v30 =	vshrl.u32 v26, $0x1B  }
0x11d: {  	v25 =	vperm.xlane v22, v25;
	v33 =	vld [tilespmem:s19+$0x280];
	v27 =	vmul.u32 $0x5, v27;
	[tilespmem:s9+$0x280] =	vst v49;
	v30 =	vand.u32 $0x10, v30  }
0x11e: {  	v24 =	vperm.xlane v22, v24;
	[tilespmem:s15+$0x280] =	vst v50;
	v26 =	vadd.s32 v26, v30  }
0x11f: {  	v28 =	vmul.u32 $0x5, v47;
	[tilespmem:s2+$0x280] =	vst v25;
	v25 =	vadd.s32 v23, v27;
	v27 =	vperm.xlane v18, v26  }
0x120: {  	v31 =	vmul.u32 $0x5, v31;
	[tilespmem:s13+$0x380] =	vst v24;
	v51 =	vperm.xlane v19, v26  }
0x121: {  	v28 =	vadd.s32 v23, v28;
	v52 =	vperm.xlane v20, v26;
	[tilespmem:s6+$0x380] =	vst v27  }
0x122: {  	v31 =	vadd.s32 v23, v31;
	v54 =	vperm.xlane v21, v26;
	v24 =	vshrl.u32 v33, $0x1B;
	[tilespmem:s8+$0x380] =	vst v51  }
0x123: {  	v24 =	vand.u32 $0x10, v24;
	[tilespmem:s22+$0x380] =	vst v52  }
0x124: {  	v27 =	vld.idx.msk [tilespmem:v29+s30+$0x0], $0xffff;
	v24 =	vadd.s32 v33, v24;
	[tilespmem:s12+$0x380] =	vst v54  }
0x125: {  	v30 =	vld [tilespmem:s23+$0x300];
	v55 =	vperm.xlane v18, v24;
	s6 =	rddreg [dreg:$0x9]  }
0x126: {  	s8 =	smov.u32 s1;
	v53 =	vld.idx.msk [tilespmem:v28+s30+$0x0], $0xffff;
	s1 =	sadd.s32 s29, s6  }
0x127: {  	v58 =	vld.idx.msk [tilespmem:v31+s30+$0x0], $0xffff;
	[tilespmem:s21+$0x280] =	vst v55;
	s11 =	sadd.s32 s28, s1  }
0x128: {  	v56 =	vadd.s32 $0x1, v29;
	v36 =	vld.idx.msk [tilespmem:v25+s30+$0x0], $0xffff;
	[smem:$0x7FA] =	sst s11  }
0x129: {  	s12 =	sadd.s32 s3, s1;
	[tilespmem:s11+$0x0] =	vst v27  }
0x12a: {  	v57 =	vadd.s32 $0x1, v28;
	v37 =	vperm.xlane v19, v24;
	v39 =	vshrl.u32 v30, $0x1B;
	[smem:$0x7FC] =	sst s12  }
0x12b: {  	v27 =	vand.u32 $0x10, v39;
	[tilespmem:s12+$0x0] =	vst v53  }
0x12c: {  	v38 =	vadd.s32 $0x1, v25;
	v27 =	vadd.s32 v30, v27;
	[tilespmem:s24+$0x280] =	vst v37;
	s12 =	sadd.s32 s20, s1  }
0x12d: {  	s4 =	smov.u32 s19;
	s19 =	sadd.s32 s14, s1;
	v30 =	vld.idx.msk [tilespmem:v56+s30+$0x0], $0xffff;
	v60 =	vperm.xlane v18, v27;
	s17 =	rddreg [dreg:$0x5];
	[tilespmem:s12+$0x0] =	vst v36  }
0x12e: {  	s0 =	smov.u32 s5;
	v61 =	vperm.xlane v19, v27;
	[tilespmem:s19+$0x0] =	vst v58  }
0x12f: {  	s26 =	smov.u32 s21;
	v59 =	vadd.s32 $0x1, v31;
	v33 =	vld.idx.msk [tilespmem:v57+s30+$0x0], $0xffff;
	[tilespmem:s0+$0x300] =	vst v60;
	s21 =	sadd.s32 s29, s17  }
0x130: {  	v62 =	vadd.s32 $0x2, v29;
	[tilespmem:s31+$0x300] =	vst v61;
	s22 =	sadd.s32 s28, s21  }
0x131: {  	v63 =	vadd.s32 $0x2, v28;
	v40 =	vperm.xlane v20, v27;
	v38 =	vld.idx.msk [tilespmem:v38+s30+$0x0], $0xffff;
	[smem:$0x7FB] =	sst s22  }
0x132: {  	[tilespmem:s22+$0x0] =	vst v30  }
0x133: {  	v42 =	vperm.xlane v21, v27;
	s22 =	sadd.s32 s3, s21;
	[tilespmem:s9+$0x300] =	vst v40  }
0x134: {  	v30 =	vld.idx.msk [tilespmem:v59+s30+$0x0], $0xffff;
	[tilespmem:s22+$0x0] =	vst v33  }
0x135: {  	v41 =	vadd.s32 $0x2, v25;
	s11 =	sadd.s32 s20, s21;
	v34 =	vld.idx.msk [tilespmem:v62+s30+$0x0], $0xffff;
	[tilespmem:s15+$0x300] =	vst v42  }
0x136: {  	v43 =	vadd.s32 $0x2, v31;
	v27 =	vperm.xlane v22, v27;
	s5 =	rddreg [dreg:$0x6];
	v44 =	vld.idx.msk [tilespmem:v63+s30+$0x0], $0xffff;
	[tilespmem:s11+$0x0] =	vst v38  }
0x137: {  	v45 =	vadd.s32 $0x3, v29;
	[dreg:$0xc] =	wrdreg s2  }
0x138: {  	v46 =	vadd.s32 $0x3, v28;
	s21 =	sadd.s32 s14, s21;
	s1 =	sadd.s32 s29, s5;
	[tilespmem:s2+$0x300] =	vst v27  }
0x139: {  	v27 =	vld [tilespmem:s23+$0x380];
	[tilespmem:s21+$0x0] =	vst v30;
	s23 =	sadd.s32 s28, s1  }
0x13a: {  	v32 =	vld.idx.msk [tilespmem:v41+s30+$0x0], $0xffff;
	s5 =	sadd.s32 s3, s1;
	v30 =	vperm.xlane v20, v24;
	[tilespmem:s23+$0x0] =	vst v34  }
0x13b: {  	v47 =	vperm.xlane v21, v24;
	v35 =	vld.idx.msk [tilespmem:v43+s30+$0x0], $0xffff;
	[tilespmem:s5+$0x0] =	vst v44  }
0x13c: {  	v24 =	vperm.xlane v22, v24;
	[tilespmem:s10+$0x280] =	vst v30;
	v30 =	vld.idx.msk [tilespmem:v45+s30+$0x0], $0xffff  }
0x13d: {  	[tilespmem:s25+$0x280] =	vst v47;
	v33 =	vld.idx.msk [tilespmem:v46+s30+$0x0], $0xffff  }
0x13e: {  	s6 =	sadd.s32 s20, s1;
	s17 =	rddreg [dreg:$0x7];
	[tilespmem:s18+$0x280] =	vst v24  }
0x13f: {  	[tilespmem:s6+$0x0] =	vst v32;
	v34 =	vld [tilespmem:s4+$0x300];
	s4 =	sadd.s32 s14, s1;
	s1 =	sadd.s32 s29, s17  }
0x140: {  	s7 =	smov.u32 s25;
	[tilespmem:s4+$0x0] =	vst v35;
	s25 =	sadd.s32 s28, s1  }
0x141: {  	v29 =	vadd.s32 $0x4, v29;
	s17 =	sadd.s32 s3, s1;
	[tilespmem:s25+$0x0] =	vst v30  }
0x142: {  	v24 =	vshrl.u32 v27, $0x1B;
	[tilespmem:s17+$0x0] =	vst v33  }
0x143: {  	s13 =	smov.u32 s18;
	v24 =	vand.u32 $0x10, v24;
	s18 =	sld [smem:$0x7F8]  }
0x144: {  	v26 =	vperm.xlane v22, v26;
	v24 =	vadd.s32 v27, v24  }
0x145: {  	v30 =	vperm.xlane v18, v24  }
0x146: {  	v29 =	vld.idx.msk [tilespmem:v29+s30+$0x0], $0xffff;
	[tilespmem:s18+$0x380] =	vst v26;
	v26 =	vadd.s32 $0x4, v28;
	v28 =	vperm.xlane v19, v24  }
0x147: {  	v49 =	vperm.xlane v20, v24;
	[tilespmem:s0+$0x380] =	vst v30;
	v30 =	vshrl.u32 v34, $0x1B  }
0x148: {  	v27 =	vadd.s32 $0x3, v31;
	s18 =	rddreg [dreg:$0x8];
	[tilespmem:s31+$0x380] =	vst v28;
	v28 =	vand.u32 $0x10, v30;
	v30 =	vperm.xlane v21, v24  }
0x149: {  	s0 =	sadd.s32 s29, s18;
	[tilespmem:s9+$0x380] =	vst v49;
	v28 =	vadd.s32 v34, v28  }
0x14a: {  	v48 =	vadd.s32 $0x3, v25;
	s2 =	sadd.s32 s28, s0;
	s31 =	rddreg [dreg:$0x18];
	[tilespmem:s15+$0x380] =	vst v30;
	v30 =	vperm.xlane v18, v28  }
0x14b: {  	[tilespmem:s2+$0x0] =	vst v29  }
0x14c: {  	[tilespmem:s26+$0x300] =	vst v30  }
0x14d: {  	v27 =	vld.idx.msk [tilespmem:v27+s30+$0x0], $0xffff;
	s29 =	sld [smem:$0x7F9]  }
0x14e: {  	v26 =	vld.idx.msk [tilespmem:v26+s30+$0x0], $0xffff  }
0x14f: {  	v32 =	vld.idx.msk [tilespmem:v48+s30+$0x0], $0xffff;
	v31 =	vadd.s32 $0x4, v31;
	v50 =	vperm.xlane v19, v28  }
0x150: {  	v25 =	vadd.s32 $0x4, v25;
	v29 =	vld [tilespmem:s29+$0x80];
	[dreg:$0xe] =	wrdreg s24  }
0x151: {  	s9 =	sadd.s32 s14, s1;
	[tilespmem:s24+$0x300] =	vst v50  }
0x152: {  	s28 =	sadd.s32 s3, s0;
	[tilespmem:s9+$0x0] =	vst v27  }
0x153: {  	s24 =	sadd.s32 s20, s1;
	[tilespmem:s28+$0x0] =	vst v26  }
0x154: {  	v30 =	vperm.xlane v20, v28;
	[tilespmem:s24+$0x0] =	vst v32;
	v31 =	vld.idx.msk [tilespmem:v31+s30+$0x0], $0xffff  }
0x155: {  	v25 =	vld.idx.msk [tilespmem:v25+s30+$0x0], $0xffff;
	[dreg:$0x11] =	wrdreg s10  }
0x156: {  	v27 =	vperm.xlane v21, v28;
	[tilespmem:s10+$0x300] =	vst v30  }
0x157: {  	v26 =	vperm.xlane v22, v28;
	v28 =	vld [tilespmem:s31+$0x80];
	[dreg:$0xf] =	wrdreg s7  }
0x158: {  	[tilespmem:s7+$0x300] =	vst v27  }
0x159: {  	s1 =	smov.u32 s5;
	s5 =	sadd.s32 s20, s0;
	s0 =	sadd.s32 s14, s0;
	[tilespmem:s13+$0x300] =	vst v26  }
0x15a: {  	v30 =	vshrl.u32 v29, $0x1B;
	[tilespmem:s0+$0x0] =	vst v31  }
0x15b: {  	v27 =	vand.u32 $0x10, v30;
	[tilespmem:s5+$0x0] =	vst v25  }
0x15c: {  	s10 =	smov.u32 s13;
	v26 =	vadd.s32 v29, v27;
	s13 =	sld [smem:$0x7FA]  }
0x15d: {  	v25 =	vperm.xlane v18, v26;
	_ =	sdelay $0x1  }
0x15e: {  	[tilespmem:s13+$0x80] =	vst v25  }
0x15f: {  	s15 =	sld [smem:$0x7FB]  }
0x160: {  	v27 =	vperm.xlane v19, v26  }
0x161: {  	v25 =	vperm.xlane v20, v26  }
0x162: {  	[tilespmem:s15+$0x80] =	vst v27;
	v27 =	vperm.xlane v21, v26  }
0x163: {  	v29 =	vld [tilespmem:s16+$0x80];
	[tilespmem:s23+$0x80] =	vst v25;
	v25 =	vperm.xlane v22, v26  }
0x164: {  	v30 =	vshrl.u32 v28, $0x1B;
	[tilespmem:s25+$0x80] =	vst v27  }
0x165: {  	v30 =	vand.u32 $0x10, v30;
	[tilespmem:s2+$0x80] =	vst v25  }
0x166: {  	v28 =	vadd.s32 v28, v30;
	s7 =	sld [smem:$0x7FC]  }
0x167: {  	v26 =	vperm.xlane v18, v28  }
0x168: {  	v27 =	vperm.xlane v19, v28;
	v25 =	vshrl.u32 v29, $0x1B  }
0x169: {  	s3 =	smov.u32 s22;
	v30 =	vperm.xlane v20, v28;
	v25 =	vand.u32 $0x10, v25;
	[tilespmem:s7+$0x80] =	vst v26;
	v26 =	vld [tilespmem:s29+$0x100]  }
0x16a: {  	v31 =	vperm.xlane v21, v28;
	v25 =	vadd.s32 v29, v25;
	[tilespmem:s3+$0x80] =	vst v27  }
0x16b: {  	v27 =	vperm.xlane v22, v28;
	v28 =	vperm.xlane v18, v25;
	[tilespmem:s1+$0x80] =	vst v30  }
0x16c: {  	[tilespmem:s17+$0x80] =	vst v31  }
0x16d: {  	v29 =	vperm.xlane v19, v25;
	[tilespmem:s12+$0x80] =	vst v28  }
0x16e: {  	v30 =	vperm.xlane v20, v25;
	[tilespmem:s28+$0x80] =	vst v27;
	v27 =	vld [tilespmem:s8+$0x80];
	v28 =	vshrl.u32 v26, $0x1B  }
0x16f: {  	v31 =	vperm.xlane v21, v25;
	[tilespmem:s11+$0x80] =	vst v29;
	v28 =	vand.u32 $0x10, v28  }
0x170: {  	s30 =	smov.u32 s24;
	v25 =	vperm.xlane v22, v25;
	[tilespmem:s6+$0x80] =	vst v30;
	v26 =	vadd.s32 v26, v28  }
0x171: {  	[tilespmem:s30+$0x80] =	vst v31;
	v28 =	vperm.xlane v18, v26  }
0x172: {  	[tilespmem:s5+$0x80] =	vst v25;
	v25 =	vperm.xlane v19, v26  }
0x173: {  	v30 =	vld [tilespmem:s31+$0x100];
	v29 =	vshrl.u32 v27, $0x1B;
	[tilespmem:s13+$0x100] =	vst v28;
	v28 =	vperm.xlane v20, v26  }
0x174: {  	v29 =	vand.u32 $0x10, v29;
	[tilespmem:s15+$0x100] =	vst v25;
	v25 =	vperm.xlane v21, v26  }
0x175: {  	v27 =	vadd.s32 v27, v29;
	v26 =	vperm.xlane v22, v26;
	[tilespmem:s23+$0x100] =	vst v28  }
0x176: {  	v28 =	vperm.xlane v18, v27;
	[tilespmem:s25+$0x100] =	vst v25  }
0x177: {  	v25 =	vperm.xlane v19, v27;
	[tilespmem:s2+$0x100] =	vst v26  }
0x178: {  	s14 =	smov.u32 s21;
	v29 =	vshrl.u32 v30, $0x1B;
	v26 =	vperm.xlane v20, v27;
	[tilespmem:s19+$0x80] =	vst v28;
	v28 =	vld [tilespmem:s29+$0x180]  }
0x179: {  	v31 =	vperm.xlane v21, v27;
	v29 =	vand.u32 $0x10, v29;
	[tilespmem:s14+$0x80] =	vst v25  }
0x17a: {  	v25 =	vperm.xlane v22, v27;
	v27 =	vadd.s32 v30, v29;
	[tilespmem:s4+$0x80] =	vst v26  }
0x17b: {  	v26 =	vperm.xlane v18, v27;
	[tilespmem:s9+$0x80] =	vst v31  }
0x17c: {  	v29 =	vperm.xlane v19, v27;
	[tilespmem:s0+$0x80] =	vst v25  }
0x17d: {  	v30 =	vperm.xlane v20, v27;
	v25 =	vld [tilespmem:s16+$0x100];
	[tilespmem:s7+$0x100] =	vst v26;
	v26 =	vshrl.u32 v28, $0x1B  }
0x17e: {  	v31 =	vperm.xlane v21, v27;
	[tilespmem:s3+$0x100] =	vst v29;
	v26 =	vand.u32 $0x10, v26  }
0x17f: {  	v27 =	vperm.xlane v22, v27;
	[tilespmem:s1+$0x100] =	vst v30;
	v26 =	vadd.s32 v28, v26  }
0x180: {  	[tilespmem:s17+$0x100] =	vst v31;
	v28 =	vperm.xlane v18, v26  }
0x181: {  	[tilespmem:s28+$0x100] =	vst v27;
	v27 =	vperm.xlane v19, v26  }
0x182: {  	v30 =	vld [tilespmem:s8+$0x100];
	v29 =	vshrl.u32 v25, $0x1B;
	[tilespmem:s13+$0x180] =	vst v28;
	v28 =	vperm.xlane v20, v26  }
0x183: {  	v29 =	vand.u32 $0x10, v29;
	[tilespmem:s15+$0x180] =	vst v27;
	v27 =	vperm.xlane v21, v26  }
0x184: {  	v25 =	vadd.s32 v25, v29;
	v26 =	vperm.xlane v22, v26;
	[tilespmem:s23+$0x180] =	vst v28  }
0x185: {  	v28 =	vperm.xlane v18, v25;
	[tilespmem:s25+$0x180] =	vst v27  }
0x186: {  	v27 =	vperm.xlane v19, v25;
	[tilespmem:s2+$0x180] =	vst v26  }
0x187: {  	v29 =	vshrl.u32 v30, $0x1B;
	v26 =	vperm.xlane v20, v25;
	[tilespmem:s12+$0x100] =	vst v28;
	v28 =	vld [tilespmem:s29+$0x200]  }
0x188: {  	v31 =	vperm.xlane v21, v25;
	v29 =	vand.u32 $0x10, v29;
	[tilespmem:s11+$0x100] =	vst v27  }
0x189: {  	v25 =	vperm.xlane v22, v25;
	v27 =	vadd.s32 v30, v29;
	[tilespmem:s6+$0x100] =	vst v26  }
0x18a: {  	v26 =	vperm.xlane v18, v27;
	[tilespmem:s30+$0x100] =	vst v31  }
0x18b: {  	v29 =	vperm.xlane v19, v27;
	[tilespmem:s5+$0x100] =	vst v25  }
0x18c: {  	v30 =	vperm.xlane v20, v27;
	v25 =	vld [tilespmem:s31+$0x180];
	[tilespmem:s19+$0x100] =	vst v26;
	v26 =	vshrl.u32 v28, $0x1B  }
0x18d: {  	v31 =	vperm.xlane v21, v27;
	[tilespmem:s14+$0x100] =	vst v29;
	v26 =	vand.u32 $0x10, v26  }
0x18e: {  	v27 =	vperm.xlane v22, v27;
	[tilespmem:s4+$0x100] =	vst v30;
	v26 =	vadd.s32 v28, v26  }
0x18f: {  	[tilespmem:s9+$0x100] =	vst v31;
	v28 =	vperm.xlane v18, v26  }
0x190: {  	[tilespmem:s0+$0x100] =	vst v27;
	v27 =	vperm.xlane v19, v26  }
0x191: {  	v30 =	vld [tilespmem:s16+$0x180];
	v29 =	vshrl.u32 v25, $0x1B;
	[tilespmem:s13+$0x200] =	vst v28;
	v28 =	vperm.xlane v20, v26  }
0x192: {  	v29 =	vand.u32 $0x10, v29;
	[tilespmem:s15+$0x200] =	vst v27;
	v27 =	vperm.xlane v21, v26  }
0x193: {  	v25 =	vadd.s32 v25, v29;
	v26 =	vperm.xlane v22, v26;
	[tilespmem:s23+$0x200] =	vst v28  }
0x194: {  	v28 =	vperm.xlane v18, v25;
	[tilespmem:s25+$0x200] =	vst v27  }
0x195: {  	v27 =	vperm.xlane v19, v25;
	[tilespmem:s2+$0x200] =	vst v26  }
0x196: {  	v29 =	vshrl.u32 v30, $0x1B;
	v26 =	vperm.xlane v20, v25;
	[tilespmem:s7+$0x180] =	vst v28;
	v28 =	vld [tilespmem:s29+$0x280]  }
0x197: {  	v31 =	vperm.xlane v21, v25;
	v29 =	vand.u32 $0x10, v29;
	[tilespmem:s3+$0x180] =	vst v27  }
0x198: {  	v25 =	vperm.xlane v22, v25;
	v27 =	vadd.s32 v30, v29;
	[tilespmem:s1+$0x180] =	vst v26  }
0x199: {  	v26 =	vperm.xlane v18, v27;
	[tilespmem:s17+$0x180] =	vst v31  }
0x19a: {  	v29 =	vperm.xlane v19, v27;
	[tilespmem:s28+$0x180] =	vst v25  }
0x19b: {  	v30 =	vperm.xlane v20, v27;
	v25 =	vld [tilespmem:s8+$0x180];
	[tilespmem:s12+$0x180] =	vst v26;
	v26 =	vshrl.u32 v28, $0x1B  }
0x19c: {  	v31 =	vperm.xlane v21, v27;
	[tilespmem:s11+$0x180] =	vst v29;
	v26 =	vand.u32 $0x10, v26  }
0x19d: {  	v27 =	vperm.xlane v22, v27;
	[tilespmem:s6+$0x180] =	vst v30;
	v26 =	vadd.s32 v28, v26  }
0x19e: {  	[tilespmem:s30+$0x180] =	vst v31;
	v28 =	vperm.xlane v18, v26  }
0x19f: {  	[tilespmem:s5+$0x180] =	vst v27;
	v27 =	vperm.xlane v19, v26  }
0x1a0: {  	v30 =	vld [tilespmem:s31+$0x200];
	v29 =	vshrl.u32 v25, $0x1B;
	[tilespmem:s13+$0x280] =	vst v28;
	v28 =	vperm.xlane v20, v26  }
0x1a1: {  	v29 =	vand.u32 $0x10, v29;
	[tilespmem:s15+$0x280] =	vst v27;
	v27 =	vperm.xlane v21, v26  }
0x1a2: {  	v25 =	vadd.s32 v25, v29;
	v26 =	vperm.xlane v22, v26;
	[tilespmem:s23+$0x280] =	vst v28  }
0x1a3: {  	v28 =	vperm.xlane v18, v25;
	[tilespmem:s25+$0x280] =	vst v27  }
0x1a4: {  	v27 =	vperm.xlane v19, v25;
	[tilespmem:s2+$0x280] =	vst v26  }
0x1a5: {  	v29 =	vshrl.u32 v30, $0x1B;
	v26 =	vperm.xlane v20, v25;
	[tilespmem:s19+$0x180] =	vst v28;
	v28 =	vld [tilespmem:s29+$0x300]  }
0x1a6: {  	v31 =	vperm.xlane v21, v25;
	v29 =	vand.u32 $0x10, v29;
	[tilespmem:s14+$0x180] =	vst v27  }
0x1a7: {  	v25 =	vperm.xlane v22, v25;
	v27 =	vadd.s32 v30, v29;
	[tilespmem:s4+$0x180] =	vst v26  }
0x1a8: {  	v26 =	vperm.xlane v18, v27;
	[tilespmem:s9+$0x180] =	vst v31  }
0x1a9: {  	v29 =	vperm.xlane v19, v27;
	[tilespmem:s0+$0x180] =	vst v25  }
0x1aa: {  	v30 =	vperm.xlane v20, v27;
	[tilespmem:s7+$0x200] =	vst v26;
	v26 =	vshrl.u32 v28, $0x1B  }
0x1ab: {  	v31 =	vperm.xlane v21, v27;
	v25 =	vld [tilespmem:s16+$0x200];
	[tilespmem:s3+$0x200] =	vst v29;
	v26 =	vand.u32 $0x10, v26  }
0x1ac: {  	v27 =	vperm.xlane v22, v27;
	[tilespmem:s1+$0x200] =	vst v30;
	v26 =	vadd.s32 v28, v26  }
0x1ad: {  	[tilespmem:s17+$0x200] =	vst v31;
	v28 =	vperm.xlane v18, v26  }
0x1ae: {  	[tilespmem:s28+$0x200] =	vst v27;
	v27 =	vperm.xlane v19, v26  }
0x1af: {  	[tilespmem:s13+$0x300] =	vst v28;
	v28 =	vperm.xlane v20, v26  }
0x1b0: {  	v29 =	vshrl.u32 v25, $0x1B;
	[tilespmem:s15+$0x300] =	vst v27;
	v27 =	vperm.xlane v21, v26  }
0x1b1: {  	v29 =	vand.u32 $0x10, v29;
	[tilespmem:s23+$0x300] =	vst v28  }
0x1b2: {  	v25 =	vadd.s32 v25, v29;
	v26 =	vperm.xlane v22, v26;
	[tilespmem:s25+$0x300] =	vst v27  }
0x1b3: {  	v30 =	vld [tilespmem:s8+$0x200];
	v28 =	vperm.xlane v18, v25;
	s24 =	sld [smem:$0x7FD]  }
0x1b4: {  	v29 =	vperm.xlane v19, v25;
	[tilespmem:s2+$0x300] =	vst v26  }
0x1b5: {  	v26 =	vperm.xlane v20, v25;
	[tilespmem:s12+$0x200] =	vst v28  }
0x1b6: {  	v28 =	vperm.xlane v21, v25;
	[tilespmem:s11+$0x200] =	vst v29;
	v27 =	vld [tilespmem:s24+$0x380]  }
0x1b7: {  	v25 =	vperm.xlane v22, v25;
	[tilespmem:s6+$0x200] =	vst v26  }
0x1b8: {  	v51 =	vshrl.u32 v30, $0x1B;
	v31 =	vld [tilespmem:s29+$0x380];
	[tilespmem:s30+$0x200] =	vst v28  }
0x1b9: {  	v32 =	vand.u32 $0x10, v51;
	[tilespmem:s5+$0x200] =	vst v25  }
0x1ba: {  	v29 =	vadd.s32 v30, v32;
	v54 =	vld [tilespmem:s16+$0x280]  }
0x1bb: {  	v52 =	vld [tilespmem:s31+$0x280];
	v26 =	vperm.xlane v18, v29;
	v28 =	vshrl.u32 v27, $0x1B  }
0x1bc: {  	v24 =	vperm.xlane v22, v24;
	v30 =	vperm.xlane v19, v29;
	v25 =	vand.u32 $0x10, v28  }
0x1bd: {  	[tilespmem:s19+$0x200] =	vst v26;
	v26 =	vshrl.u32 v31, $0x1B;
	v28 =	vperm.xlane v20, v29;
	v53 =	vadd.s32 v27, v25  }
0x1be: {  	[tilespmem:s14+$0x200] =	vst v30;
	v27 =	vperm.xlane v21, v29;
	v25 =	vand.u32 $0x10, v26;
	v29 =	vperm.xlane v22, v29  }
0x1bf: {  	s20 =	smov.u32 s9;
	v58 =	vshrl.u32 v54, $0x1B;
	v26 =	vperm.xlane v18, v53;
	[tilespmem:s4+$0x200] =	vst v28;
	v30 =	vadd.s32 v31, v25  }
0x1c0: {  	v25 =	vperm.xlane v19, v53;
	v31 =	vshrl.u32 v52, $0x1B;
	[tilespmem:s20+$0x200] =	vst v27;
	v28 =	vperm.xlane v18, v30  }
0x1c1: {  	v32 =	vand.u32 $0x10, v58;
	v31 =	vand.u32 $0x10, v31;
	[tilespmem:s0+$0x200] =	vst v29;
	v29 =	vperm.xlane v19, v30  }
0x1c2: {  	v27 =	vperm.xlane v20, v53;
	v56 =	vperm.xlane v20, v30;
	v31 =	vadd.s32 v52, v31;
	[tilespmem:s13+$0x380] =	vst v28;
	v55 =	vld [tilespmem:s8+$0x280]  }
0x1c3: {  	v57 =	vperm.xlane v21, v30;
	v40 =	vadd.s32 v54, v32;
	v59 =	vperm.xlane v18, v31;
	[tilespmem:s15+$0x380] =	vst v29  }
0x1c4: {  	v30 =	vperm.xlane v22, v30;
	v36 =	vperm.xlane v18, v40;
	[tilespmem:s23+$0x380] =	vst v56  }
0x1c5: {  	v35 =	vperm.xlane v19, v40;
	v60 =	vperm.xlane v19, v31;
	[tilespmem:s7+$0x280] =	vst v59  }
0x1c6: {  	v34 =	vperm.xlane v20, v40;
	v32 =	vperm.xlane v21, v40;
	[tilespmem:s25+$0x380] =	vst v57  }
0x1c7: {  	v33 =	vperm.xlane v22, v40;
	v61 =	vperm.xlane v20, v31;
	[tilespmem:s3+$0x280] =	vst v60;
	v62 =	vshrl.u32 v55, $0x1B  }
0x1c8: {  	v28 =	vperm.xlane v21, v53;
	v29 =	vperm.xlane v22, v53;
	[tilespmem:s2+$0x380] =	vst v30;
	v63 =	vand.u32 $0x10, v62  }
0x1c9: {  	s18 =	smov.u32 s4;
	s23 =	simm.s32 $0x4;
	v30 =	vperm.xlane v21, v31;
	v31 =	vperm.xlane v22, v31;
	[tilespmem:s1+$0x280] =	vst v61;
	v37 =	vadd.s32 v55, v63  }
.LBB2_3:
0x1ca: {  	s24 =	rddreg [dreg:$0x4]  }
0x1cb: {  	s2 =	rddreg [dreg:$0xa];
	[tilespmem:s17+$0x280] =	vst v30  }
0x1cc: {  	s4 =	rddreg [dreg:$0xb];
	[tilespmem:s12+$0x280] =	vst v36  }
0x1cd: {  	s13 =	smov.u32 s3;
	s2 =	sadd.s32 $0x200, s2;
	s3 =	sadd.s32 $0x40, s4;
	[tilespmem:s28+$0x280] =	vst v31  }
0x1ce: {  	s21 =	smov.u32 s28;
	v30 =	vperm.xlane v18, v37;
	s25 =	sand.u32 $0x40, s3;
	s29 =	sand.u32 $0xC00, s2;
	[tilespmem:s11+$0x280] =	vst v35;
	v40 =	vld [tilespmem:s31+$0x300]  }
0x1cf: {  	[dreg:$0xb] =	wrdreg s3;
	s4 =	sadd.s32 s29, s24;
	s28 =	sor.u32 $0x30, s25;
	[tilespmem:s6+$0x280] =	vst v34  }
0x1d0: {  	[dreg:$0xa] =	wrdreg s2;
	s3 =	sor.u32 $0x20, s25;
	[tilespmem:s19+$0x280] =	vst v30;
	s2 =	sadd.s32 s28, s4  }
0x1d1: {  	v38 =	vperm.xlane v19, v37;
	s9 =	sadd.s32 s3, s4;
	[tilespmem:s30+$0x280] =	vst v32;
	v60 =	vld [tilespmem:s2+$0x0]  }
0x1d2: {  	s15 =	smov.u32 s1;
	v31 =	vperm.xlane v20, v37;
	s1 =	sadd.s32 s25, s4;
	[tilespmem:s5+$0x280] =	vst v33;
	v30 =	vld [tilespmem:s9+$0x0]  }
0x1d3: {  	v39 =	vperm.xlane v21, v37;
	s22 =	smov.u32 s17;
	s17 =	sor.u32 $0x10, s25;
	v61 =	vld [tilespmem:s1+$0x0];
	[tilespmem:s14+$0x280] =	vst v38;
	v62 =	vshrl.u32 v40, $0x1B  }
0x1d4: {  	v59 =	vperm.xlane v22, v37;
	s24 =	sadd.s32 s17, s4;
	[tilespmem:s18+$0x280] =	vst v31;
	v35 =	vand.u32 $0x10, v62  }
0x1d5: {  	v33 =	vld [tilespmem:s24+$0x0];
	[tilespmem:s20+$0x280] =	vst v39;
	v35 =	vadd.s32 v40, v35  }
0x1d6: {  	[tilespmem:s0+$0x280] =	vst v59;
	v31 =	vmul.u32 $0x5, v60;
	v52 =	vperm.xlane v18, v35  }
0x1d7: {  	v55 =	vld [tilespmem:s8+$0x300];
	[tilespmem:s26+$0x380] =	vst v26;
	v30 =	vmul.u32 $0x5, v30;
	v53 =	vperm.xlane v19, v35  }
0x1d8: {  	v54 =	vmul.u32 $0x5, v61;
	v32 =	vadd.s32 v23, v31;
	[tilespmem:s7+$0x300] =	vst v52  }
0x1d9: {  	s4 =	smov.u32 s7;
	v40 =	vperm.xlane v20, v35;
	v43 =	vadd.s32 v23, v30;
	s7 =	rddreg [dreg:$0xc];
	[tilespmem:s13+$0x300] =	vst v53  }
0x1da: {  	[dreg:$0x15] =	wrdreg s13;
	v63 =	vld [tilespmem:s16+$0x300];
	v33 =	vmul.u32 $0x5, v33;
	v56 =	vadd.s32 v23, v54;
	[tilespmem:s7+$0x380] =	vst v24  }
0x1db: {  	v41 =	vperm.xlane v21, v35;
	s13 =	rddreg [dreg:$0xe];
	[tilespmem:s15+$0x300] =	vst v40  }
0x1dc: {  	[dreg:$0x17] =	wrdreg s8;
	s8 =	simm.s32 $0x0;
	v31 =	vperm.xlane v22, v35;
	v58 =	vadd.s32 v23, v33;
	[tilespmem:s13+$0x380] =	vst v25  }
0x1dd: {  	s26 =	smov.u32 s12;
	s12 =	smov.u32 s18;
	s18 =	rddreg [dreg:$0x9];
	[tilespmem:s22+$0x300] =	vst v41;
	v48 =	vld.idx.msk [tilespmem:v32+s8+$0x0], $0xffff  }
0x1de: {  	s13 =	smov.u32 s14;
	s14 =	rddreg [dreg:$0x11];
	[tilespmem:s21+$0x300] =	vst v31;
	v25 =	vld.idx.msk [tilespmem:v43+s8+$0x0], $0xffff  }
0x1df: {  	v61 =	vadd.s32 $0x1, v32;
	s7 =	smov.u32 s5;
	s5 =	rddreg [dreg:$0xf];
	[tilespmem:s14+$0x380] =	vst v27;
	v24 =	vld.idx.msk [tilespmem:v56+s8+$0x0], $0xffff  }
0x1e0: {  	[dreg:$0x12] =	wrdreg s15;
	v44 =	vadd.s32 $0x1, v43;
	s15 =	smov.u32 s19;
	s19 =	sadd.s32 s29, s18;
	[tilespmem:s5+$0x380] =	vst v28  }
0x1e1: {  	[dreg:$0x13] =	wrdreg s21;
	v57 =	vadd.s32 $0x1, v56;
	s21 =	sadd.s32 s28, s19;
	v26 =	vld.idx.msk [tilespmem:v58+s8+$0x0], $0xffff;
	[tilespmem:s10+$0x380] =	vst v29  }
0x1e2: {  	v60 =	vshrl.u32 v63, $0x1B;
	v59 =	vadd.s32 $0x1, v58;
	s18 =	sadd.s32 s3, s19;
	[tilespmem:s21+$0x0] =	vst v48  }
0x1e3: {  	v35 =	vand.u32 $0x10, v60;
	v27 =	vld [tilespmem:s31+$0x380];
	s5 =	sadd.s32 s25, s19;
	[tilespmem:s18+$0x0] =	vst v25  }
0x1e4: {  	[dreg:$0x14] =	wrdreg s22;
	v35 =	vadd.s32 v63, v35;
	s22 =	smov.u32 s11;
	s11 =	smov.u32 s1;
	[tilespmem:s5+$0x0] =	vst v24;
	v24 =	vld.idx.msk [tilespmem:v61+s8+$0x0], $0xffff  }
0x1e5: {  	v63 =	vperm.xlane v18, v35;
	[dreg:$0x18] =	wrdreg s11;
	s11 =	sadd.s32 s17, s19;
	v44 =	vld.idx.msk [tilespmem:v44+s8+$0x0], $0xffff  }
0x1e6: {  	[dreg:$0x10] =	wrdreg s2;
	v52 =	vperm.xlane v19, v35;
	[tilespmem:s11+$0x0] =	vst v26;
	v36 =	vld.idx.msk [tilespmem:v57+s8+$0x0], $0xffff  }
0x1e7: {  	s2 =	smov.u32 s20;
	s20 =	rddreg [dreg:$0x5];
	v28 =	vperm.xlane v20, v35;
	v25 =	vadd.s32 $0x2, v32;
	v40 =	vld.idx.msk [tilespmem:v59+s8+$0x0], $0xffff;
	[tilespmem:s26+$0x300] =	vst v63  }
0x1e8: {  	v38 =	vadd.s32 $0x2, v56;
	v45 =	vadd.s32 $0x2, v43;
	v49 =	vshrl.u32 v55, $0x1B;
	s14 =	smov.u32 s6;
	s19 =	smov.u32 s0;
	s0 =	sadd.s32 s29, s20;
	[tilespmem:s22+$0x300] =	vst v52  }
0x1e9: {  	v60 =	vadd.s32 $0x3, v32;
	v62 =	vand.u32 $0x10, v49;
	[dreg:$0x19] =	wrdreg s22;
	v50 =	vshrl.u32 v27, $0x1B;
	s22 =	sadd.s32 s28, s0;
	[tilespmem:s14+$0x300] =	vst v28  }
0x1ea: {  	v42 =	vadd.s32 $0x2, v58;
	v34 =	vadd.s32 v55, v62;
	[dreg:$0x1a] =	wrdreg s14;
	v50 =	vand.u32 $0x10, v50;
	s14 =	sadd.s32 s3, s0;
	[tilespmem:s22+$0x0] =	vst v24  }
0x1eb: {  	v53 =	vperm.xlane v21, v35;
	v54 =	vperm.xlane v18, v34;
	s1 =	sadd.s32 s25, s0;
	v27 =	vadd.s32 v27, v50;
	[tilespmem:s14+$0x0] =	vst v44  }
0x1ec: {  	s23 =	sadd.s32 $0x4, s23;
	v46 =	vadd.s32 $0x3, v58;
	v29 =	vperm.xlane v22, v35;
	s10 =	smov.u32 s30;
	s30 =	sadd.s32 s17, s0;
	v57 =	vperm.xlane v18, v27;
	[tilespmem:s1+$0x0] =	vst v36;
	v24 =	vld.idx.msk [tilespmem:v25+s8+$0x0], $0xffff  }
0x1ed: {  	[dreg:$0xd] =	wrdreg s23;
	v33 =	vadd.s32 $0x4, v58;
	v58 =	vperm.xlane v19, v27;
	v28 =	vperm.xlane v20, v27;
	[tilespmem:s30+$0x0] =	vst v40;
	v61 =	vld.idx.msk [tilespmem:v45+s8+$0x0], $0xffff  }
0x1ee: {  	p0 =	slt.u32 s23, $0x1C;
	s23 =	rddreg [dreg:$0x6];
	v47 =	vadd.s32 $0x3, v43;
	v50 =	vperm.xlane v21, v27;
	v25 =	vperm.xlane v22, v27;
	[tilespmem:s15+$0x300] =	vst v54;
	v27 =	vld.idx.msk [tilespmem:v38+s8+$0x0], $0xffff  }
0x1ef: {  	v41 =	vadd.s32 $0x3, v56;
	s0 =	sadd.s32 s29, s23;
	v59 =	vld.idx.msk [tilespmem:v42+s8+$0x0], $0xffff;
	[tilespmem:s10+$0x300] =	vst v53  }
0x1f0: {  	s23 =	sadd.s32 s28, s0;
	[tilespmem:s7+$0x300] =	vst v29  }
0x1f1: {  	[dreg:$0x16] =	wrdreg s18;
	s18 =	sadd.s32 s3, s0;
	v29 =	vld [tilespmem:s16+$0x380];
	[tilespmem:s23+$0x0] =	vst v24  }
0x1f2: {  	s6 =	sadd.s32 s25, s0;
	[tilespmem:s18+$0x0] =	vst v61;
	v24 =	vld.idx.msk [tilespmem:v60+s8+$0x0], $0xffff  }
0x1f3: {  	v55 =	vperm.xlane v19, v34;
	s31 =	sadd.s32 s17, s0;
	[tilespmem:s6+$0x0] =	vst v27;
	v63 =	vld.idx.msk [tilespmem:v47+s8+$0x0], $0xffff  }
0x1f4: {  	v30 =	vadd.s32 $0x4, v56;
	v56 =	vperm.xlane v20, v34;
	v32 =	vadd.s32 $0x4, v32;
	[tilespmem:s31+$0x0] =	vst v59;
	v27 =	vld.idx.msk [tilespmem:v41+s8+$0x0], $0xffff  }
0x1f5: {  	v26 =	vperm.xlane v21, v34;
	s16 =	smov.u32 s24;
	s24 =	rddreg [dreg:$0x7];
	[tilespmem:s13+$0x300] =	vst v55;
	v62 =	vld.idx.msk [tilespmem:v46+s8+$0x0], $0xffff  }
0x1f6: {  	s0 =	sadd.s32 s29, s24;
	[tilespmem:s12+$0x300] =	vst v56;
	v41 =	vshrl.u32 v29, $0x1B  }
0x1f7: {  	v31 =	vadd.s32 $0x4, v43;
	s24 =	sadd.s32 s28, s0;
	[tilespmem:s2+$0x300] =	vst v26;
	v37 =	vand.u32 $0x10, v41  }
0x1f8: {  	[dreg:$0xc] =	wrdreg s7;
	s7 =	sadd.s32 s25, s0;
	v29 =	vadd.s32 v29, v37;
	[tilespmem:s24+$0x0] =	vst v24  }
0x1f9: {  	[dreg:$0xe] =	wrdreg s13;
	v34 =	vperm.xlane v22, v34;
	s13 =	sadd.s32 s17, s0;
	v37 =	vperm.xlane v18, v29;
	[tilespmem:s7+$0x0] =	vst v27;
	v26 =	vld.idx.msk [tilespmem:v32+s8+$0x0], $0xffff  }
0x1fa: {  	[dreg:$0xf] =	wrdreg s2;
	s20 =	sadd.s32 s3, s0;
	v42 =	vperm.xlane v19, v29;
	v44 =	vperm.xlane v20, v29;
	[tilespmem:s13+$0x0] =	vst v62;
	v27 =	vld.idx.msk [tilespmem:v30+s8+$0x0], $0xffff  }
0x1fb: {  	[dreg:$0x11] =	wrdreg s12;
	v45 =	vperm.xlane v21, v29;
	v24 =	vperm.xlane v22, v29;
	[tilespmem:s20+$0x0] =	vst v63;
	v29 =	vld.idx.msk [tilespmem:v33+s8+$0x0], $0xffff  }
0x1fc: {  	s2 =	rddreg [dreg:$0x8];
	v30 =	vld.idx.msk [tilespmem:v31+s8+$0x0], $0xffff;
	[tilespmem:s19+$0x300] =	vst v34  }
0x1fd: {  	s0 =	sadd.s32 s29, s2;
	s29 =	rddreg [dreg:$0x15];
	[tilespmem:s4+$0x380] =	vst v57  }
0x1fe: {  	s12 =	rddreg [dreg:$0x17];
	s4 =	sadd.s32 s25, s0;
	s25 =	sadd.s32 s28, s0;
	[tilespmem:s29+$0x380] =	vst v58  }
0x1ff: {  	s2 =	smov.u32 s5;
	v31 =	vld [tilespmem:s12+$0x380];
	s29 =	rddreg [dreg:$0x10];
	[tilespmem:s25+$0x0] =	vst v26  }
0x200: {  	s5 =	sadd.s32 s17, s0;
	s8 =	smov.u32 s9;
	s9 =	rddreg [dreg:$0x18];
	[tilespmem:s4+$0x0] =	vst v27;
	v46 =	vld [tilespmem:s29+$0x80]  }
0x201: {  	s0 =	sadd.s32 s3, s0;
	[tilespmem:s5+$0x0] =	vst v29;
	v47 =	vld [tilespmem:s9+$0x80]  }
0x202: {  	s12 =	rddreg [dreg:$0x12];
	[tilespmem:s0+$0x0] =	vst v30;
	v29 =	vld [tilespmem:s16+$0x80]  }
0x203: {  	v30 =	vld [tilespmem:s8+$0x80];
	[tilespmem:s12+$0x380] =	vst v28  }
0x204: {  	s17 =	rddreg [dreg:$0x14];
	[tilespmem:s26+$0x380] =	vst v37  }
0x205: {  	s12 =	smov.u32 s11;
	s11 =	rddreg [dreg:$0x19];
	[tilespmem:s17+$0x380] =	vst v50;
	v27 =	vshrl.u32 v46, $0x1B  }
0x206: {  	s17 =	smov.u32 s7;
	s7 =	rddreg [dreg:$0x13];
	[tilespmem:s11+$0x380] =	vst v42;
	v48 =	vand.u32 $0x10, v27  }
0x207: {  	s26 =	rddreg [dreg:$0x1a];
	[tilespmem:s7+$0x380] =	vst v25;
	v28 =	vshrl.u32 v47, $0x1B;
	v49 =	vshrl.u32 v29, $0x1B;
	v33 =	vadd.s32 v46, v48  }
0x208: {  	[tilespmem:s26+$0x380] =	vst v44;
	v51 =	vshrl.u32 v30, $0x1B;
	v28 =	vand.u32 $0x10, v28;
	v52 =	vperm.xlane v18, v33  }
0x209: {  	[tilespmem:s10+$0x380] =	vst v45;
	v50 =	vand.u32 $0x10, v49;
	v28 =	vadd.s32 v47, v28;
	v54 =	vperm.xlane v19, v33  }
0x20a: {  	v53 =	vand.u32 $0x10, v51;
	v29 =	vadd.s32 v29, v50;
	v56 =	vperm.xlane v18, v28;
	[tilespmem:s21+$0x80] =	vst v52  }
0x20b: {  	s28 =	smov.u32 s4;
	s4 =	smov.u32 s2;
	v30 =	vadd.s32 v30, v53;
	v62 =	vperm.xlane v18, v29;
	[tilespmem:s22+$0x80] =	vst v54  }
0x20c: {  	v49 =	vperm.xlane v18, v30;
	[tilespmem:s4+$0x80] =	vst v56  }
0x20d: {  	s10 =	smov.u32 s19;
	s19 =	rddreg [dreg:$0x16];
	v55 =	vperm.xlane v20, v33;
	[tilespmem:s12+$0x80] =	vst v62  }
0x20e: {  	v58 =	vperm.xlane v19, v28;
	[tilespmem:s19+$0x80] =	vst v49  }
0x20f: {  	s3 =	smov.u32 s1;
	v63 =	vperm.xlane v19, v29;
	[tilespmem:s23+$0x80] =	vst v55  }
0x210: {  	s11 =	smov.u32 s30;
	v50 =	vperm.xlane v19, v30;
	[tilespmem:s3+$0x80] =	vst v58  }
0x211: {  	v57 =	vperm.xlane v21, v33;
	[tilespmem:s11+$0x80] =	vst v63  }
0x212: {  	v60 =	vperm.xlane v20, v28;
	[tilespmem:s14+$0x80] =	vst v50  }
0x213: {  	s1 =	smov.u32 s6;
	v45 =	vperm.xlane v20, v29;
	[tilespmem:s24+$0x80] =	vst v57  }
0x214: {  	s6 =	smov.u32 s31;
	v59 =	vperm.xlane v22, v33;
	[tilespmem:s1+$0x80] =	vst v60  }
0x215: {  	v51 =	vperm.xlane v20, v30;
	[tilespmem:s6+$0x80] =	vst v45  }
0x216: {  	v61 =	vperm.xlane v21, v28;
	[tilespmem:s25+$0x80] =	vst v59  }
0x217: {  	v47 =	vperm.xlane v21, v29;
	[tilespmem:s18+$0x80] =	vst v51;
	v46 =	vld [tilespmem:s29+$0x100]  }
0x218: {  	v26 =	vshrl.u32 v31, $0x1B;
	s30 =	smov.u32 s13;
	v52 =	vperm.xlane v21, v30;
	[tilespmem:s17+$0x80] =	vst v61  }
0x219: {  	v26 =	vand.u32 $0x10, v26;
	v28 =	vperm.xlane v22, v28;
	[tilespmem:s30+$0x80] =	vst v47  }
0x21a: {  	v31 =	vadd.s32 v31, v26;
	v30 =	vperm.xlane v22, v30;
	[tilespmem:s20+$0x80] =	vst v52  }
0x21b: {  	v26 =	vperm.xlane v18, v31;
	v48 =	vperm.xlane v22, v29;
	[tilespmem:s28+$0x80] =	vst v28  }
0x21c: {  	v25 =	vperm.xlane v19, v31;
	v27 =	vperm.xlane v20, v31;
	[tilespmem:s0+$0x80] =	vst v30;
	v53 =	vld [tilespmem:s9+$0x100];
	v54 =	vshrl.u32 v46, $0x1B  }
0x21d: {  	v29 =	vperm.xlane v22, v31;
	v28 =	vperm.xlane v21, v31;
	[tilespmem:s5+$0x80] =	vst v48;
	v48 =	vld [tilespmem:s8+$0x100];
	v31 =	vand.u32 $0x10, v54  }
0x21e: {  	v31 =	vadd.s32 v46, v31  }
0x21f: {  	v55 =	vperm.xlane v18, v31  }
0x220: {  	v56 =	vperm.xlane v19, v31  }
0x221: {  	v57 =	vshrl.u32 v53, $0x1B;
	v58 =	vperm.xlane v20, v31;
	[tilespmem:s21+$0x100] =	vst v55  }
0x222: {  	v36 =	vld [tilespmem:s16+$0x100];
	v52 =	vshrl.u32 v48, $0x1B;
	v35 =	vand.u32 $0x10, v57;
	v59 =	vperm.xlane v21, v31;
	[tilespmem:s22+$0x100] =	vst v56  }
0x223: {  	v38 =	vand.u32 $0x10, v52;
	v35 =	vadd.s32 v53, v35;
	v31 =	vperm.xlane v22, v31;
	[tilespmem:s23+$0x100] =	vst v58  }
0x224: {  	v32 =	vadd.s32 v48, v38;
	v60 =	vperm.xlane v18, v35;
	[tilespmem:s24+$0x100] =	vst v59  }
0x225: {  	v54 =	vperm.xlane v18, v32;
	[tilespmem:s25+$0x100] =	vst v31  }
0x226: {  	v61 =	vperm.xlane v19, v35;
	[tilespmem:s4+$0x100] =	vst v60;
	v44 =	vld [tilespmem:s29+$0x180]  }
0x227: {  	v43 =	vshrl.u32 v36, $0x1B;
	v62 =	vperm.xlane v20, v35;
	v38 =	vperm.xlane v19, v32;
	[tilespmem:s19+$0x100] =	vst v54  }
0x228: {  	v63 =	vperm.xlane v21, v35;
	[tilespmem:s3+$0x100] =	vst v61;
	v31 =	vperm.xlane v22, v35;
	v35 =	vand.u32 $0x10, v43  }
0x229: {  	[tilespmem:s14+$0x100] =	vst v38;
	v35 =	vadd.s32 v36, v35  }
0x22a: {  	[tilespmem:s1+$0x100] =	vst v62;
	v36 =	vperm.xlane v18, v35  }
0x22b: {  	[tilespmem:s17+$0x100] =	vst v63;
	v45 =	vperm.xlane v19, v35;
	v46 =	vperm.xlane v20, v35;
	v49 =	vshrl.u32 v44, $0x1B  }
0x22c: {  	v47 =	vperm.xlane v21, v35;
	v30 =	vperm.xlane v22, v35;
	[tilespmem:s28+$0x100] =	vst v31;
	v35 =	vand.u32 $0x10, v49  }
0x22d: {  	[tilespmem:s12+$0x100] =	vst v36;
	v33 =	vadd.s32 v44, v35  }
0x22e: {  	[tilespmem:s11+$0x100] =	vst v45;
	v50 =	vperm.xlane v18, v33  }
0x22f: {  	[tilespmem:s6+$0x100] =	vst v46;
	v31 =	vperm.xlane v19, v33  }
0x230: {  	v51 =	vld [tilespmem:s9+$0x180];
	v53 =	vperm.xlane v20, v33;
	[tilespmem:s21+$0x180] =	vst v50  }
0x231: {  	[tilespmem:s22+$0x180] =	vst v31;
	v31 =	vperm.xlane v21, v33  }
0x232: {  	v33 =	vperm.xlane v22, v33;
	[tilespmem:s23+$0x180] =	vst v53  }
0x233: {  	[tilespmem:s24+$0x180] =	vst v31  }
0x234: {  	[tilespmem:s25+$0x180] =	vst v33  }
0x235: {  	[tilespmem:s30+$0x100] =	vst v47;
	v56 =	vshrl.u32 v51, $0x1B;
	v31 =	vperm.xlane v20, v32;
	v57 =	vld [tilespmem:s29+$0x200]  }
0x236: {  	v55 =	vperm.xlane v21, v32;
	[tilespmem:s5+$0x100] =	vst v30;
	v33 =	vand.u32 $0x10, v56  }
0x237: {  	v32 =	vperm.xlane v22, v32;
	v33 =	vadd.s32 v51, v33;
	[tilespmem:s18+$0x100] =	vst v31  }
0x238: {  	v35 =	vperm.xlane v18, v33;
	[tilespmem:s20+$0x100] =	vst v55  }
0x239: {  	v58 =	vperm.xlane v19, v33;
	[tilespmem:s0+$0x100] =	vst v32  }
0x23a: {  	v59 =	vperm.xlane v20, v33;
	[tilespmem:s4+$0x180] =	vst v35;
	v62 =	vshrl.u32 v57, $0x1B  }
0x23b: {  	v60 =	vperm.xlane v21, v33;
	[tilespmem:s3+$0x180] =	vst v58;
	v34 =	vand.u32 $0x10, v62  }
0x23c: {  	v61 =	vld [tilespmem:s16+$0x180];
	v30 =	vperm.xlane v22, v33;
	[tilespmem:s1+$0x180] =	vst v59;
	v31 =	vadd.s32 v57, v34  }
0x23d: {  	[tilespmem:s17+$0x180] =	vst v60;
	v34 =	vperm.xlane v18, v31  }
0x23e: {  	[tilespmem:s28+$0x180] =	vst v30;
	v63 =	vperm.xlane v19, v31  }
0x23f: {  	v43 =	vperm.xlane v20, v31;
	[tilespmem:s21+$0x200] =	vst v34  }
0x240: {  	v44 =	vperm.xlane v21, v31;
	[tilespmem:s22+$0x200] =	vst v63  }
0x241: {  	v42 =	vshrl.u32 v61, $0x1B;
	v38 =	vld [tilespmem:s8+$0x180];
	v31 =	vperm.xlane v22, v31;
	[tilespmem:s23+$0x200] =	vst v43  }
0x242: {  	v36 =	vand.u32 $0x10, v42;
	v41 =	vld [tilespmem:s9+$0x200];
	[tilespmem:s24+$0x200] =	vst v44  }
0x243: {  	v33 =	vadd.s32 v61, v36;
	[tilespmem:s25+$0x200] =	vst v31  }
0x244: {  	v45 =	vperm.xlane v18, v33;
	v49 =	vld [tilespmem:s29+$0x280]  }
0x245: {  	v36 =	vperm.xlane v19, v33  }
0x246: {  	v46 =	vperm.xlane v20, v33;
	v47 =	vperm.xlane v21, v33;
	[tilespmem:s12+$0x180] =	vst v45;
	v48 =	vshrl.u32 v38, $0x1B  }
0x247: {  	[tilespmem:s11+$0x180] =	vst v36;
	v54 =	vshrl.u32 v41, $0x1B;
	v31 =	vperm.xlane v22, v33;
	v33 =	vand.u32 $0x10, v48  }
0x248: {  	[tilespmem:s6+$0x180] =	vst v46;
	v35 =	vand.u32 $0x10, v54;
	v33 =	vadd.s32 v38, v33  }
0x249: {  	[tilespmem:s30+$0x180] =	vst v47;
	v35 =	vadd.s32 v41, v35;
	v50 =	vperm.xlane v18, v33;
	v52 =	vshrl.u32 v49, $0x1B  }
0x24a: {  	[tilespmem:s5+$0x180] =	vst v31;
	v56 =	vperm.xlane v18, v35;
	v34 =	vand.u32 $0x10, v52  }
0x24b: {  	v38 =	vperm.xlane v19, v33;
	[tilespmem:s19+$0x180] =	vst v50;
	v53 =	vadd.s32 v49, v34  }
0x24c: {  	[tilespmem:s4+$0x200] =	vst v56;
	v34 =	vperm.xlane v18, v53  }
0x24d: {  	[tilespmem:s14+$0x180] =	vst v38;
	v31 =	vperm.xlane v19, v53  }
0x24e: {  	v55 =	vperm.xlane v20, v53;
	[tilespmem:s21+$0x280] =	vst v34  }
0x24f: {  	v36 =	vld [tilespmem:s16+$0x200];
	[tilespmem:s22+$0x280] =	vst v31;
	v31 =	vperm.xlane v21, v53  }
0x250: {  	v32 =	vperm.xlane v22, v53;
	[tilespmem:s23+$0x280] =	vst v55  }
0x251: {  	v57 =	vperm.xlane v19, v35;
	[tilespmem:s24+$0x280] =	vst v31  }
0x252: {  	v30 =	vperm.xlane v20, v33;
	[tilespmem:s25+$0x280] =	vst v32  }
0x253: {  	v51 =	vperm.xlane v21, v33;
	[tilespmem:s3+$0x200] =	vst v57;
	v60 =	vld [tilespmem:s29+$0x300]  }
0x254: {  	v33 =	vperm.xlane v22, v33;
	v41 =	vperm.xlane v21, v35;
	[tilespmem:s18+$0x180] =	vst v30;
	v59 =	vshrl.u32 v36, $0x1B  }
0x255: {  	v58 =	vperm.xlane v22, v35;
	[tilespmem:s20+$0x180] =	vst v51;
	v31 =	vperm.xlane v20, v35;
	v35 =	vand.u32 $0x10, v59  }
0x256: {  	[tilespmem:s0+$0x180] =	vst v33;
	v35 =	vadd.s32 v36, v35  }
0x257: {  	v30 =	vperm.xlane v18, v35;
	[tilespmem:s1+$0x200] =	vst v31  }
0x258: {  	v36 =	vperm.xlane v19, v35;
	v61 =	vperm.xlane v20, v35;
	[tilespmem:s17+$0x200] =	vst v41;
	v44 =	vshrl.u32 v60, $0x1B  }
0x259: {  	v62 =	vperm.xlane v21, v35;
	v63 =	vperm.xlane v22, v35;
	[tilespmem:s28+$0x200] =	vst v58;
	v35 =	vand.u32 $0x10, v44  }
0x25a: {  	v43 =	vld [tilespmem:s8+$0x200];
	[tilespmem:s12+$0x200] =	vst v30;
	v31 =	vadd.s32 v60, v35  }
0x25b: {  	[tilespmem:s11+$0x200] =	vst v36;
	v35 =	vperm.xlane v18, v31  }
0x25c: {  	[tilespmem:s6+$0x200] =	vst v61;
	v45 =	vperm.xlane v19, v31  }
0x25d: {  	v48 =	vperm.xlane v20, v31;
	[tilespmem:s21+$0x300] =	vst v35  }
0x25e: {  	v49 =	vperm.xlane v21, v31;
	[tilespmem:s22+$0x300] =	vst v45  }
0x25f: {  	v47 =	vshrl.u32 v43, $0x1B;
	v46 =	vld [tilespmem:s9+$0x280];
	v31 =	vperm.xlane v22, v31;
	[tilespmem:s23+$0x300] =	vst v48  }
0x260: {  	v39 =	vand.u32 $0x10, v47;
	[tilespmem:s24+$0x300] =	vst v49  }
0x261: {  	v34 =	vadd.s32 v43, v39;
	[tilespmem:s25+$0x300] =	vst v31  }
0x262: {  	v50 =	vperm.xlane v18, v34;
	[tilespmem:s30+$0x200] =	vst v62;
	v53 =	vld [tilespmem:s29+$0x380]  }
0x263: {  	v39 =	vperm.xlane v19, v34;
	[tilespmem:s5+$0x200] =	vst v63  }
0x264: {  	v51 =	vperm.xlane v20, v34;
	[tilespmem:s19+$0x200] =	vst v50;
	v33 =	vld [tilespmem:s16+$0x280];
	v31 =	vshrl.u32 v46, $0x1B  }
0x265: {  	v52 =	vperm.xlane v21, v34;
	[tilespmem:s14+$0x200] =	vst v39;
	v30 =	vand.u32 $0x10, v31  }
0x266: {  	v34 =	vperm.xlane v22, v34;
	[tilespmem:s18+$0x200] =	vst v51;
	v31 =	vadd.s32 v46, v30  }
0x267: {  	[tilespmem:s20+$0x200] =	vst v52;
	v37 =	vperm.xlane v18, v31;
	v56 =	vshrl.u32 v53, $0x1B  }
0x268: {  	[tilespmem:s0+$0x200] =	vst v34;
	v54 =	vperm.xlane v19, v31;
	v35 =	vand.u32 $0x10, v56  }
0x269: {  	v39 =	vld [tilespmem:s8+$0x280];
	v59 =	vshrl.u32 v33, $0x1B;
	v55 =	vperm.xlane v20, v31;
	[tilespmem:s4+$0x280] =	vst v37;
	v57 =	vadd.s32 v53, v35  }
0x26a: {  	v36 =	vand.u32 $0x10, v59;
	[tilespmem:s3+$0x280] =	vst v54;
	v35 =	vperm.xlane v18, v57  }
0x26b: {  	v33 =	vadd.s32 v33, v36;
	[tilespmem:s1+$0x280] =	vst v55;
	v58 =	vperm.xlane v19, v57  }
.Ltmp0:
0x26c: {  	v36 =	vperm.xlane v18, v33;
	v60 =	vperm.xlane v20, v57;
	[tilespmem:s21+$0x380] =	vst v35;
	(pc) =	sbr.rel @p0 .LBB2_3-.Ltmp0, $4  }
0x26d: {  	v34 =	vperm.xlane v20, v33;
	v61 =	vperm.xlane v21, v57;
	[tilespmem:s22+$0x380] =	vst v58  }
0x26e: {  	v63 =	vshrl.u32 v39, $0x1B;
	v32 =	vperm.xlane v21, v33;
	v62 =	vperm.xlane v22, v57;
	[tilespmem:s23+$0x380] =	vst v60  }
0x26f: {  	s31 =	smov.u32 s9;
	v30 =	vperm.xlane v21, v31;
	v31 =	vperm.xlane v22, v31;
	v37 =	vand.u32 $0x10, v63;
	[tilespmem:s24+$0x380] =	vst v61  }
0x270: {  	s26 =	smov.u32 s15;
	s7 =	smov.u32 s4;
	v37 =	vadd.s32 v39, v37;
	v35 =	vperm.xlane v19, v33;
	v33 =	vperm.xlane v22, v33;
	s23 =	rddreg [dreg:$0xd];
	[tilespmem:s25+$0x380] =	vst v62  }
0x271: {  	s2 =	rddreg [dreg:$0xc];
	[tilespmem:s26+$0x380] =	vst v26  }
0x272: {  	[tilespmem:s2+$0x380] =	vst v24  }
0x273: {  	s2 =	rddreg [dreg:$0xe]  }
0x274: {  	[tilespmem:s2+$0x380] =	vst v25  }
0x275: {  	s2 =	rddreg [dreg:$0x11]  }
0x276: {  	[tilespmem:s2+$0x380] =	vst v27  }
0x277: {  	v60 =	vperm.xlane v18, v37;
	s2 =	rddreg [dreg:$0xf];
	[tilespmem:s17+$0x280] =	vst v30  }
0x278: {  	[tilespmem:s12+$0x280] =	vst v36  }
0x279: {  	[tilespmem:s19+$0x280] =	vst v60  }
0x27a: {  	[tilespmem:s28+$0x280] =	vst v31  }
0x27b: {  	[tilespmem:s2+$0x380] =	vst v28;
	v23 =	vld [tilespmem:s31+$0x300]  }
0x27c: {  	[tilespmem:s11+$0x280] =	vst v35  }
0x27d: {  	[tilespmem:s6+$0x280] =	vst v34  }
0x27e: {  	v61 =	vperm.xlane v19, v37;
	[tilespmem:s30+$0x280] =	vst v32  }
0x27f: {  	[tilespmem:s5+$0x280] =	vst v33  }
0x280: {  	v62 =	vperm.xlane v20, v37;
	[tilespmem:s14+$0x280] =	vst v61;
	v32 =	vld [tilespmem:s16+$0x300];
	v63 =	vshrl.u32 v23, $0x1B  }
0x281: {  	[tilespmem:s10+$0x380] =	vst v29;
	v33 =	vperm.xlane v21, v37;
	v27 =	vand.u32 $0x10, v63  }
0x282: {  	v34 =	vperm.xlane v22, v37;
	[tilespmem:s18+$0x280] =	vst v62;
	v23 =	vadd.s32 v23, v27  }
0x283: {  	[tilespmem:s20+$0x280] =	vst v33;
	v35 =	vperm.xlane v18, v23  }
0x284: {  	[tilespmem:s0+$0x280] =	vst v34;
	v27 =	vperm.xlane v19, v23  }
0x285: {  	v37 =	vld [tilespmem:s8+$0x300];
	v36 =	vperm.xlane v20, v23;
	v38 =	vshrl.u32 v32, $0x1B;
	[tilespmem:s7+$0x300] =	vst v35  }
0x286: {  	v39 =	vperm.xlane v21, v23;
	v40 =	vand.u32 $0x10, v38;
	[tilespmem:s3+$0x300] =	vst v27  }
0x287: {  	v23 =	vperm.xlane v22, v23;
	v24 =	vadd.s32 v32, v40;
	[tilespmem:s1+$0x300] =	vst v36  }
0x288: {  	v41 =	vperm.xlane v18, v24;
	[tilespmem:s17+$0x300] =	vst v39  }
0x289: {  	[tilespmem:s28+$0x300] =	vst v23;
	v23 =	vperm.xlane v19, v24  }
0x28a: {  	v43 =	vshrl.u32 v37, $0x1B;
	v44 =	vperm.xlane v20, v24;
	[tilespmem:s12+$0x300] =	vst v41;
	v42 =	vld [tilespmem:s31+$0x380]  }
0x28b: {  	v46 =	vperm.xlane v21, v24;
	v45 =	vand.u32 $0x10, v43;
	[tilespmem:s11+$0x300] =	vst v23  }
0x28c: {  	v24 =	vperm.xlane v22, v24;
	v23 =	vadd.s32 v37, v45;
	[tilespmem:s6+$0x300] =	vst v44  }
0x28d: {  	v25 =	vperm.xlane v18, v23;
	[tilespmem:s30+$0x300] =	vst v46  }
0x28e: {  	v26 =	vperm.xlane v19, v23;
	[tilespmem:s5+$0x300] =	vst v24  }
0x28f: {  	v47 =	vperm.xlane v20, v23;
	[tilespmem:s19+$0x300] =	vst v25;
	v24 =	vld [tilespmem:s16+$0x380];
	v48 =	vshrl.u32 v42, $0x1B  }
0x290: {  	v49 =	vperm.xlane v21, v23;
	[tilespmem:s14+$0x300] =	vst v26;
	v29 =	vand.u32 $0x10, v48  }
0x291: {  	v23 =	vperm.xlane v22, v23;
	[tilespmem:s18+$0x300] =	vst v47;
	v50 =	vadd.s32 v42, v29  }
0x292: {  	[tilespmem:s20+$0x300] =	vst v49;
	v27 =	vperm.xlane v18, v50  }
0x293: {  	v51 =	vperm.xlane v19, v50;
	[tilespmem:s0+$0x300] =	vst v23  }
0x294: {  	v52 =	vperm.xlane v20, v50;
	v23 =	vld [tilespmem:s8+$0x380];
	[tilespmem:s7+$0x380] =	vst v27;
	v53 =	vshrl.u32 v24, $0x1B  }
0x295: {  	v54 =	vperm.xlane v21, v50;
	[tilespmem:s3+$0x380] =	vst v51;
	v28 =	vand.u32 $0x10, v53  }
0x296: {  	v26 =	vperm.xlane v22, v50;
	[tilespmem:s1+$0x380] =	vst v52;
	v24 =	vadd.s32 v24, v28  }
0x297: {  	[tilespmem:s17+$0x380] =	vst v54;
	v55 =	vperm.xlane v18, v24  }
0x298: {  	v56 =	vperm.xlane v19, v24;
	[tilespmem:s28+$0x380] =	vst v26  }
0x299: {  	v57 =	vperm.xlane v20, v24;
	v58 =	vshrl.u32 v23, $0x1B;
	[tilespmem:s12+$0x380] =	vst v55  }
0x29a: {  	v59 =	vperm.xlane v21, v24;
	v27 =	vand.u32 $0x10, v58;
	[tilespmem:s11+$0x380] =	vst v56  }
0x29b: {  	v24 =	vperm.xlane v22, v24;
	v23 =	vadd.s32 v23, v27;
	[tilespmem:s6+$0x380] =	vst v57  }
0x29c: {  	v60 =	vperm.xlane v18, v23;
	[tilespmem:s30+$0x380] =	vst v59  }
0x29d: {  	v61 =	vperm.xlane v19, v23;
	[tilespmem:s5+$0x380] =	vst v24  }
0x29e: {  	v62 =	vperm.xlane v20, v23;
	[tilespmem:s19+$0x380] =	vst v60  }
0x29f: {  	v63 =	vperm.xlane v21, v23;
	[tilespmem:s14+$0x380] =	vst v61  }
0x2a0: {  	v23 =	vperm.xlane v22, v23;
	s1 =	sld [smem:$0x7F7];
	[tilespmem:s18+$0x380] =	vst v62  }
0x2a1: {  	s3 =	rddreg [dreg:$0x1b];
	[tilespmem:s20+$0x380] =	vst v63  }
0x2a2: {  	[tilespmem:s0+$0x380] =	vst v23  }
0x2a3: {  	s6 =	sld [smem:$0x7F5];
	_ =	sdelay $0x2  }
0x2a4: {  	p0 =	sne.s32 s6, $0x19  }
.Ltmp1:
0x2a5: {  	s1 =	sshll.u32 s1, $0x11;
	s0 =	sld [smem:$0x7F6];
	(pc) =	sbr.rel @p0 .LBB2_2-.Ltmp1, $4  }
0x2a6: {  	s4 =	simm.s32 $0x320000;
	s1 =	sor.u32 s3, s1  }
0x2a7: {  	s31 =	simm.s32 $0x1000;
	s30 =	rddreg [dreg:$0x2];
	s1 =	sshrl.u32 s1, $0x3  }
0x2a8: {  	s5 =	rddreg [dreg:$0x9];
	s0 =	sadd.s32 $0x3, s0;
	s1 =	sadd.s32 s30, s1  }
0x2a9: {  	[hbm4b:s1+s31] =	stream.strided.scatter [tilespmem:s5], [sflag:s0], $0x5000, s4, s31, $0x38;
	[tilespmem:$0xC200] =	vst v63  }
0x2aa: {  	s0 =	simm.s32 $0x4  }
0x2ab: {  	_ =	swait.ge [sflag:s0], $0x5000  }
0x2ac: {  	[sflag:s0] =	ssyncset.done $0x0  }
0x2ad: {  	s1 =	simm.s32 $0x3;
	[sflag:s0] =	ssyncadd.s32 $0xFFFFB000  }
0x2ae: {  	_ =	swait.ge [sflag:s1], $0x5000  }
0x2af: {  	s2 =	rddreg [dreg:$0x1f]  }
0x2b0: {  	s31 =	rddreg [dreg:$0x1e];
	s2 =	sadd.s32 $0x1, s2  }
0x2b1: {  	p0 =	sne.s32 s2, s31  }
.Ltmp2:
0x2b2: {  	_ = 	snop;
	(pc) =	sbr.rel @p0 .LBB2_1-.Ltmp2, $3  }
0x2b3: {  	_ =	sdelay $0x1  }
0x2b4: {  	[sflag:s1] =	ssyncset.done $0x0  }
0x2b5: {  	s6 =	simm.s32 $0x0;
	[sflag:s1] =	ssyncadd.s32 $0xFFFFB000  }
0x2b6: {  	_ =	sfence.sel $0x180000  }
0x2b7: {  	[bflag:$0x0] =	sbarrier.arrive $0xFFFF  }
0x2b8: {  	_ =	strace $0x90000047  }
0x2b9: {  	s0 =	stileid.u32;
	[bflag:$0x2] =	sbarrier.arrive $0xFFFF  }
0x2ba: {  	p0 =	sne.s32 s0, $0x0;
	s0 =	rddreg [dreg:$0x3]  }
0x2bb: {  	s0 =	sadd.s32 @!p0 $0x100000, s0  }
0x2bc: {  	[sflag:s0] =	ssyncadd.tile.s32 @!p0 $0x1;
	_ =	shalt  }
.Lfunc_end2:
_tile_overlayer_lowered:
.L_overlay_start_2:
0x2bd: {  	(tag) =	ssettag $0x2  }
0x2be: {  	s0 =	rddreg [dreg:$0x0];
	s2 =	stileid.u32  }
0x2bf: {  	s1 =	rddreg [dreg:$0x1];
	p0 =	sne.s32 s2, $0x0  }
0x2c0: {  	s3 =	rddreg [dreg:$0x2];
	[bflag:$0x3] =	sbarrier.arrive $0xFFFF;
	s2 =	simm.s32 @!p0 $0x1C05  }
0x2c1: {  	[timem:s3], [sflag:s2] =	dma.local @!p0 [hbm:s0], s1  }
0x2c2: {  	s0 =	simm.s32 @!p0 $0x5  }
0x2c3: {  	_ =	swait.ge @!p0 [sflag:s0], s1  }
0x2c4: {  	s1 =	ssub.s32 @!p0 $0x0, s1;
	[sflag:s0] =	ssyncset.done @!p0 $0x0  }
0x2c5: {  	[sflag:s0] =	ssyncadd.s32 @!p0 s1  }
0x2c6: {  	[bflag:$0x3] =	sbarrier.arrive $0xFFFF  }
0x2c7: {  	_ =	shalt  }

</sc_bundles>
